<compile_context>
chip_gen: v7x
topology: tpu7x:2x2x1
jax: 0.10.2.dev20260603
libtpu: 0.0.44.dev20260713+nightly
codegen_flags: <defaults>
</compile_context>

<pallas_src>
import jax
import jax.numpy as jnp
from jax import lax
from jax.experimental import pallas as pl
from jax.experimental.pallas import tpu as pltpu
from jax.experimental.pallas import tpu_sc as plsc

B, N, T = 8, 5000, 50
LANES = 16
N_PAD = 5120
CHUNK = N_PAD // 4
T_PAD = 80
N_GROUPS = CHUNK // LANES
NEG_INF = float("-inf")
BIG = 2**30
SLOT = 2 * LANES
PAR = 16 * SLOT


def _sc_body(ps_s_hbm, ps_e_hbm, ts_s_hbm, ts_e_hbm,
             out_idx_hbm, out_val_hbm,
             ps_s_v, ps_e_v, lp_v, ts_s_v, ts_e_v, oidx_v, oval_v,
             stage_v, mrg_v, sh_win, sem, sem_pub, sem_rd):
    c = lax.axis_index("c")
    s = lax.axis_index("s")
    bloc = s // 4
    chunk = s % 4
    b = c * 4 + bloc
    w = b * 4 + chunk
    base_n = chunk * CHUNK

    cp1 = pltpu.make_async_copy(ps_s_hbm.at[w], ps_s_v, sem)
    cp1.start()
    cp2 = pltpu.make_async_copy(ps_e_hbm.at[w], ps_e_v.at[pl.ds(0, CHUNK)],
                                sem)
    cp2.start()
    cp3 = pltpu.make_async_copy(ts_s_hbm.at[b], ts_s_v, sem)
    cp3.start()
    cp4 = pltpu.make_async_copy(ts_e_hbm.at[b], ts_e_v, sem)
    cp4.start()

    lane_iota = lax.broadcasted_iota(jnp.int32, (LANES,), 0)
    minus_inf = jnp.float32(NEG_INF)

    stage_v[pl.ds(0, LANES)] = jnp.zeros((LANES,), jnp.float32)
    stage_v[pl.ds(LANES, LANES)] = jnp.zeros((LANES,), jnp.float32)
    pltpu.sync_copy(stage_v, sh_win.at[pl.ds(s * SLOT, SLOT)])
    pltpu.sync_copy(stage_v, sh_win.at[pl.ds(PAR + s * SLOT, SLOT)])

    cp1.wait()
    cp2.wait()
    cp3.wait()
    cp4.wait()

    def init_step(g, _):
        idxv = lane_iota + (base_n + g * LANES)
        ps = ps_s_v[pl.ds(g * LANES, LANES)]
        pe = ps_e_v[pl.ds(g * LANES, LANES)]
        valid = idxv < N
        lp_v[pl.ds(g * LANES, LANES)] = jnp.where(valid, pe - ps, minus_inf)
        ps_e_v[pl.ds(g * LANES, LANES)] = jnp.where(valid, pe, minus_inf)
        return 0

    lax.fori_loop(0, N_GROUPS, init_step, 0, unroll=8)

    def scan_groups(t):
        ts = ts_s_v[pl.ds(t, LANES)][0]
        te = ts_e_v[pl.ds(t, LANES)][0]
        lt = te - ts

        def g_step(g, carry):
            bv, bg = carry
            base = g * LANES
            ps = ps_s_v[pl.ds(base, LANES)]
            pe = ps_e_v[pl.ds(base, LANES)]
            inter = jnp.maximum(
                jnp.minimum(te, pe) - jnp.maximum(ts, ps), 0.0)
            lp = lp_v[pl.ds(base, LANES)]
            union = lt + lp - inter
            iou = inter / jnp.maximum(union, 1e-8)
            enclose = jnp.maximum(te, pe) - jnp.minimum(ts, ps)
            score = iou - (enclose - union) / jnp.maximum(enclose, 1e-8)
            upd = score > bv
            bv = jnp.where(upd, score, bv)
            bg = jnp.where(upd, g, bg)
            return bv, bg

        bv, bg = lax.fori_loop(
            0, N_GROUPS, g_step,
            (jnp.full((LANES,), NEG_INF, jnp.float32),
             jnp.zeros((LANES,), jnp.int32)), unroll=10)
        return bv, bg

    def lane_reduce(bv, bg):
        bi = bg * LANES + lane_iota

        bvf = jnp.maximum(bv, lax.rev(bv, (0,)))
        m = bvf[0]
        for l in range(1, LANES // 2):
            m = jnp.maximum(m, bvf[l])
        cand = jnp.where(bv == m, bi, BIG)
        candf = jnp.minimum(cand, lax.rev(cand, (0,)))
        lidx = candf[0]
        for l in range(1, LANES // 2):
            lidx = jnp.minimum(lidx, candf[l])
        return m, lidx + base_n

    def publish_stage(m, gidx):
        stage_v[pl.ds(0, LANES)] = jnp.full((LANES,), m, jnp.float32)
        stage_v[pl.ds(LANES, LANES)] = jnp.full(
            (LANES,), gidx.astype(jnp.float32), jnp.float32)

    def t_step(t, _):
        bv, bg = scan_groups(t)

        parity = t % 2
        parity_prev = 1 - parity

        @pl.when(t > 0)
        def _():
            pltpu.make_async_copy(
                stage_v,
                sh_win.at[pl.ds(parity_prev * PAR + s * SLOT, SLOT)],
                sem_pub).wait()

        plsc.subcore_barrier()

        roff = parity_prev * PAR + bloc * (4 * SLOT)
        rd = pltpu.make_async_copy(
            sh_win.at[pl.ds(roff, 4 * SLOT)], mrg_v, sem_rd)
        rd.start()
        m, gidx_cand = lane_reduce(bv, bg)
        rd.wait()

        vs = [mrg_v[pl.ds(k * SLOT, LANES)] for k in range(4)]
        ifs = [mrg_v[pl.ds(k * SLOT + LANES, LANES)] for k in range(4)]
        vmx = jnp.maximum(jnp.maximum(vs[0], vs[1]),
                          jnp.maximum(vs[2], vs[3]))
        bigf = jnp.float32(float(BIG))
        cands = [jnp.where(vs[k] == vmx, ifs[k], bigf) for k in range(4)]
        imin = jnp.minimum(jnp.minimum(cands[0], cands[1]),
                           jnp.minimum(cands[2], cands[3]))
        val_prev = vmx[0]
        w_raw = imin[0].astype(jnp.int32)
        w_prev = jnp.where(t > 0, w_raw, jnp.int32(-1))

        @pl.when(jnp.logical_and(t > 0, chunk == 0))
        def _():
            lane0 = lane_iota == 0
            vi = oidx_v[pl.ds(t - 1, LANES)]
            oidx_v[pl.ds(t - 1, LANES)] = jnp.where(lane0, w_prev, vi)
            vv = oval_v[pl.ds(t - 1, LANES)]
            oval_v[pl.ds(t - 1, LANES)] = jnp.where(lane0, val_prev, vv)

        loc = w_prev - base_n
        own = jnp.logical_and(loc >= 0, loc < CHUNK)

        @pl.when(own)
        def _():
            lane0 = lane_iota == 0
            vu = ps_e_v[pl.ds(loc, LANES)]
            ps_e_v[pl.ds(loc, LANES)] = jnp.where(lane0, minus_inf, vu)
            vl = lp_v[pl.ds(loc, LANES)]
            lp_v[pl.ds(loc, LANES)] = jnp.where(lane0, minus_inf, vl)

        publish_stage(m, gidx_cand)

        @pl.when(gidx_cand == w_prev)
        def _():
            m2, gidx2 = lane_reduce(*scan_groups(t))
            publish_stage(m2, gidx2)

        pltpu.make_async_copy(
            stage_v, sh_win.at[pl.ds(parity * PAR + s * SLOT, SLOT)],
            sem_pub).start()
        return 0

    lax.fori_loop(0, T, t_step, 0)

    parity_last = (T - 1) % 2
    pltpu.make_async_copy(
        stage_v, sh_win.at[pl.ds(parity_last * PAR + s * SLOT, SLOT)],
        sem_pub).wait()
    plsc.subcore_barrier()

    @pl.when(chunk == 0)
    def _():
        roff = parity_last * PAR + bloc * (4 * SLOT)
        pltpu.sync_copy(sh_win.at[pl.ds(roff, 4 * SLOT)], mrg_v)
        vs = [mrg_v[pl.ds(k * SLOT, LANES)] for k in range(4)]
        ifs = [mrg_v[pl.ds(k * SLOT + LANES, LANES)] for k in range(4)]
        vmx = jnp.maximum(jnp.maximum(vs[0], vs[1]),
                          jnp.maximum(vs[2], vs[3]))
        bigf = jnp.float32(float(BIG))
        cands = [jnp.where(vs[k] == vmx, ifs[k], bigf) for k in range(4)]
        imin = jnp.minimum(jnp.minimum(cands[0], cands[1]),
                           jnp.minimum(cands[2], cands[3]))
        lane0 = lane_iota == 0
        vi = oidx_v[pl.ds(T - 1, LANES)]
        oidx_v[pl.ds(T - 1, LANES)] = jnp.where(
            lane0, imin[0].astype(jnp.int32), vi)
        vv = oval_v[pl.ds(T - 1, LANES)]
        oval_v[pl.ds(T - 1, LANES)] = jnp.where(lane0, vmx[0], vv)
        pltpu.sync_copy(oidx_v, out_idx_hbm.at[b])
        pltpu.sync_copy(oval_v, out_val_hbm.at[b])


@jax.jit
def kernel(pred_logits, pred_segments, tgt_segments, prediction_duration):
    del pred_logits
    scale = prediction_duration[:, None, None]
    ps = pred_segments * scale
    ts = tgt_segments * scale
    ps_s = jnp.pad(ps[..., 0], ((0, 0), (0, N_PAD - N))).reshape(B * 4, CHUNK)
    ps_e = jnp.pad(ps[..., 1], ((0, 0), (0, N_PAD - N))).reshape(B * 4, CHUNK)
    ts_s = jnp.pad(ts[..., 0], ((0, 0), (0, T_PAD - T)))
    ts_e = jnp.pad(ts[..., 1], ((0, 0), (0, T_PAD - T)))

    mesh = plsc.VectorSubcoreMesh(core_axis_name="c", subcore_axis_name="s")
    run = pl.kernel(
        _sc_body,
        out_type=(jax.ShapeDtypeStruct((B, T_PAD), jnp.int32),
                  jax.ShapeDtypeStruct((B, T_PAD), jnp.float32)),
        mesh=mesh,
        scratch_types=[
            pltpu.VMEM((CHUNK,), jnp.float32),
            pltpu.VMEM((CHUNK + LANES,), jnp.float32),
            pltpu.VMEM((CHUNK + LANES,), jnp.float32),
            pltpu.VMEM((T_PAD,), jnp.float32),
            pltpu.VMEM((T_PAD,), jnp.float32),
            pltpu.VMEM((T_PAD,), jnp.int32),
            pltpu.VMEM((T_PAD,), jnp.float32),
            pltpu.VMEM((SLOT,), jnp.float32),
            pltpu.VMEM((4 * SLOT,), jnp.float32),
            pltpu.VMEM_SHARED((2 * PAR,), jnp.float32),
            pltpu.SemaphoreType.DMA,
            pltpu.SemaphoreType.DMA,
            pltpu.SemaphoreType.DMA,
        ],
    )
    out_idx, out_val = run(ps_s, ps_e, ts_s, ts_e)
    return (out_idx[:, :T].astype(jnp.int64),
            out_val[:, :T])

# --- scband reference (transcript-rebuilt; emitter-appended) ---
"""Pipeline reference for scband-greedy-matcher-20521353741037 (READ-ONLY COPY).

The authoritative reference and input builder live on the scoring server;
editing this copy changes nothing except your own understanding.
"""

import jax, jax.numpy as jnp
import numpy as np


def setup_inputs(seed: int = 0) -> dict:
    key = jax.random.key(seed)
    k1, k2, k3, k4 = jax.random.split(key, 4)
    B, N, T, C = 8, 5000, 50, 80
    pred_logits = jax.random.normal(k1, (B, N, C), dtype=jnp.float32)
    # segments stored as (start, end) in normalized [0,1); sort to guarantee start <= end
    pred_segments = jnp.sort(jax.random.uniform(k2, (B, N, 2), dtype=jnp.float32), axis=-1)
    tgt_segments = jnp.sort(jax.random.uniform(k3, (B, T, 2), dtype=jnp.float32), axis=-1)
    prediction_duration = jax.random.uniform(k4, (B,), dtype=jnp.float32) * 100.0 + 1.0
    return {
        "pred_logits": pred_logits,
        "pred_segments": pred_segments,
        "tgt_segments": tgt_segments,
        "prediction_duration": prediction_duration,
    }


def _generalized_segment_iou(tgt, pred):
    # tgt: [B, T, 2] (start, end); pred: [B, N, 2] -> giou [B, T, N]
    ts = tgt[..., 0:1]  # [B, T, 1]
    te = tgt[..., 1:2]
    ps = pred[..., 0][:, None, :]  # [B, 1, N]
    pe = pred[..., 1][:, None, :]
    inter = jnp.clip(jnp.minimum(te, pe) - jnp.maximum(ts, ps), 0.0)
    lt = te - ts
    lp = pe - ps
    union = lt + lp - inter
    iou = inter / jnp.clip(union, 1e-8)
    enclose = jnp.maximum(te, pe) - jnp.minimum(ts, ps)
    giou = iou - (enclose - union) / jnp.clip(enclose, 1e-8)
    return giou


def reference(pred_logits, pred_segments, tgt_segments, prediction_duration):
    B, N, _ = pred_segments.shape
    T = tgt_segments.shape[1]
    # softmax over class logits (computed as in the original forward)
    out_prob = jax.nn.softmax(pred_logits, axis=-1)
    # scale predicted and target segments by per-sample prediction_duration
    scale = prediction_duration[:, None, None]
    out_segment_scaled = pred_segments * scale
    tgt_segment_scaled = tgt_segments * scale
    giou = _generalized_segment_iou(tgt_segment_scaled, out_segment_scaled)  # [B, T, N]
    # greedy 1-to-1 matching: targets in order each claim their best unused prediction
    used = jnp.zeros((B, N), dtype=bool)
    batch_ar = jnp.arange(B)
    idx_list = []
    val_list = []
    for t in range(T):
        scores = jnp.where(used, -jnp.inf, giou[:, t, :])  # [B, N]
        best = jnp.argmax(scores, axis=1)  # [B]
        val = jnp.take_along_axis(giou[:, t, :], best[:, None], axis=1)[:, 0]
        idx_list.append(best)
        val_list.append(val)
        used = used.at[batch_ar, best].set(True)
    pred_idx = jnp.stack(idx_list, axis=1).astype(jnp.int64)  # [B, T]
    matched_giou = jnp.stack(val_list, axis=1)  # [B, T]
    return pred_idx, matched_giou

if __name__ == "__main__":
    import jax
    _d = setup_inputs()
    print(jax.jit(kernel)(*tuple(_d.values())))

</pallas_src>

<mosaic_0001>
#map = affine_map<(d0, d1) -> (0, 0)>
module attributes {stable_mosaic.version = 14 : i64} {
  func.func @_sc_body(%arg0: i32, %arg1: i32, %arg2: memref<32x1280xf32, #tpu.memory_space<hbm>>, %arg3: memref<32x1280xf32, #tpu.memory_space<hbm>>, %arg4: memref<8x80xf32, #tpu.memory_space<hbm>>, %arg5: memref<8x80xf32, #tpu.memory_space<hbm>>, %arg6: memref<8x80xi32, #tpu.memory_space<hbm>>, %arg7: memref<8x80xf32, #tpu.memory_space<hbm>>, %arg8: memref<1280xf32, #tpu.memory_space<vmem>>, %arg9: memref<1296xf32, #tpu.memory_space<vmem>>, %arg10: memref<1296xf32, #tpu.memory_space<vmem>>, %arg11: memref<80xf32, #tpu.memory_space<vmem>>, %arg12: memref<80xf32, #tpu.memory_space<vmem>>, %arg13: memref<80xi32, #tpu.memory_space<vmem>>, %arg14: memref<80xf32, #tpu.memory_space<vmem>>, %arg15: memref<32xf32, #tpu.memory_space<vmem>>, %arg16: memref<128xf32, #tpu.memory_space<vmem>>, %arg17: memref<1024xf32, #tpu.memory_space<vmem_shared>>, %arg18: memref<!tpu.dma_semaphore, #tpu.memory_space<semaphore_mem>>, %arg19: memref<!tpu.dma_semaphore, #tpu.memory_space<semaphore_mem>>, %arg20: memref<!tpu.dma_semaphore, #tpu.memory_space<semaphore_mem>>) attributes {dimension_semantics = [#tpu.dimension_semantics<core_parallel>, #tpu.dimension_semantics<subcore_parallel>], iteration_bounds = array<i64: 2, 16>, scalar_prefetch = 0 : i64, scratch_operands = 13 : i64, tpu.core_type = #tpu.core_type<sc_vector_subcore>, window_params = [{transform_indices = #map}, {transform_indices = #map}, {transform_indices = #map}, {transform_indices = #map}, {transform_indices = #map}, {transform_indices = #map}]} {
    %jit3A = arith.constant 4 : i32
    %div3A = arith.divsi %arg1, %jit3A : i32
    %sign3A = arith.constant 0 : i32
    %sign3A_0 = arith.cmpi sgt, %arg1, %sign3A : i32
    %sign3A_1 = arith.extui %sign3A_0 : i1 to i32
    %sign3A_2 = arith.constant 0 : i32
    %sign3A_3 = arith.cmpi slt, %arg1, %sign3A_2 : i32
    %sign3A_4 = arith.extui %sign3A_3 : i1 to i32
    %sign3A_5 = arith.subi %sign3A_1, %sign3A_4 : i32
    %sign3A_6 = arith.constant 0 : i32
    %sign3A_7 = arith.cmpi sgt, %jit3A, %sign3A_6 : i32
    %sign3A_8 = arith.extui %sign3A_7 : i1 to i32
    %sign3A_9 = arith.constant 0 : i32
    %sign3A_10 = arith.cmpi slt, %jit3A, %sign3A_9 : i32
    %sign3A_11 = arith.extui %sign3A_10 : i1 to i32
    %sign3A_12 = arith.subi %sign3A_8, %sign3A_11 : i32
    %ne3A = arith.cmpi ne, %sign3A_5, %sign3A_12 : i32
    %rem3A = arith.remsi %arg1, %jit3A : i32
    %ne3A_13 = arith.constant 0 : i32
    %ne3A_14 = arith.cmpi ne, %rem3A, %ne3A_13 : i32
    %and3A = arith.andi %ne3A, %ne3A_14 : i1
    %sub3A = arith.constant 1 : i32
    %sub3A_15 = arith.subi %div3A, %sub3A : i32
    %select_n3A = arith.select %and3A, %sub3A_15, %div3A : i32
    %jit3A_16 = arith.constant 4 : i32
    %eq3A = arith.constant 0 : i32
    %eq3A_17 = arith.cmpi eq, %jit3A_16, %eq3A : i32
    %jit3A_18 = arith.constant 1 : i32
    %select_n3A_19 = arith.select %eq3A_17, %jit3A_18, %jit3A_16 : i32
    %rem3A_20 = arith.remsi %arg1, %select_n3A_19 : i32
    %ne3A_21 = arith.constant 0 : i32
    %ne3A_22 = arith.cmpi ne, %rem3A_20, %ne3A_21 : i32
    %lt3A = arith.constant 0 : i32
    %lt3A_23 = arith.cmpi slt, %rem3A_20, %lt3A : i32
    %lt3A_24 = arith.constant 0 : i32
    %lt3A_25 = arith.cmpi slt, %select_n3A_19, %lt3A_24 : i32
    %ne3A_26 = arith.xori %lt3A_23, %lt3A_25 : i1
    %and3A_27 = arith.andi %ne3A_26, %ne3A_22 : i1
    %add3A = arith.addi %rem3A_20, %select_n3A_19 : i32
    %select_n3A_28 = arith.select %and3A_27, %add3A, %rem3A_20 : i32
    %mul3A = arith.constant 4 : i32
    %mul3A_29 = arith.muli %arg0, %mul3A : i32
    %add3A_30 = arith.addi %mul3A_29, %select_n3A : i32
    %mul3A_31 = arith.constant 4 : i32
    %mul3A_32 = arith.muli %add3A_30, %mul3A_31 : i32
    %add3A_33 = arith.addi %mul3A_32, %select_n3A_28 : i32
    %mul3A_34 = arith.constant 1280 : i32
    %mul3A_35 = arith.muli %select_n3A_28, %mul3A_34 : i32
    %dma_start3A = arith.constant 0 : i32
    %dma_start3A_36 = tpu.memref_slice %arg2[%add3A_33, %dma_start3A] : memref<32x1280xf32, #tpu.memory_space<hbm>> -> memref<1x1280xf32, #tpu.memory_space<hbm>>
    %dma_start3A_37 = tpu.memref_squeeze %dma_start3A_36 : memref<1x1280xf32, #tpu.memory_space<hbm>> -> memref<1280xf32, #tpu.memory_space<hbm>>
    %dma_start3A_38 = arith.constant 0 : i32
    %dma_start3A_39 = tpu.memref_slice %arg2[%add3A_33, %dma_start3A_38] : memref<32x1280xf32, #tpu.memory_space<hbm>> -> memref<1x1280xf32, #tpu.memory_space<hbm>>
    %dma_start3A_40 = tpu.memref_squeeze %dma_start3A_39 : memref<1x1280xf32, #tpu.memory_space<hbm>> -> memref<1280xf32, #tpu.memory_space<hbm>>
    tpu.enqueue_dma source(%dma_start3A_40 : memref<1280xf32, #tpu.memory_space<hbm>>) target(%arg8 : memref<1280xf32, #tpu.memory_space<vmem>>) target_semaphore(%arg18 : memref<!tpu.dma_semaphore, #tpu.memory_space<semaphore_mem>>)
    %dma_start3A_41 = arith.constant 0 : i32
    %dma_start3A_42 = tpu.memref_slice %arg9[%dma_start3A_41] : memref<1296xf32, #tpu.memory_space<vmem>> -> memref<1280xf32, #tpu.memory_space<vmem>>
    %dma_start3A_43 = arith.constant 0 : i32
    %dma_start3A_44 = tpu.memref_slice %arg3[%add3A_33, %dma_start3A_43] : memref<32x1280xf32, #tpu.memory_space<hbm>> -> memref<1x1280xf32, #tpu.memory_space<hbm>>
    %dma_start3A_45 = tpu.memref_squeeze %dma_start3A_44 : memref<1x1280xf32, #tpu.memory_space<hbm>> -> memref<1280xf32, #tpu.memory_space<hbm>>
    %dma_start3A_46 = arith.constant 0 : i32
    %dma_start3A_47 = tpu.memref_slice %arg9[%dma_start3A_46] : memref<1296xf32, #tpu.memory_space<vmem>> -> memref<1280xf32, #tpu.memory_space<vmem>>
    %dma_start3A_48 = arith.constant 0 : i32
    %dma_start3A_49 = tpu.memref_slice %arg3[%add3A_33, %dma_start3A_48] : memref<32x1280xf32, #tpu.memory_space<hbm>> -> memref<1x1280xf32, #tpu.memory_space<hbm>>
    %dma_start3A_50 = tpu.memref_squeeze %dma_start3A_49 : memref<1x1280xf32, #tpu.memory_space<hbm>> -> memref<1280xf32, #tpu.memory_space<hbm>>
    tpu.enqueue_dma source(%dma_start3A_50 : memref<1280xf32, #tpu.memory_space<hbm>>) target(%dma_start3A_47 : memref<1280xf32, #tpu.memory_space<vmem>>) target_semaphore(%arg18 : memref<!tpu.dma_semaphore, #tpu.memory_space<semaphore_mem>>)
    %dma_start3A_51 = arith.constant 0 : i32
    %dma_start3A_52 = tpu.memref_slice %arg4[%add3A_30, %dma_start3A_51] : memref<8x80xf32, #tpu.memory_space<hbm>> -> memref<1x80xf32, #tpu.memory_space<hbm>>
    %dma_start3A_53 = tpu.memref_squeeze %dma_start3A_52 : memref<1x80xf32, #tpu.memory_space<hbm>> -> memref<80xf32, #tpu.memory_space<hbm>>
    %dma_start3A_54 = arith.constant 0 : i32
    %dma_start3A_55 = tpu.memref_slice %arg4[%add3A_30, %dma_start3A_54] : memref<8x80xf32, #tpu.memory_space<hbm>> -> memref<1x80xf32, #tpu.memory_space<hbm>>
    %dma_start3A_56 = tpu.memref_squeeze %dma_start3A_55 : memref<1x80xf32, #tpu.memory_space<hbm>> -> memref<80xf32, #tpu.memory_space<hbm>>
    tpu.enqueue_dma source(%dma_start3A_56 : memref<80xf32, #tpu.memory_space<hbm>>) target(%arg11 : memref<80xf32, #tpu.memory_space<vmem>>) target_semaphore(%arg18 : memref<!tpu.dma_semaphore, #tpu.memory_space<semaphore_mem>>)
    %dma_start3A_57 = arith.constant 0 : i32
    %dma_start3A_58 = tpu.memref_slice %arg5[%add3A_30, %dma_start3A_57] : memref<8x80xf32, #tpu.memory_space<hbm>> -> memref<1x80xf32, #tpu.memory_space<hbm>>
    %dma_start3A_59 = tpu.memref_squeeze %dma_start3A_58 : memref<1x80xf32, #tpu.memory_space<hbm>> -> memref<80xf32, #tpu.memory_space<hbm>>
    %dma_start3A_60 = arith.constant 0 : i32
    %dma_start3A_61 = tpu.memref_slice %arg5[%add3A_30, %dma_start3A_60] : memref<8x80xf32, #tpu.memory_space<hbm>> -> memref<1x80xf32, #tpu.memory_space<hbm>>
    %dma_start3A_62 = tpu.memref_squeeze %dma_start3A_61 : memref<1x80xf32, #tpu.memory_space<hbm>> -> memref<80xf32, #tpu.memory_space<hbm>>
    tpu.enqueue_dma source(%dma_start3A_62 : memref<80xf32, #tpu.memory_space<hbm>>) target(%arg12 : memref<80xf32, #tpu.memory_space<vmem>>) target_semaphore(%arg18 : memref<!tpu.dma_semaphore, #tpu.memory_space<semaphore_mem>>)
    %iota3A = tpu.iota {dimensions = array<i32: 0>} : vector<16xi32>
    %broadcast_in_dim3A = arith.constant 0.000000e+00 : f32
    %broadcast_in_dim3A_63 = vector.broadcast %broadcast_in_dim3A : f32 to vector<16xf32>
    %swap3A = arith.constant 0 : index
    %swap3A_64 = tpu.vector_load %arg15[%swap3A] {strides = array<i32>} : memref<32xf32, #tpu.memory_space<vmem>>, vector<16xf32>,
    %swap3A_65 = vector.shape_cast %swap3A_64 : vector<16xf32> to vector<16xf32>
    %swap3A_66 = vector.shape_cast %broadcast_in_dim3A_63 : vector<16xf32> to vector<16xf32>
    tpu.vector_store %arg15[%swap3A], %swap3A_66 {strides = array<i32>} : memref<32xf32, #tpu.memory_space<vmem>>, vector<16xf32>,
    %broadcast_in_dim3A_67 = arith.constant 0.000000e+00 : f32
    %broadcast_in_dim3A_68 = vector.broadcast %broadcast_in_dim3A_67 : f32 to vector<16xf32>
    %swap3A_69 = arith.constant 16 : index
    %swap3A_70 = tpu.vector_load %arg15[%swap3A_69] {strides = array<i32>} : memref<32xf32, #tpu.memory_space<vmem>>, vector<16xf32>,
    %swap3A_71 = vector.shape_cast %swap3A_70 : vector<16xf32> to vector<16xf32>
    %swap3A_72 = vector.shape_cast %broadcast_in_dim3A_68 : vector<16xf32> to vector<16xf32>
    tpu.vector_store %arg15[%swap3A_69], %swap3A_72 {strides = array<i32>} : memref<32xf32, #tpu.memory_space<vmem>>, vector<16xf32>,
    %mul3A_73 = arith.constant 32 : i32
    %mul3A_74 = arith.muli %arg1, %mul3A_73 : i32
    "tpu.region"() ({
      %run_scoped3A = tpu.sem_alloc : memref<!tpu.dma_semaphore, #tpu.memory_space<semaphore_mem>>
      %dma_start3A_130 = tpu.memref_slice %arg17[%mul3A_74] : memref<1024xf32, #tpu.memory_space<vmem_shared>> -> memref<32xf32, #tpu.memory_space<vmem_shared>>
      %dma_start3A_131 = tpu.memref_slice %arg17[%mul3A_74] : memref<1024xf32, #tpu.memory_space<vmem_shared>> -> memref<32xf32, #tpu.memory_space<vmem_shared>>
      tpu.enqueue_dma source(%arg15 : memref<32xf32, #tpu.memory_space<vmem>>) target(%dma_start3A_131 : memref<32xf32, #tpu.memory_space<vmem_shared>>) target_semaphore(%run_scoped3A : memref<!tpu.dma_semaphore, #tpu.memory_space<semaphore_mem>>)
      %dma_wait3A_132 = tpu.memref_slice %arg17[%mul3A_74] : memref<1024xf32, #tpu.memory_space<vmem_shared>> -> memref<32xf32, #tpu.memory_space<vmem_shared>>
      %dma_wait3A_133 = tpu.memref_slice %arg17[%mul3A_74] : memref<1024xf32, #tpu.memory_space<vmem_shared>> -> memref<32xf32, #tpu.memory_space<vmem_shared>>
      tpu.wait_dma2 semaphore(%run_scoped3A : memref<!tpu.dma_semaphore, #tpu.memory_space<semaphore_mem>>) src(%arg15 : memref<32xf32, #tpu.memory_space<vmem>>) dst(%dma_wait3A_133 : memref<32xf32, #tpu.memory_space<vmem_shared>>)
      tpu.yield
    }) : () -> ()
    %mul3A_75 = arith.constant 32 : i32
    %mul3A_76 = arith.muli %arg1, %mul3A_75 : i32
    %add3A_77 = arith.constant 512 : i32
    %add3A_78 = arith.addi %add3A_77, %mul3A_76 : i32
    "tpu.region"() ({
      %run_scoped3A = tpu.sem_alloc : memref<!tpu.dma_semaphore, #tpu.memory_space<semaphore_mem>>
      %dma_start3A_130 = tpu.memref_slice %arg17[%add3A_78] : memref<1024xf32, #tpu.memory_space<vmem_shared>> -> memref<32xf32, #tpu.memory_space<vmem_shared>>
      %dma_start3A_131 = tpu.memref_slice %arg17[%add3A_78] : memref<1024xf32, #tpu.memory_space<vmem_shared>> -> memref<32xf32, #tpu.memory_space<vmem_shared>>
      tpu.enqueue_dma source(%arg15 : memref<32xf32, #tpu.memory_space<vmem>>) target(%dma_start3A_131 : memref<32xf32, #tpu.memory_space<vmem_shared>>) target_semaphore(%run_scoped3A : memref<!tpu.dma_semaphore, #tpu.memory_space<semaphore_mem>>)
      %dma_wait3A_132 = tpu.memref_slice %arg17[%add3A_78] : memref<1024xf32, #tpu.memory_space<vmem_shared>> -> memref<32xf32, #tpu.memory_space<vmem_shared>>
      %dma_wait3A_133 = tpu.memref_slice %arg17[%add3A_78] : memref<1024xf32, #tpu.memory_space<vmem_shared>> -> memref<32xf32, #tpu.memory_space<vmem_shared>>
      tpu.wait_dma2 semaphore(%run_scoped3A : memref<!tpu.dma_semaphore, #tpu.memory_space<semaphore_mem>>) src(%arg15 : memref<32xf32, #tpu.memory_space<vmem>>) dst(%dma_wait3A_133 : memref<32xf32, #tpu.memory_space<vmem_shared>>)
      tpu.yield
    }) : () -> ()
    %dma_wait3A = arith.constant 0 : i32
    %dma_wait3A_79 = tpu.memref_slice %arg2[%add3A_33, %dma_wait3A] : memref<32x1280xf32, #tpu.memory_space<hbm>> -> memref<1x1280xf32, #tpu.memory_space<hbm>>
    %dma_wait3A_80 = tpu.memref_squeeze %dma_wait3A_79 : memref<1x1280xf32, #tpu.memory_space<hbm>> -> memref<1280xf32, #tpu.memory_space<hbm>>
    %dma_wait3A_81 = arith.constant 0 : i32
    %dma_wait3A_82 = tpu.memref_slice %arg2[%add3A_33, %dma_wait3A_81] : memref<32x1280xf32, #tpu.memory_space<hbm>> -> memref<1x1280xf32, #tpu.memory_space<hbm>>
    %dma_wait3A_83 = tpu.memref_squeeze %dma_wait3A_82 : memref<1x1280xf32, #tpu.memory_space<hbm>> -> memref<1280xf32, #tpu.memory_space<hbm>>
    tpu.wait_dma2 semaphore(%arg18 : memref<!tpu.dma_semaphore, #tpu.memory_space<semaphore_mem>>) src(%dma_wait3A_83 : memref<1280xf32, #tpu.memory_space<hbm>>) dst(%arg8 : memref<1280xf32, #tpu.memory_space<vmem>>)
    %dma_wait3A_84 = arith.constant 0 : i32
    %dma_wait3A_85 = tpu.memref_slice %arg9[%dma_wait3A_84] : memref<1296xf32, #tpu.memory_space<vmem>> -> memref<1280xf32, #tpu.memory_space<vmem>>
    %dma_wait3A_86 = arith.constant 0 : i32
    %dma_wait3A_87 = tpu.memref_slice %arg3[%add3A_33, %dma_wait3A_86] : memref<32x1280xf32, #tpu.memory_space<hbm>> -> memref<1x1280xf32, #tpu.memory_space<hbm>>
    %dma_wait3A_88 = tpu.memref_squeeze %dma_wait3A_87 : memref<1x1280xf32, #tpu.memory_space<hbm>> -> memref<1280xf32, #tpu.memory_space<hbm>>
    %dma_wait3A_89 = arith.constant 0 : i32
    %dma_wait3A_90 = tpu.memref_slice %arg9[%dma_wait3A_89] : memref<1296xf32, #tpu.memory_space<vmem>> -> memref<1280xf32, #tpu.memory_space<vmem>>
    %dma_wait3A_91 = arith.constant 0 : i32
    %dma_wait3A_92 = tpu.memref_slice %arg3[%add3A_33, %dma_wait3A_91] : memref<32x1280xf32, #tpu.memory_space<hbm>> -> memref<1x1280xf32, #tpu.memory_space<hbm>>
    %dma_wait3A_93 = tpu.memref_squeeze %dma_wait3A_92 : memref<1x1280xf32, #tpu.memory_space<hbm>> -> memref<1280xf32, #tpu.memory_space<hbm>>
    tpu.wait_dma2 semaphore(%arg18 : memref<!tpu.dma_semaphore, #tpu.memory_space<semaphore_mem>>) src(%dma_wait3A_93 : memref<1280xf32, #tpu.memory_space<hbm>>) dst(%dma_wait3A_90 : memref<1280xf32, #tpu.memory_space<vmem>>)
    %dma_wait3A_94 = arith.constant 0 : i32
    %dma_wait3A_95 = tpu.memref_slice %arg4[%add3A_30, %dma_wait3A_94] : memref<8x80xf32, #tpu.memory_space<hbm>> -> memref<1x80xf32, #tpu.memory_space<hbm>>
    %dma_wait3A_96 = tpu.memref_squeeze %dma_wait3A_95 : memref<1x80xf32, #tpu.memory_space<hbm>> -> memref<80xf32, #tpu.memory_space<hbm>>
    %dma_wait3A_97 = arith.constant 0 : i32
    %dma_wait3A_98 = tpu.memref_slice %arg4[%add3A_30, %dma_wait3A_97] : memref<8x80xf32, #tpu.memory_space<hbm>> -> memref<1x80xf32, #tpu.memory_space<hbm>>
    %dma_wait3A_99 = tpu.memref_squeeze %dma_wait3A_98 : memref<1x80xf32, #tpu.memory_space<hbm>> -> memref<80xf32, #tpu.memory_space<hbm>>
    tpu.wait_dma2 semaphore(%arg18 : memref<!tpu.dma_semaphore, #tpu.memory_space<semaphore_mem>>) src(%dma_wait3A_99 : memref<80xf32, #tpu.memory_space<hbm>>) dst(%arg11 : memref<80xf32, #tpu.memory_space<vmem>>)
    %dma_wait3A_100 = arith.constant 0 : i32
    %dma_wait3A_101 = tpu.memref_slice %arg5[%add3A_30, %dma_wait3A_100] : memref<8x80xf32, #tpu.memory_space<hbm>> -> memref<1x80xf32, #tpu.memory_space<hbm>>
    %dma_wait3A_102 = tpu.memref_squeeze %dma_wait3A_101 : memref<1x80xf32, #tpu.memory_space<hbm>> -> memref<80xf32, #tpu.memory_space<hbm>>
    %dma_wait3A_103 = arith.constant 0 : i32
    %dma_wait3A_104 = tpu.memref_slice %arg5[%add3A_30, %dma_wait3A_103] : memref<8x80xf32, #tpu.memory_space<hbm>> -> memref<1x80xf32, #tpu.memory_space<hbm>>
    %dma_wait3A_105 = tpu.memref_squeeze %dma_wait3A_104 : memref<1x80xf32, #tpu.memory_space<hbm>> -> memref<80xf32, #tpu.memory_space<hbm>>
    tpu.wait_dma2 semaphore(%arg18 : memref<!tpu.dma_semaphore, #tpu.memory_space<semaphore_mem>>) src(%dma_wait3A_105 : memref<80xf32, #tpu.memory_space<hbm>>) dst(%arg12 : memref<80xf32, #tpu.memory_space<vmem>>)
    %scan3A = arith.constant 0xFF800000 : f32
    %scan3A_106 = arith.constant 0 : i32
    %scan3A_107 = arith.constant 0 : i32
    %scan3A_108 = arith.constant 80 : i32
    %scan3A_109 = arith.addi %scan3A_107, %scan3A_108 : i32
    %scan3A_110 = arith.constant 8 : i32
    %scan3A_111 = scf.for %scan3A_130 = %scan3A_107 to %scan3A_109 step %scan3A_110 iter_args(%scan3A_131 = %scan3A_106) -> (i32)  : i32 {
      %mul3A_132 = arith.constant 16 : i32
      %mul3A_133 = arith.muli %scan3A_130, %mul3A_132 : i32
      %add3A_134 = arith.addi %mul3A_35, %mul3A_133 : i32
      %add3A_135 = vector.broadcast %add3A_134 : i32 to vector<16xi32>
      %add3A_136 = arith.addi %iota3A, %add3A_135 : vector<16xi32>
      %mul3A_137 = arith.constant 16 : i32
      %mul3A_138 = arith.muli %scan3A_130, %mul3A_137 : i32
      %get3A = arith.index_cast %mul3A_138 : i32 to index
      %get3A_139 = tpu.vector_load %arg8[%get3A] {strides = array<i32>} : memref<1280xf32, #tpu.memory_space<vmem>>, vector<16xf32>,
      %get3A_140 = vector.shape_cast %get3A_139 : vector<16xf32> to vector<16xf32>
      %mul3A_141 = arith.constant 16 : i32
      %mul3A_142 = arith.muli %scan3A_130, %mul3A_141 : i32
      %get3A_143 = arith.index_cast %mul3A_142 : i32 to index
      %get3A_144 = tpu.vector_load %arg9[%get3A_143] {strides = array<i32>} : memref<1296xf32, #tpu.memory_space<vmem>>, vector<16xf32>,
      %get3A_145 = vector.shape_cast %get3A_144 : vector<16xf32> to vector<16xf32>
      %lt3A_146 = arith.constant 5000 : i32
      %lt3A_147 = vector.broadcast %lt3A_146 : i32 to vector<16xi32>
      %lt3A_148 = arith.cmpi slt, %add3A_136, %lt3A_147 : vector<16xi32>
      %sub3A_149 = arith.subf %get3A_145, %get3A_140 : vector<16xf32>
      %broadcast_in_dim3A_150 = vector.broadcast %scan3A : f32 to vector<16xf32>
      %select_n3A_151 = arith.select %lt3A_148, %sub3A_149, %broadcast_in_dim3A_150 : vector<16xi1>, vector<16xf32>
      %mul3A_152 = arith.constant 16 : i32
      %mul3A_153 = arith.muli %scan3A_130, %mul3A_152 : i32
      %swap3A_154 = arith.index_cast %mul3A_153 : i32 to index
      %swap3A_155 = tpu.vector_load %arg10[%swap3A_154] {strides = array<i32>} : memref<1296xf32, #tpu.memory_space<vmem>>, vector<16xf32>,
      %swap3A_156 = vector.shape_cast %swap3A_155 : vector<16xf32> to vector<16xf32>
      %swap3A_157 = vector.shape_cast %select_n3A_151 : vector<16xf32> to vector<16xf32>
      tpu.vector_store %arg10[%swap3A_154], %swap3A_157 {strides = array<i32>} : memref<1296xf32, #tpu.memory_space<vmem>>, vector<16xf32>,
      %broadcast_in_dim3A_158 = vector.broadcast %scan3A : f32 to vector<16xf32>
      %select_n3A_159 = arith.select %lt3A_148, %get3A_145, %broadcast_in_dim3A_158 : vector<16xi1>, vector<16xf32>
      %mul3A_160 = arith.constant 16 : i32
      %mul3A_161 = arith.muli %scan3A_130, %mul3A_160 : i32
      %swap3A_162 = arith.index_cast %mul3A_161 : i32 to index
      %swap3A_163 = tpu.vector_load %arg9[%swap3A_162] {strides = array<i32>} : memref<1296xf32, #tpu.memory_space<vmem>>, vector<16xf32>,
      %swap3A_164 = vector.shape_cast %swap3A_163 : vector<16xf32> to vector<16xf32>
      %swap3A_165 = vector.shape_cast %select_n3A_159 : vector<16xf32> to vector<16xf32>
      tpu.vector_store %arg9[%swap3A_162], %swap3A_165 {strides = array<i32>} : memref<1296xf32, #tpu.memory_space<vmem>>, vector<16xf32>,
      %scan3A_166 = arith.constant 0 : i32
      %scan3A_167 = arith.constant 1 : i32
      %scan3A_168 = arith.addi %scan3A_130, %scan3A_167 : i32
      %mul3A_169 = arith.constant 16 : i32
      %mul3A_170 = arith.muli %scan3A_168, %mul3A_169 : i32
      %add3A_171 = arith.addi %mul3A_35, %mul3A_170 : i32
      %add3A_172 = vector.broadcast %add3A_171 : i32 to vector<16xi32>
      %add3A_173 = arith.addi %iota3A, %add3A_172 : vector<16xi32>
      %mul3A_174 = arith.constant 16 : i32
      %mul3A_175 = arith.muli %scan3A_168, %mul3A_174 : i32
      %get3A_176 = arith.index_cast %mul3A_175 : i32 to index
      %get3A_177 = tpu.vector_load %arg8[%get3A_176] {strides = array<i32>} : memref<1280xf32, #tpu.memory_space<vmem>>, vector<16xf32>,
      %get3A_178 = vector.shape_cast %get3A_177 : vector<16xf32> to vector<16xf32>
      %mul3A_179 = arith.constant 16 : i32
      %mul3A_180 = arith.muli %scan3A_168, %mul3A_179 : i32
      %get3A_181 = arith.index_cast %mul3A_180 : i32 to index
      %get3A_182 = tpu.vector_load %arg9[%get3A_181] {strides = array<i32>} : memref<1296xf32, #tpu.memory_space<vmem>>, vector<16xf32>,
      %get3A_183 = vector.shape_cast %get3A_182 : vector<16xf32> to vector<16xf32>
      %lt3A_184 = arith.constant 5000 : i32
      %lt3A_185 = vector.broadcast %lt3A_184 : i32 to vector<16xi32>
      %lt3A_186 = arith.cmpi slt, %add3A_173, %lt3A_185 : vector<16xi32>
      %sub3A_187 = arith.subf %get3A_183, %get3A_178 : vector<16xf32>
      %broadcast_in_dim3A_188 = vector.broadcast %scan3A : f32 to vector<16xf32>
      %select_n3A_189 = arith.select %lt3A_186, %sub3A_187, %broadcast_in_dim3A_188 : vector<16xi1>, vector<16xf32>
      %mul3A_190 = arith.constant 16 : i32
      %mul3A_191 = arith.muli %scan3A_168, %mul3A_190 : i32
      %swap3A_192 = arith.index_cast %mul3A_191 : i32 to index
      %swap3A_193 = tpu.vector_load %arg10[%swap3A_192] {strides = array<i32>} : memref<1296xf32, #tpu.memory_space<vmem>>, vector<16xf32>,
      %swap3A_194 = vector.shape_cast %swap3A_193 : vector<16xf32> to vector<16xf32>
      %swap3A_195 = vector.shape_cast %select_n3A_189 : vector<16xf32> to vector<16xf32>
      tpu.vector_store %arg10[%swap3A_192], %swap3A_195 {strides = array<i32>} : memref<1296xf32, #tpu.memory_space<vmem>>, vector<16xf32>,
      %broadcast_in_dim3A_196 = vector.broadcast %scan3A : f32 to vector<16xf32>
      %select_n3A_197 = arith.select %lt3A_186, %get3A_183, %broadcast_in_dim3A_196 : vector<16xi1>, vector<16xf32>
      %mul3A_198 = arith.constant 16 : i32
      %mul3A_199 = arith.muli %scan3A_168, %mul3A_198 : i32
      %swap3A_200 = arith.index_cast %mul3A_199 : i32 to index
      %swap3A_201 = tpu.vector_load %arg9[%swap3A_200] {strides = array<i32>} : memref<1296xf32, #tpu.memory_space<vmem>>, vector<16xf32>,
      %swap3A_202 = vector.shape_cast %swap3A_201 : vector<16xf32> to vector<16xf32>
      %swap3A_203 = vector.shape_cast %select_n3A_197 : vector<16xf32> to vector<16xf32>
      tpu.vector_store %arg9[%swap3A_200], %swap3A_203 {strides = array<i32>} : memref<1296xf32, #tpu.memory_space<vmem>>, vector<16xf32>,
      %scan3A_204 = arith.constant 0 : i32
      %scan3A_205 = arith.constant 2 : i32
      %scan3A_206 = arith.addi %scan3A_130, %scan3A_205 : i32
      %mul3A_207 = arith.constant 16 : i32
      %mul3A_208 = arith.muli %scan3A_206, %mul3A_207 : i32
      %add3A_209 = arith.addi %mul3A_35, %mul3A_208 : i32
      %add3A_210 = vector.broadcast %add3A_209 : i32 to vector<16xi32>
      %add3A_211 = arith.addi %iota3A, %add3A_210 : vector<16xi32>
      %mul3A_212 = arith.constant 16 : i32
      %mul3A_213 = arith.muli %scan3A_206, %mul3A_212 : i32
      %get3A_214 = arith.index_cast %mul3A_213 : i32 to index
      %get3A_215 = tpu.vector_load %arg8[%get3A_214] {strides = array<i32>} : memref<1280xf32, #tpu.memory_space<vmem>>, vector<16xf32>,
      %get3A_216 = vector.shape_cast %get3A_215 : vector<16xf32> to vector<16xf32>
      %mul3A_217 = arith.constant 16 : i32
      %mul3A_218 = arith.muli %scan3A_206, %mul3A_217 : i32
      %get3A_219 = arith.index_cast %mul3A_218 : i32 to index
      %get3A_220 = tpu.vector_load %arg9[%get3A_219] {strides = array<i32>} : memref<1296xf32, #tpu.memory_space<vmem>>, vector<16xf32>,
      %get3A_221 = vector.shape_cast %get3A_220 : vector<16xf32> to vector<16xf32>
      %lt3A_222 = arith.constant 5000 : i32
      %lt3A_223 = vector.broadcast %lt3A_222 : i32 to vector<16xi32>
      %lt3A_224 = arith.cmpi slt, %add3A_211, %lt3A_223 : vector<16xi32>
      %sub3A_225 = arith.subf %get3A_221, %get3A_216 : vector<16xf32>
      %broadcast_in_dim3A_226 = vector.broadcast %scan3A : f32 to vector<16xf32>
      %select_n3A_227 = arith.select %lt3A_224, %sub3A_225, %broadcast_in_dim3A_226 : vector<16xi1>, vector<16xf32>
      %mul3A_228 = arith.constant 16 : i32
      %mul3A_229 = arith.muli %scan3A_206, %mul3A_228 : i32
      %swap3A_230 = arith.index_cast %mul3A_229 : i32 to index
      %swap3A_231 = tpu.vector_load %arg10[%swap3A_230] {strides = array<i32>} : memref<1296xf32, #tpu.memory_space<vmem>>, vector<16xf32>,
      %swap3A_232 = vector.shape_cast %swap3A_231 : vector<16xf32> to vector<16xf32>
      %swap3A_233 = vector.shape_cast %select_n3A_227 : vector<16xf32> to vector<16xf32>
      tpu.vector_store %arg10[%swap3A_230], %swap3A_233 {strides = array<i32>} : memref<1296xf32, #tpu.memory_space<vmem>>, vector<16xf32>,
      %broadcast_in_dim3A_234 = vector.broadcast %scan3A : f32 to vector<16xf32>
      %select_n3A_235 = arith.select %lt3A_224, %get3A_221, %broadcast_in_dim3A_234 : vector<16xi1>, vector<16xf32>
      %mul3A_236 = arith.constant 16 : i32
      %mul3A_237 = arith.muli %scan3A_206, %mul3A_236 : i32
      %swap3A_238 = arith.index_cast %mul3A_237 : i32 to index
      %swap3A_239 = tpu.vector_load %arg9[%swap3A_238] {strides = array<i32>} : memref<1296xf32, #tpu.memory_space<vmem>>, vector<16xf32>,
      %swap3A_240 = vector.shape_cast %swap3A_239 : vector<16xf32> to vector<16xf32>
      %swap3A_241 = vector.shape_cast %select_n3A_235 : vector<16xf32> to vector<16xf32>
      tpu.vector_store %arg9[%swap3A_238], %swap3A_241 {strides = array<i32>} : memref<1296xf32, #tpu.memory_space<vmem>>, vector<16xf32>,
      %scan3A_242 = arith.constant 0 : i32
      %scan3A_243 = arith.constant 3 : i32
      %scan3A_244 = arith.addi %scan3A_130, %scan3A_243 : i32
      %mul3A_245 = arith.constant 16 : i32
      %mul3A_246 = arith.muli %scan3A_244, %mul3A_245 : i32
      %add3A_247 = arith.addi %mul3A_35, %mul3A_246 : i32
      %add3A_248 = vector.broadcast %add3A_247 : i32 to vector<16xi32>
      %add3A_249 = arith.addi %iota3A, %add3A_248 : vector<16xi32>
      %mul3A_250 = arith.constant 16 : i32
      %mul3A_251 = arith.muli %scan3A_244, %mul3A_250 : i32
      %get3A_252 = arith.index_cast %mul3A_251 : i32 to index
      %get3A_253 = tpu.vector_load %arg8[%get3A_252] {strides = array<i32>} : memref<1280xf32, #tpu.memory_space<vmem>>, vector<16xf32>,
      %get3A_254 = vector.shape_cast %get3A_253 : vector<16xf32> to vector<16xf32>
      %mul3A_255 = arith.constant 16 : i32
      %mul3A_256 = arith.muli %scan3A_244, %mul3A_255 : i32
      %get3A_257 = arith.index_cast %mul3A_256 : i32 to index
      %get3A_258 = tpu.vector_load %arg9[%get3A_257] {strides = array<i32>} : memref<1296xf32, #tpu.memory_space<vmem>>, vector<16xf32>,
      %get3A_259 = vector.shape_cast %get3A_258 : vector<16xf32> to vector<16xf32>
      %lt3A_260 = arith.constant 5000 : i32
      %lt3A_261 = vector.broadcast %lt3A_260 : i32 to vector<16xi32>
      %lt3A_262 = arith.cmpi slt, %add3A_249, %lt3A_261 : vector<16xi32>
      %sub3A_263 = arith.subf %get3A_259, %get3A_254 : vector<16xf32>
      %broadcast_in_dim3A_264 = vector.broadcast %scan3A : f32 to vector<16xf32>
      %select_n3A_265 = arith.select %lt3A_262, %sub3A_263, %broadcast_in_dim3A_264 : vector<16xi1>, vector<16xf32>
      %mul3A_266 = arith.constant 16 : i32
      %mul3A_267 = arith.muli %scan3A_244, %mul3A_266 : i32
      %swap3A_268 = arith.index_cast %mul3A_267 : i32 to index
      %swap3A_269 = tpu.vector_load %arg10[%swap3A_268] {strides = array<i32>} : memref<1296xf32, #tpu.memory_space<vmem>>, vector<16xf32>,
      %swap3A_270 = vector.shape_cast %swap3A_269 : vector<16xf32> to vector<16xf32>
      %swap3A_271 = vector.shape_cast %select_n3A_265 : vector<16xf32> to vector<16xf32>
      tpu.vector_store %arg10[%swap3A_268], %swap3A_271 {strides = array<i32>} : memref<1296xf32, #tpu.memory_space<vmem>>, vector<16xf32>,
      %broadcast_in_dim3A_272 = vector.broadcast %scan3A : f32 to vector<16xf32>
      %select_n3A_273 = arith.select %lt3A_262, %get3A_259, %broadcast_in_dim3A_272 : vector<16xi1>, vector<16xf32>
      %mul3A_274 = arith.constant 16 : i32
      %mul3A_275 = arith.muli %scan3A_244, %mul3A_274 : i32
      %swap3A_276 = arith.index_cast %mul3A_275 : i32 to index
      %swap3A_277 = tpu.vector_load %arg9[%swap3A_276] {strides = array<i32>} : memref<1296xf32, #tpu.memory_space<vmem>>, vector<16xf32>,
      %swap3A_278 = vector.shape_cast %swap3A_277 : vector<16xf32> to vector<16xf32>
      %swap3A_279 = vector.shape_cast %select_n3A_273 : vector<16xf32> to vector<16xf32>
      tpu.vector_store %arg9[%swap3A_276], %swap3A_279 {strides = array<i32>} : memref<1296xf32, #tpu.memory_space<vmem>>, vector<16xf32>,
      %scan3A_280 = arith.constant 0 : i32
      %scan3A_281 = arith.constant 4 : i32
      %scan3A_282 = arith.addi %scan3A_130, %scan3A_281 : i32
      %mul3A_283 = arith.constant 16 : i32
      %mul3A_284 = arith.muli %scan3A_282, %mul3A_283 : i32
      %add3A_285 = arith.addi %mul3A_35, %mul3A_284 : i32
      %add3A_286 = vector.broadcast %add3A_285 : i32 to vector<16xi32>
      %add3A_287 = arith.addi %iota3A, %add3A_286 : vector<16xi32>
      %mul3A_288 = arith.constant 16 : i32
      %mul3A_289 = arith.muli %scan3A_282, %mul3A_288 : i32
      %get3A_290 = arith.index_cast %mul3A_289 : i32 to index
      %get3A_291 = tpu.vector_load %arg8[%get3A_290] {strides = array<i32>} : memref<1280xf32, #tpu.memory_space<vmem>>, vector<16xf32>,
      %get3A_292 = vector.shape_cast %get3A_291 : vector<16xf32> to vector<16xf32>
      %mul3A_293 = arith.constant 16 : i32
      %mul3A_294 = arith.muli %scan3A_282, %mul3A_293 : i32
      %get3A_295 = arith.index_cast %mul3A_294 : i32 to index
      %get3A_296 = tpu.vector_load %arg9[%get3A_295] {strides = array<i32>} : memref<1296xf32, #tpu.memory_space<vmem>>, vector<16xf32>,
      %get3A_297 = vector.shape_cast %get3A_296 : vector<16xf32> to vector<16xf32>
      %lt3A_298 = arith.constant 5000 : i32
      %lt3A_299 = vector.broadcast %lt3A_298 : i32 to vector<16xi32>
      %lt3A_300 = arith.cmpi slt, %add3A_287, %lt3A_299 : vector<16xi32>
      %sub3A_301 = arith.subf %get3A_297, %get3A_292 : vector<16xf32>
      %broadcast_in_dim3A_302 = vector.broadcast %scan3A : f32 to vector<16xf32>
      %select_n3A_303 = arith.select %lt3A_300, %sub3A_301, %broadcast_in_dim3A_302 : vector<16xi1>, vector<16xf32>
      %mul3A_304 = arith.constant 16 : i32
      %mul3A_305 = arith.muli %scan3A_282, %mul3A_304 : i32
      %swap3A_306 = arith.index_cast %mul3A_305 : i32 to index
      %swap3A_307 = tpu.vector_load %arg10[%swap3A_306] {strides = array<i32>} : memref<1296xf32, #tpu.memory_space<vmem>>, vector<16xf32>,
      %swap3A_308 = vector.shape_cast %swap3A_307 : vector<16xf32> to vector<16xf32>
      %swap3A_309 = vector.shape_cast %select_n3A_303 : vector<16xf32> to vector<16xf32>
      tpu.vector_store %arg10[%swap3A_306], %swap3A_309 {strides = array<i32>} : memref<1296xf32, #tpu.memory_space<vmem>>, vector<16xf32>,
      %broadcast_in_dim3A_310 = vector.broadcast %scan3A : f32 to vector<16xf32>
      %select_n3A_311 = arith.select %lt3A_300, %get3A_297, %broadcast_in_dim3A_310 : vector<16xi1>, vector<16xf32>
      %mul3A_312 = arith.constant 16 : i32
      %mul3A_313 = arith.muli %scan3A_282, %mul3A_312 : i32
      %swap3A_314 = arith.index_cast %mul3A_313 : i32 to index
      %swap3A_315 = tpu.vector_load %arg9[%swap3A_314] {strides = array<i32>} : memref<1296xf32, #tpu.memory_space<vmem>>, vector<16xf32>,
      %swap3A_316 = vector.shape_cast %swap3A_315 : vector<16xf32> to vector<16xf32>
      %swap3A_317 = vector.shape_cast %select_n3A_311 : vector<16xf32> to vector<16xf32>
      tpu.vector_store %arg9[%swap3A_314], %swap3A_317 {strides = array<i32>} : memref<1296xf32, #tpu.memory_space<vmem>>, vector<16xf32>,
      %scan3A_318 = arith.constant 0 : i32
      %scan3A_319 = arith.constant 5 : i32
      %scan3A_320 = arith.addi %scan3A_130, %scan3A_319 : i32
      %mul3A_321 = arith.constant 16 : i32
      %mul3A_322 = arith.muli %scan3A_320, %mul3A_321 : i32
      %add3A_323 = arith.addi %mul3A_35, %mul3A_322 : i32
      %add3A_324 = vector.broadcast %add3A_323 : i32 to vector<16xi32>
      %add3A_325 = arith.addi %iota3A, %add3A_324 : vector<16xi32>
      %mul3A_326 = arith.constant 16 : i32
      %mul3A_327 = arith.muli %scan3A_320, %mul3A_326 : i32
      %get3A_328 = arith.index_cast %mul3A_327 : i32 to index
      %get3A_329 = tpu.vector_load %arg8[%get3A_328] {strides = array<i32>} : memref<1280xf32, #tpu.memory_space<vmem>>, vector<16xf32>,
      %get3A_330 = vector.shape_cast %get3A_329 : vector<16xf32> to vector<16xf32>
      %mul3A_331 = arith.constant 16 : i32
      %mul3A_332 = arith.muli %scan3A_320, %mul3A_331 : i32
      %get3A_333 = arith.index_cast %mul3A_332 : i32 to index
      %get3A_334 = tpu.vector_load %arg9[%get3A_333] {strides = array<i32>} : memref<1296xf32, #tpu.memory_space<vmem>>, vector<16xf32>,
      %get3A_335 = vector.shape_cast %get3A_334 : vector<16xf32> to vector<16xf32>
      %lt3A_336 = arith.constant 5000 : i32
      %lt3A_337 = vector.broadcast %lt3A_336 : i32 to vector<16xi32>
      %lt3A_338 = arith.cmpi slt, %add3A_325, %lt3A_337 : vector<16xi32>
      %sub3A_339 = arith.subf %get3A_335, %get3A_330 : vector<16xf32>
      %broadcast_in_dim3A_340 = vector.broadcast %scan3A : f32 to vector<16xf32>
      %select_n3A_341 = arith.select %lt3A_338, %sub3A_339, %broadcast_in_dim3A_340 : vector<16xi1>, vector<16xf32>
      %mul3A_342 = arith.constant 16 : i32
      %mul3A_343 = arith.muli %scan3A_320, %mul3A_342 : i32
      %swap3A_344 = arith.index_cast %mul3A_343 : i32 to index
      %swap3A_345 = tpu.vector_load %arg10[%swap3A_344] {strides = array<i32>} : memref<1296xf32, #tpu.memory_space<vmem>>, vector<16xf32>,
      %swap3A_346 = vector.shape_cast %swap3A_345 : vector<16xf32> to vector<16xf32>
      %swap3A_347 = vector.shape_cast %select_n3A_341 : vector<16xf32> to vector<16xf32>
      tpu.vector_store %arg10[%swap3A_344], %swap3A_347 {strides = array<i32>} : memref<1296xf32, #tpu.memory_space<vmem>>, vector<16xf32>,
      %broadcast_in_dim3A_348 = vector.broadcast %scan3A : f32 to vector<16xf32>
      %select_n3A_349 = arith.select %lt3A_338, %get3A_335, %broadcast_in_dim3A_348 : vector<16xi1>, vector<16xf32>
      %mul3A_350 = arith.constant 16 : i32
      %mul3A_351 = arith.muli %scan3A_320, %mul3A_350 : i32
      %swap3A_352 = arith.index_cast %mul3A_351 : i32 to index
      %swap3A_353 = tpu.vector_load %arg9[%swap3A_352] {strides = array<i32>} : memref<1296xf32, #tpu.memory_space<vmem>>, vector<16xf32>,
      %swap3A_354 = vector.shape_cast %swap3A_353 : vector<16xf32> to vector<16xf32>
      %swap3A_355 = vector.shape_cast %select_n3A_349 : vector<16xf32> to vector<16xf32>
      tpu.vector_store %arg9[%swap3A_352], %swap3A_355 {strides = array<i32>} : memref<1296xf32, #tpu.memory_space<vmem>>, vector<16xf32>,
      %scan3A_356 = arith.constant 0 : i32
      %scan3A_357 = arith.constant 6 : i32
      %scan3A_358 = arith.addi %scan3A_130, %scan3A_357 : i32
      %mul3A_359 = arith.constant 16 : i32
      %mul3A_360 = arith.muli %scan3A_358, %mul3A_359 : i32
      %add3A_361 = arith.addi %mul3A_35, %mul3A_360 : i32
      %add3A_362 = vector.broadcast %add3A_361 : i32 to vector<16xi32>
      %add3A_363 = arith.addi %iota3A, %add3A_362 : vector<16xi32>
      %mul3A_364 = arith.constant 16 : i32
      %mul3A_365 = arith.muli %scan3A_358, %mul3A_364 : i32
      %get3A_366 = arith.index_cast %mul3A_365 : i32 to index
      %get3A_367 = tpu.vector_load %arg8[%get3A_366] {strides = array<i32>} : memref<1280xf32, #tpu.memory_space<vmem>>, vector<16xf32>,
      %get3A_368 = vector.shape_cast %get3A_367 : vector<16xf32> to vector<16xf32>
      %mul3A_369 = arith.constant 16 : i32
      %mul3A_370 = arith.muli %scan3A_358, %mul3A_369 : i32
      %get3A_371 = arith.index_cast %mul3A_370 : i32 to index
      %get3A_372 = tpu.vector_load %arg9[%get3A_371] {strides = array<i32>} : memref<1296xf32, #tpu.memory_space<vmem>>, vector<16xf32>,
      %get3A_373 = vector.shape_cast %get3A_372 : vector<16xf32> to vector<16xf32>
      %lt3A_374 = arith.constant 5000 : i32
      %lt3A_375 = vector.broadcast %lt3A_374 : i32 to vector<16xi32>
      %lt3A_376 = arith.cmpi slt, %add3A_363, %lt3A_375 : vector<16xi32>
      %sub3A_377 = arith.subf %get3A_373, %get3A_368 : vector<16xf32>
      %broadcast_in_dim3A_378 = vector.broadcast %scan3A : f32 to vector<16xf32>
      %select_n3A_379 = arith.select %lt3A_376, %sub3A_377, %broadcast_in_dim3A_378 : vector<16xi1>, vector<16xf32>
      %mul3A_380 = arith.constant 16 : i32
      %mul3A_381 = arith.muli %scan3A_358, %mul3A_380 : i32
      %swap3A_382 = arith.index_cast %mul3A_381 : i32 to index
      %swap3A_383 = tpu.vector_load %arg10[%swap3A_382] {strides = array<i32>} : memref<1296xf32, #tpu.memory_space<vmem>>, vector<16xf32>,
      %swap3A_384 = vector.shape_cast %swap3A_383 : vector<16xf32> to vector<16xf32>
      %swap3A_385 = vector.shape_cast %select_n3A_379 : vector<16xf32> to vector<16xf32>
      tpu.vector_store %arg10[%swap3A_382], %swap3A_385 {strides = array<i32>} : memref<1296xf32, #tpu.memory_space<vmem>>, vector<16xf32>,
      %broadcast_in_dim3A_386 = vector.broadcast %scan3A : f32 to vector<16xf32>
      %select_n3A_387 = arith.select %lt3A_376, %get3A_373, %broadcast_in_dim3A_386 : vector<16xi1>, vector<16xf32>
      %mul3A_388 = arith.constant 16 : i32
      %mul3A_389 = arith.muli %scan3A_358, %mul3A_388 : i32
      %swap3A_390 = arith.index_cast %mul3A_389 : i32 to index
      %swap3A_391 = tpu.vector_load %arg9[%swap3A_390] {strides = array<i32>} : memref<1296xf32, #tpu.memory_space<vmem>>, vector<16xf32>,
      %swap3A_392 = vector.shape_cast %swap3A_391 : vector<16xf32> to vector<16xf32>
      %swap3A_393 = vector.shape_cast %select_n3A_387 : vector<16xf32> to vector<16xf32>
      tpu.vector_store %arg9[%swap3A_390], %swap3A_393 {strides = array<i32>} : memref<1296xf32, #tpu.memory_space<vmem>>, vector<16xf32>,
      %scan3A_394 = arith.constant 0 : i32
      %scan3A_395 = arith.constant 7 : i32
      %scan3A_396 = arith.addi %scan3A_130, %scan3A_395 : i32
      %mul3A_397 = arith.constant 16 : i32
      %mul3A_398 = arith.muli %scan3A_396, %mul3A_397 : i32
      %add3A_399 = arith.addi %mul3A_35, %mul3A_398 : i32
      %add3A_400 = vector.broadcast %add3A_399 : i32 to vector<16xi32>
      %add3A_401 = arith.addi %iota3A, %add3A_400 : vector<16xi32>
      %mul3A_402 = arith.constant 16 : i32
      %mul3A_403 = arith.muli %scan3A_396, %mul3A_402 : i32
      %get3A_404 = arith.index_cast %mul3A_403 : i32 to index
      %get3A_405 = tpu.vector_load %arg8[%get3A_404] {strides = array<i32>} : memref<1280xf32, #tpu.memory_space<vmem>>, vector<16xf32>,
      %get3A_406 = vector.shape_cast %get3A_405 : vector<16xf32> to vector<16xf32>
      %mul3A_407 = arith.constant 16 : i32
      %mul3A_408 = arith.muli %scan3A_396, %mul3A_407 : i32
      %get3A_409 = arith.index_cast %mul3A_408 : i32 to index
      %get3A_410 = tpu.vector_load %arg9[%get3A_409] {strides = array<i32>} : memref<1296xf32, #tpu.memory_space<vmem>>, vector<16xf32>,
      %get3A_411 = vector.shape_cast %get3A_410 : vector<16xf32> to vector<16xf32>
      %lt3A_412 = arith.constant 5000 : i32
      %lt3A_413 = vector.broadcast %lt3A_412 : i32 to vector<16xi32>
      %lt3A_414 = arith.cmpi slt, %add3A_401, %lt3A_413 : vector<16xi32>
      %sub3A_415 = arith.subf %get3A_411, %get3A_406 : vector<16xf32>
      %broadcast_in_dim3A_416 = vector.broadcast %scan3A : f32 to vector<16xf32>
      %select_n3A_417 = arith.select %lt3A_414, %sub3A_415, %broadcast_in_dim3A_416 : vector<16xi1>, vector<16xf32>
      %mul3A_418 = arith.constant 16 : i32
      %mul3A_419 = arith.muli %scan3A_396, %mul3A_418 : i32
      %swap3A_420 = arith.index_cast %mul3A_419 : i32 to index
      %swap3A_421 = tpu.vector_load %arg10[%swap3A_420] {strides = array<i32>} : memref<1296xf32, #tpu.memory_space<vmem>>, vector<16xf32>,
      %swap3A_422 = vector.shape_cast %swap3A_421 : vector<16xf32> to vector<16xf32>
      %swap3A_423 = vector.shape_cast %select_n3A_417 : vector<16xf32> to vector<16xf32>
      tpu.vector_store %arg10[%swap3A_420], %swap3A_423 {strides = array<i32>} : memref<1296xf32, #tpu.memory_space<vmem>>, vector<16xf32>,
      %broadcast_in_dim3A_424 = vector.broadcast %scan3A : f32 to vector<16xf32>
      %select_n3A_425 = arith.select %lt3A_414, %get3A_411, %broadcast_in_dim3A_424 : vector<16xi1>, vector<16xf32>
      %mul3A_426 = arith.constant 16 : i32
      %mul3A_427 = arith.muli %scan3A_396, %mul3A_426 : i32
      %swap3A_428 = arith.index_cast %mul3A_427 : i32 to index
      %swap3A_429 = tpu.vector_load %arg9[%swap3A_428] {strides = array<i32>} : memref<1296xf32, #tpu.memory_space<vmem>>, vector<16xf32>,
      %swap3A_430 = vector.shape_cast %swap3A_429 : vector<16xf32> to vector<16xf32>
      %swap3A_431 = vector.shape_cast %select_n3A_425 : vector<16xf32> to vector<16xf32>
      tpu.vector_store %arg9[%swap3A_428], %swap3A_431 {strides = array<i32>} : memref<1296xf32, #tpu.memory_space<vmem>>, vector<16xf32>,
      %scan3A_432 = arith.constant 0 : i32
      scf.yield %scan3A_432 : i32
    }
    %scan3A_112 = arith.constant 80 : i32
    %scan3A_113 = arith.constant 0xFF800000 : f32
    %scan3A_114 = arith.constant 0 : i32
    %scan3A_115 = arith.constant 0 : i32
    %scan3A_116 = arith.constant 50 : i32
    %scan3A_117 = arith.addi %scan3A_115, %scan3A_116 : i32
    %scan3A_118 = arith.constant 1 : i32
    %scan3A_119 = scf.for %scan3A_130 = %scan3A_115 to %scan3A_117 step %scan3A_118 iter_args(%scan3A_131 = %scan3A_114) -> (i32)  : i32 {
      %get3A = arith.index_cast %scan3A_130 : i32 to index
      %get3A_132 = tpu.vector_load %arg11[%get3A] {strides = array<i32>} : memref<80xf32, #tpu.memory_space<vmem>>, vector<16xf32>,
      %get3A_133 = vector.shape_cast %get3A_132 : vector<16xf32> to vector<16xf32>
      %slice3A = vector.extract_strided_slice %get3A_133 {offsets = [0], sizes = [1], strides = [1]} : vector<16xf32> to vector<1xf32>
      %squeeze3A = vector.extract %slice3A[0] : f32 from vector<1xf32>
      %get3A_134 = arith.index_cast %scan3A_130 : i32 to index
      %get3A_135 = tpu.vector_load %arg12[%get3A_134] {strides = array<i32>} : memref<80xf32, #tpu.memory_space<vmem>>, vector<16xf32>,
      %get3A_136 = vector.shape_cast %get3A_135 : vector<16xf32> to vector<16xf32>
      %slice3A_137 = vector.extract_strided_slice %get3A_136 {offsets = [0], sizes = [1], strides = [1]} : vector<16xf32> to vector<1xf32>
      %squeeze3A_138 = vector.extract %slice3A_137[0] : f32 from vector<1xf32>
      %sub3A_139 = arith.subf %squeeze3A_138, %squeeze3A : f32
      %broadcast_in_dim3A_140 = arith.constant 0xFF800000 : f32
      %broadcast_in_dim3A_141 = vector.broadcast %broadcast_in_dim3A_140 : f32 to vector<16xf32>
      %broadcast_in_dim3A_142 = arith.constant 0 : i32
      %broadcast_in_dim3A_143 = vector.broadcast %broadcast_in_dim3A_142 : i32 to vector<16xi32>
      %scan3A_144 = arith.constant 0 : i32
      %scan3A_145 = arith.constant 80 : i32
      %scan3A_146 = arith.addi %scan3A_144, %scan3A_145 : i32
      %scan3A_147 = arith.constant 10 : i32
      %scan3A_148:2 = scf.for %scan3A_341 = %scan3A_144 to %scan3A_146 step %scan3A_147 iter_args(%scan3A_342 = %broadcast_in_dim3A_141, %scan3A_343 = %broadcast_in_dim3A_143) -> (vector<16xf32>, vector<16xi32>)  : i32 {
        %mul3A_344 = arith.constant 16 : i32
        %mul3A_345 = arith.muli %scan3A_341, %mul3A_344 : i32
        %get3A_346 = arith.index_cast %mul3A_345 : i32 to index
        %get3A_347 = tpu.vector_load %arg8[%get3A_346] {strides = array<i32>} : memref<1280xf32, #tpu.memory_space<vmem>>, vector<16xf32>,
        %get3A_348 = vector.shape_cast %get3A_347 : vector<16xf32> to vector<16xf32>
        %get3A_349 = arith.index_cast %mul3A_345 : i32 to index
        %get3A_350 = tpu.vector_load %arg9[%get3A_349] {strides = array<i32>} : memref<1296xf32, #tpu.memory_space<vmem>>, vector<16xf32>,
        %get3A_351 = vector.shape_cast %get3A_350 : vector<16xf32> to vector<16xf32>
        %min3A_352 = vector.broadcast %squeeze3A_138 : f32 to vector<16xf32>
        %min3A_353 = arith.minimumf %min3A_352, %get3A_351 : vector<16xf32>
        %max3A_354 = vector.broadcast %squeeze3A : f32 to vector<16xf32>
        %max3A_355 = arith.maximumf %max3A_354, %get3A_348 : vector<16xf32>
        %sub3A_356 = arith.subf %min3A_353, %max3A_355 : vector<16xf32>
        %max3A_357 = arith.constant 0.000000e+00 : f32
        %max3A_358 = vector.broadcast %max3A_357 : f32 to vector<16xf32>
        %max3A_359 = arith.maximumf %sub3A_356, %max3A_358 : vector<16xf32>
        %get3A_360 = arith.index_cast %mul3A_345 : i32 to index
        %get3A_361 = tpu.vector_load %arg10[%get3A_360] {strides = array<i32>} : memref<1296xf32, #tpu.memory_space<vmem>>, vector<16xf32>,
        %get3A_362 = vector.shape_cast %get3A_361 : vector<16xf32> to vector<16xf32>
        %add3A_363 = vector.broadcast %sub3A_139 : f32 to vector<16xf32>
        %add3A_364 = arith.addf %add3A_363, %get3A_362 : vector<16xf32>
        %sub3A_365 = arith.subf %add3A_364, %max3A_359 : vector<16xf32>
        %max3A_366 = arith.constant 9.99999993E-9 : f32
        %max3A_367 = vector.broadcast %max3A_366 : f32 to vector<16xf32>
        %max3A_368 = arith.maximumf %sub3A_365, %max3A_367 : vector<16xf32>
        %div3A_369 = arith.divf %max3A_359, %max3A_368 : vector<16xf32>
        %max3A_370 = vector.broadcast %squeeze3A_138 : f32 to vector<16xf32>
        %max3A_371 = arith.maximumf %max3A_370, %get3A_351 : vector<16xf32>
        %min3A_372 = vector.broadcast %squeeze3A : f32 to vector<16xf32>
        %min3A_373 = arith.minimumf %min3A_372, %get3A_348 : vector<16xf32>
        %sub3A_374 = arith.subf %max3A_371, %min3A_373 : vector<16xf32>
        %sub3A_375 = arith.subf %sub3A_374, %sub3A_365 : vector<16xf32>
        %max3A_376 = arith.constant 9.99999993E-9 : f32
        %max3A_377 = vector.broadcast %max3A_376 : f32 to vector<16xf32>
        %max3A_378 = arith.maximumf %sub3A_374, %max3A_377 : vector<16xf32>
        %div3A_379 = arith.divf %sub3A_375, %max3A_378 : vector<16xf32>
        %sub3A_380 = arith.subf %div3A_369, %div3A_379 : vector<16xf32>
        %gt3A_381 = arith.cmpf ogt, %sub3A_380, %scan3A_342 : vector<16xf32>
        %select_n3A_382 = arith.select %gt3A_381, %sub3A_380, %scan3A_342 : vector<16xi1>, vector<16xf32>
        %broadcast_in_dim3A_383 = vector.broadcast %scan3A_341 : i32 to vector<16xi32>
        %select_n3A_384 = arith.select %gt3A_381, %broadcast_in_dim3A_383, %scan3A_343 : vector<16xi1>, vector<16xi32>
        %scan3A_385 = arith.constant 1 : i32
        %scan3A_386 = arith.addi %scan3A_341, %scan3A_385 : i32
        %mul3A_387 = arith.constant 16 : i32
        %mul3A_388 = arith.muli %scan3A_386, %mul3A_387 : i32
        %get3A_389 = arith.index_cast %mul3A_388 : i32 to index
        %get3A_390 = tpu.vector_load %arg8[%get3A_389] {strides = array<i32>} : memref<1280xf32, #tpu.memory_space<vmem>>, vector<16xf32>,
        %get3A_391 = vector.shape_cast %get3A_390 : vector<16xf32> to vector<16xf32>
        %get3A_392 = arith.index_cast %mul3A_388 : i32 to index
        %get3A_393 = tpu.vector_load %arg9[%get3A_392] {strides = array<i32>} : memref<1296xf32, #tpu.memory_space<vmem>>, vector<16xf32>,
        %get3A_394 = vector.shape_cast %get3A_393 : vector<16xf32> to vector<16xf32>
        %min3A_395 = vector.broadcast %squeeze3A_138 : f32 to vector<16xf32>
        %min3A_396 = arith.minimumf %min3A_395, %get3A_394 : vector<16xf32>
        %max3A_397 = vector.broadcast %squeeze3A : f32 to vector<16xf32>
        %max3A_398 = arith.maximumf %max3A_397, %get3A_391 : vector<16xf32>
        %sub3A_399 = arith.subf %min3A_396, %max3A_398 : vector<16xf32>
        %max3A_400 = arith.constant 0.000000e+00 : f32
        %max3A_401 = vector.broadcast %max3A_400 : f32 to vector<16xf32>
        %max3A_402 = arith.maximumf %sub3A_399, %max3A_401 : vector<16xf32>
        %get3A_403 = arith.index_cast %mul3A_388 : i32 to index
        %get3A_404 = tpu.vector_load %arg10[%get3A_403] {strides = array<i32>} : memref<1296xf32, #tpu.memory_space<vmem>>, vector<16xf32>,
        %get3A_405 = vector.shape_cast %get3A_404 : vector<16xf32> to vector<16xf32>
        %add3A_406 = vector.broadcast %sub3A_139 : f32 to vector<16xf32>
        %add3A_407 = arith.addf %add3A_406, %get3A_405 : vector<16xf32>
        %sub3A_408 = arith.subf %add3A_407, %max3A_402 : vector<16xf32>
        %max3A_409 = arith.constant 9.99999993E-9 : f32
        %max3A_410 = vector.broadcast %max3A_409 : f32 to vector<16xf32>
        %max3A_411 = arith.maximumf %sub3A_408, %max3A_410 : vector<16xf32>
        %div3A_412 = arith.divf %max3A_402, %max3A_411 : vector<16xf32>
        %max3A_413 = vector.broadcast %squeeze3A_138 : f32 to vector<16xf32>
        %max3A_414 = arith.maximumf %max3A_413, %get3A_394 : vector<16xf32>
        %min3A_415 = vector.broadcast %squeeze3A : f32 to vector<16xf32>
        %min3A_416 = arith.minimumf %min3A_415, %get3A_391 : vector<16xf32>
        %sub3A_417 = arith.subf %max3A_414, %min3A_416 : vector<16xf32>
        %sub3A_418 = arith.subf %sub3A_417, %sub3A_408 : vector<16xf32>
        %max3A_419 = arith.constant 9.99999993E-9 : f32
        %max3A_420 = vector.broadcast %max3A_419 : f32 to vector<16xf32>
        %max3A_421 = arith.maximumf %sub3A_417, %max3A_420 : vector<16xf32>
        %div3A_422 = arith.divf %sub3A_418, %max3A_421 : vector<16xf32>
        %sub3A_423 = arith.subf %div3A_412, %div3A_422 : vector<16xf32>
        %gt3A_424 = arith.cmpf ogt, %sub3A_423, %select_n3A_382 : vector<16xf32>
        %select_n3A_425 = arith.select %gt3A_424, %sub3A_423, %select_n3A_382 : vector<16xi1>, vector<16xf32>
        %broadcast_in_dim3A_426 = vector.broadcast %scan3A_386 : i32 to vector<16xi32>
        %select_n3A_427 = arith.select %gt3A_424, %broadcast_in_dim3A_426, %select_n3A_384 : vector<16xi1>, vector<16xi32>
        %scan3A_428 = arith.constant 2 : i32
        %scan3A_429 = arith.addi %scan3A_341, %scan3A_428 : i32
        %mul3A_430 = arith.constant 16 : i32
        %mul3A_431 = arith.muli %scan3A_429, %mul3A_430 : i32
        %get3A_432 = arith.index_cast %mul3A_431 : i32 to index
        %get3A_433 = tpu.vector_load %arg8[%get3A_432] {strides = array<i32>} : memref<1280xf32, #tpu.memory_space<vmem>>, vector<16xf32>,
        %get3A_434 = vector.shape_cast %get3A_433 : vector<16xf32> to vector<16xf32>
        %get3A_435 = arith.index_cast %mul3A_431 : i32 to index
        %get3A_436 = tpu.vector_load %arg9[%get3A_435] {strides = array<i32>} : memref<1296xf32, #tpu.memory_space<vmem>>, vector<16xf32>,
        %get3A_437 = vector.shape_cast %get3A_436 : vector<16xf32> to vector<16xf32>
        %min3A_438 = vector.broadcast %squeeze3A_138 : f32 to vector<16xf32>
        %min3A_439 = arith.minimumf %min3A_438, %get3A_437 : vector<16xf32>
        %max3A_440 = vector.broadcast %squeeze3A : f32 to vector<16xf32>
        %max3A_441 = arith.maximumf %max3A_440, %get3A_434 : vector<16xf32>
        %sub3A_442 = arith.subf %min3A_439, %max3A_441 : vector<16xf32>
        %max3A_443 = arith.constant 0.000000e+00 : f32
        %max3A_444 = vector.broadcast %max3A_443 : f32 to vector<16xf32>
        %max3A_445 = arith.maximumf %sub3A_442, %max3A_444 : vector<16xf32>
        %get3A_446 = arith.index_cast %mul3A_431 : i32 to index
        %get3A_447 = tpu.vector_load %arg10[%get3A_446] {strides = array<i32>} : memref<1296xf32, #tpu.memory_space<vmem>>, vector<16xf32>,
        %get3A_448 = vector.shape_cast %get3A_447 : vector<16xf32> to vector<16xf32>
        %add3A_449 = vector.broadcast %sub3A_139 : f32 to vector<16xf32>
        %add3A_450 = arith.addf %add3A_449, %get3A_448 : vector<16xf32>
        %sub3A_451 = arith.subf %add3A_450, %max3A_445 : vector<16xf32>
        %max3A_452 = arith.constant 9.99999993E-9 : f32
        %max3A_453 = vector.broadcast %max3A_452 : f32 to vector<16xf32>
        %max3A_454 = arith.maximumf %sub3A_451, %max3A_453 : vector<16xf32>
        %div3A_455 = arith.divf %max3A_445, %max3A_454 : vector<16xf32>
        %max3A_456 = vector.broadcast %squeeze3A_138 : f32 to vector<16xf32>
        %max3A_457 = arith.maximumf %max3A_456, %get3A_437 : vector<16xf32>
        %min3A_458 = vector.broadcast %squeeze3A : f32 to vector<16xf32>
        %min3A_459 = arith.minimumf %min3A_458, %get3A_434 : vector<16xf32>
        %sub3A_460 = arith.subf %max3A_457, %min3A_459 : vector<16xf32>
        %sub3A_461 = arith.subf %sub3A_460, %sub3A_451 : vector<16xf32>
        %max3A_462 = arith.constant 9.99999993E-9 : f32
        %max3A_463 = vector.broadcast %max3A_462 : f32 to vector<16xf32>
        %max3A_464 = arith.maximumf %sub3A_460, %max3A_463 : vector<16xf32>
        %div3A_465 = arith.divf %sub3A_461, %max3A_464 : vector<16xf32>
        %sub3A_466 = arith.subf %div3A_455, %div3A_465 : vector<16xf32>
        %gt3A_467 = arith.cmpf ogt, %sub3A_466, %select_n3A_425 : vector<16xf32>
        %select_n3A_468 = arith.select %gt3A_467, %sub3A_466, %select_n3A_425 : vector<16xi1>, vector<16xf32>
        %broadcast_in_dim3A_469 = vector.broadcast %scan3A_429 : i32 to vector<16xi32>
        %select_n3A_470 = arith.select %gt3A_467, %broadcast_in_dim3A_469, %select_n3A_427 : vector<16xi1>, vector<16xi32>
        %scan3A_471 = arith.constant 3 : i32
        %scan3A_472 = arith.addi %scan3A_341, %scan3A_471 : i32
        %mul3A_473 = arith.constant 16 : i32
        %mul3A_474 = arith.muli %scan3A_472, %mul3A_473 : i32
        %get3A_475 = arith.index_cast %mul3A_474 : i32 to index
        %get3A_476 = tpu.vector_load %arg8[%get3A_475] {strides = array<i32>} : memref<1280xf32, #tpu.memory_space<vmem>>, vector<16xf32>,
        %get3A_477 = vector.shape_cast %get3A_476 : vector<16xf32> to vector<16xf32>
        %get3A_478 = arith.index_cast %mul3A_474 : i32 to index
        %get3A_479 = tpu.vector_load %arg9[%get3A_478] {strides = array<i32>} : memref<1296xf32, #tpu.memory_space<vmem>>, vector<16xf32>,
        %get3A_480 = vector.shape_cast %get3A_479 : vector<16xf32> to vector<16xf32>
        %min3A_481 = vector.broadcast %squeeze3A_138 : f32 to vector<16xf32>
        %min3A_482 = arith.minimumf %min3A_481, %get3A_480 : vector<16xf32>
        %max3A_483 = vector.broadcast %squeeze3A : f32 to vector<16xf32>
        %max3A_484 = arith.maximumf %max3A_483, %get3A_477 : vector<16xf32>
        %sub3A_485 = arith.subf %min3A_482, %max3A_484 : vector<16xf32>
        %max3A_486 = arith.constant 0.000000e+00 : f32
        %max3A_487 = vector.broadcast %max3A_486 : f32 to vector<16xf32>
        %max3A_488 = arith.maximumf %sub3A_485, %max3A_487 : vector<16xf32>
        %get3A_489 = arith.index_cast %mul3A_474 : i32 to index
        %get3A_490 = tpu.vector_load %arg10[%get3A_489] {strides = array<i32>} : memref<1296xf32, #tpu.memory_space<vmem>>, vector<16xf32>,
        %get3A_491 = vector.shape_cast %get3A_490 : vector<16xf32> to vector<16xf32>
        %add3A_492 = vector.broadcast %sub3A_139 : f32 to vector<16xf32>
        %add3A_493 = arith.addf %add3A_492, %get3A_491 : vector<16xf32>
        %sub3A_494 = arith.subf %add3A_493, %max3A_488 : vector<16xf32>
        %max3A_495 = arith.constant 9.99999993E-9 : f32
        %max3A_496 = vector.broadcast %max3A_495 : f32 to vector<16xf32>
        %max3A_497 = arith.maximumf %sub3A_494, %max3A_496 : vector<16xf32>
        %div3A_498 = arith.divf %max3A_488, %max3A_497 : vector<16xf32>
        %max3A_499 = vector.broadcast %squeeze3A_138 : f32 to vector<16xf32>
        %max3A_500 = arith.maximumf %max3A_499, %get3A_480 : vector<16xf32>
        %min3A_501 = vector.broadcast %squeeze3A : f32 to vector<16xf32>
        %min3A_502 = arith.minimumf %min3A_501, %get3A_477 : vector<16xf32>
        %sub3A_503 = arith.subf %max3A_500, %min3A_502 : vector<16xf32>
        %sub3A_504 = arith.subf %sub3A_503, %sub3A_494 : vector<16xf32>
        %max3A_505 = arith.constant 9.99999993E-9 : f32
        %max3A_506 = vector.broadcast %max3A_505 : f32 to vector<16xf32>
        %max3A_507 = arith.maximumf %sub3A_503, %max3A_506 : vector<16xf32>
        %div3A_508 = arith.divf %sub3A_504, %max3A_507 : vector<16xf32>
        %sub3A_509 = arith.subf %div3A_498, %div3A_508 : vector<16xf32>
        %gt3A_510 = arith.cmpf ogt, %sub3A_509, %select_n3A_468 : vector<16xf32>
        %select_n3A_511 = arith.select %gt3A_510, %sub3A_509, %select_n3A_468 : vector<16xi1>, vector<16xf32>
        %broadcast_in_dim3A_512 = vector.broadcast %scan3A_472 : i32 to vector<16xi32>
        %select_n3A_513 = arith.select %gt3A_510, %broadcast_in_dim3A_512, %select_n3A_470 : vector<16xi1>, vector<16xi32>
        %scan3A_514 = arith.constant 4 : i32
        %scan3A_515 = arith.addi %scan3A_341, %scan3A_514 : i32
        %mul3A_516 = arith.constant 16 : i32
        %mul3A_517 = arith.muli %scan3A_515, %mul3A_516 : i32
        %get3A_518 = arith.index_cast %mul3A_517 : i32 to index
        %get3A_519 = tpu.vector_load %arg8[%get3A_518] {strides = array<i32>} : memref<1280xf32, #tpu.memory_space<vmem>>, vector<16xf32>,
        %get3A_520 = vector.shape_cast %get3A_519 : vector<16xf32> to vector<16xf32>
        %get3A_521 = arith.index_cast %mul3A_517 : i32 to index
        %get3A_522 = tpu.vector_load %arg9[%get3A_521] {strides = array<i32>} : memref<1296xf32, #tpu.memory_space<vmem>>, vector<16xf32>,
        %get3A_523 = vector.shape_cast %get3A_522 : vector<16xf32> to vector<16xf32>
        %min3A_524 = vector.broadcast %squeeze3A_138 : f32 to vector<16xf32>
        %min3A_525 = arith.minimumf %min3A_524, %get3A_523 : vector<16xf32>
        %max3A_526 = vector.broadcast %squeeze3A : f32 to vector<16xf32>
        %max3A_527 = arith.maximumf %max3A_526, %get3A_520 : vector<16xf32>
        %sub3A_528 = arith.subf %min3A_525, %max3A_527 : vector<16xf32>
        %max3A_529 = arith.constant 0.000000e+00 : f32
        %max3A_530 = vector.broadcast %max3A_529 : f32 to vector<16xf32>
        %max3A_531 = arith.maximumf %sub3A_528, %max3A_530 : vector<16xf32>
        %get3A_532 = arith.index_cast %mul3A_517 : i32 to index
        %get3A_533 = tpu.vector_load %arg10[%get3A_532] {strides = array<i32>} : memref<1296xf32, #tpu.memory_space<vmem>>, vector<16xf32>,
        %get3A_534 = vector.shape_cast %get3A_533 : vector<16xf32> to vector<16xf32>
        %add3A_535 = vector.broadcast %sub3A_139 : f32 to vector<16xf32>
        %add3A_536 = arith.addf %add3A_535, %get3A_534 : vector<16xf32>
        %sub3A_537 = arith.subf %add3A_536, %max3A_531 : vector<16xf32>
        %max3A_538 = arith.constant 9.99999993E-9 : f32
        %max3A_539 = vector.broadcast %max3A_538 : f32 to vector<16xf32>
        %max3A_540 = arith.maximumf %sub3A_537, %max3A_539 : vector<16xf32>
        %div3A_541 = arith.divf %max3A_531, %max3A_540 : vector<16xf32>
        %max3A_542 = vector.broadcast %squeeze3A_138 : f32 to vector<16xf32>
        %max3A_543 = arith.maximumf %max3A_542, %get3A_523 : vector<16xf32>
        %min3A_544 = vector.broadcast %squeeze3A : f32 to vector<16xf32>
        %min3A_545 = arith.minimumf %min3A_544, %get3A_520 : vector<16xf32>
        %sub3A_546 = arith.subf %max3A_543, %min3A_545 : vector<16xf32>
        %sub3A_547 = arith.subf %sub3A_546, %sub3A_537 : vector<16xf32>
        %max3A_548 = arith.constant 9.99999993E-9 : f32
        %max3A_549 = vector.broadcast %max3A_548 : f32 to vector<16xf32>
        %max3A_550 = arith.maximumf %sub3A_546, %max3A_549 : vector<16xf32>
        %div3A_551 = arith.divf %sub3A_547, %max3A_550 : vector<16xf32>
        %sub3A_552 = arith.subf %div3A_541, %div3A_551 : vector<16xf32>
        %gt3A_553 = arith.cmpf ogt, %sub3A_552, %select_n3A_511 : vector<16xf32>
        %select_n3A_554 = arith.select %gt3A_553, %sub3A_552, %select_n3A_511 : vector<16xi1>, vector<16xf32>
        %broadcast_in_dim3A_555 = vector.broadcast %scan3A_515 : i32 to vector<16xi32>
        %select_n3A_556 = arith.select %gt3A_553, %broadcast_in_dim3A_555, %select_n3A_513 : vector<16xi1>, vector<16xi32>
        %scan3A_557 = arith.constant 5 : i32
        %scan3A_558 = arith.addi %scan3A_341, %scan3A_557 : i32
        %mul3A_559 = arith.constant 16 : i32
        %mul3A_560 = arith.muli %scan3A_558, %mul3A_559 : i32
        %get3A_561 = arith.index_cast %mul3A_560 : i32 to index
        %get3A_562 = tpu.vector_load %arg8[%get3A_561] {strides = array<i32>} : memref<1280xf32, #tpu.memory_space<vmem>>, vector<16xf32>,
        %get3A_563 = vector.shape_cast %get3A_562 : vector<16xf32> to vector<16xf32>
        %get3A_564 = arith.index_cast %mul3A_560 : i32 to index
        %get3A_565 = tpu.vector_load %arg9[%get3A_564] {strides = array<i32>} : memref<1296xf32, #tpu.memory_space<vmem>>, vector<16xf32>,
        %get3A_566 = vector.shape_cast %get3A_565 : vector<16xf32> to vector<16xf32>
        %min3A_567 = vector.broadcast %squeeze3A_138 : f32 to vector<16xf32>
        %min3A_568 = arith.minimumf %min3A_567, %get3A_566 : vector<16xf32>
        %max3A_569 = vector.broadcast %squeeze3A : f32 to vector<16xf32>
        %max3A_570 = arith.maximumf %max3A_569, %get3A_563 : vector<16xf32>
        %sub3A_571 = arith.subf %min3A_568, %max3A_570 : vector<16xf32>
        %max3A_572 = arith.constant 0.000000e+00 : f32
        %max3A_573 = vector.broadcast %max3A_572 : f32 to vector<16xf32>
        %max3A_574 = arith.maximumf %sub3A_571, %max3A_573 : vector<16xf32>
        %get3A_575 = arith.index_cast %mul3A_560 : i32 to index
        %get3A_576 = tpu.vector_load %arg10[%get3A_575] {strides = array<i32>} : memref<1296xf32, #tpu.memory_space<vmem>>, vector<16xf32>,
        %get3A_577 = vector.shape_cast %get3A_576 : vector<16xf32> to vector<16xf32>
        %add3A_578 = vector.broadcast %sub3A_139 : f32 to vector<16xf32>
        %add3A_579 = arith.addf %add3A_578, %get3A_577 : vector<16xf32>
        %sub3A_580 = arith.subf %add3A_579, %max3A_574 : vector<16xf32>
        %max3A_581 = arith.constant 9.99999993E-9 : f32
        %max3A_582 = vector.broadcast %max3A_581 : f32 to vector<16xf32>
        %max3A_583 = arith.maximumf %sub3A_580, %max3A_582 : vector<16xf32>
        %div3A_584 = arith.divf %max3A_574, %max3A_583 : vector<16xf32>
        %max3A_585 = vector.broadcast %squeeze3A_138 : f32 to vector<16xf32>
        %max3A_586 = arith.maximumf %max3A_585, %get3A_566 : vector<16xf32>
        %min3A_587 = vector.broadcast %squeeze3A : f32 to vector<16xf32>
        %min3A_588 = arith.minimumf %min3A_587, %get3A_563 : vector<16xf32>
        %sub3A_589 = arith.subf %max3A_586, %min3A_588 : vector<16xf32>
        %sub3A_590 = arith.subf %sub3A_589, %sub3A_580 : vector<16xf32>
        %max3A_591 = arith.constant 9.99999993E-9 : f32
        %max3A_592 = vector.broadcast %max3A_591 : f32 to vector<16xf32>
        %max3A_593 = arith.maximumf %sub3A_589, %max3A_592 : vector<16xf32>
        %div3A_594 = arith.divf %sub3A_590, %max3A_593 : vector<16xf32>
        %sub3A_595 = arith.subf %div3A_584, %div3A_594 : vector<16xf32>
        %gt3A_596 = arith.cmpf ogt, %sub3A_595, %select_n3A_554 : vector<16xf32>
        %select_n3A_597 = arith.select %gt3A_596, %sub3A_595, %select_n3A_554 : vector<16xi1>, vector<16xf32>
        %broadcast_in_dim3A_598 = vector.broadcast %scan3A_558 : i32 to vector<16xi32>
        %select_n3A_599 = arith.select %gt3A_596, %broadcast_in_dim3A_598, %select_n3A_556 : vector<16xi1>, vector<16xi32>
        %scan3A_600 = arith.constant 6 : i32
        %scan3A_601 = arith.addi %scan3A_341, %scan3A_600 : i32
        %mul3A_602 = arith.constant 16 : i32
        %mul3A_603 = arith.muli %scan3A_601, %mul3A_602 : i32
        %get3A_604 = arith.index_cast %mul3A_603 : i32 to index
        %get3A_605 = tpu.vector_load %arg8[%get3A_604] {strides = array<i32>} : memref<1280xf32, #tpu.memory_space<vmem>>, vector<16xf32>,
        %get3A_606 = vector.shape_cast %get3A_605 : vector<16xf32> to vector<16xf32>
        %get3A_607 = arith.index_cast %mul3A_603 : i32 to index
        %get3A_608 = tpu.vector_load %arg9[%get3A_607] {strides = array<i32>} : memref<1296xf32, #tpu.memory_space<vmem>>, vector<16xf32>,
        %get3A_609 = vector.shape_cast %get3A_608 : vector<16xf32> to vector<16xf32>
        %min3A_610 = vector.broadcast %squeeze3A_138 : f32 to vector<16xf32>
        %min3A_611 = arith.minimumf %min3A_610, %get3A_609 : vector<16xf32>
        %max3A_612 = vector.broadcast %squeeze3A : f32 to vector<16xf32>
        %max3A_613 = arith.maximumf %max3A_612, %get3A_606 : vector<16xf32>
        %sub3A_614 = arith.subf %min3A_611, %max3A_613 : vector<16xf32>
        %max3A_615 = arith.constant 0.000000e+00 : f32
        %max3A_616 = vector.broadcast %max3A_615 : f32 to vector<16xf32>
        %max3A_617 = arith.maximumf %sub3A_614, %max3A_616 : vector<16xf32>
        %get3A_618 = arith.index_cast %mul3A_603 : i32 to index
        %get3A_619 = tpu.vector_load %arg10[%get3A_618] {strides = array<i32>} : memref<1296xf32, #tpu.memory_space<vmem>>, vector<16xf32>,
        %get3A_620 = vector.shape_cast %get3A_619 : vector<16xf32> to vector<16xf32>
        %add3A_621 = vector.broadcast %sub3A_139 : f32 to vector<16xf32>
        %add3A_622 = arith.addf %add3A_621, %get3A_620 : vector<16xf32>
        %sub3A_623 = arith.subf %add3A_622, %max3A_617 : vector<16xf32>
        %max3A_624 = arith.constant 9.99999993E-9 : f32
        %max3A_625 = vector.broadcast %max3A_624 : f32 to vector<16xf32>
        %max3A_626 = arith.maximumf %sub3A_623, %max3A_625 : vector<16xf32>
        %div3A_627 = arith.divf %max3A_617, %max3A_626 : vector<16xf32>
        %max3A_628 = vector.broadcast %squeeze3A_138 : f32 to vector<16xf32>
        %max3A_629 = arith.maximumf %max3A_628, %get3A_609 : vector<16xf32>
        %min3A_630 = vector.broadcast %squeeze3A : f32 to vector<16xf32>
        %min3A_631 = arith.minimumf %min3A_630, %get3A_606 : vector<16xf32>
        %sub3A_632 = arith.subf %max3A_629, %min3A_631 : vector<16xf32>
        %sub3A_633 = arith.subf %sub3A_632, %sub3A_623 : vector<16xf32>
        %max3A_634 = arith.constant 9.99999993E-9 : f32
        %max3A_635 = vector.broadcast %max3A_634 : f32 to vector<16xf32>
        %max3A_636 = arith.maximumf %sub3A_632, %max3A_635 : vector<16xf32>
        %div3A_637 = arith.divf %sub3A_633, %max3A_636 : vector<16xf32>
        %sub3A_638 = arith.subf %div3A_627, %div3A_637 : vector<16xf32>
        %gt3A_639 = arith.cmpf ogt, %sub3A_638, %select_n3A_597 : vector<16xf32>
        %select_n3A_640 = arith.select %gt3A_639, %sub3A_638, %select_n3A_597 : vector<16xi1>, vector<16xf32>
        %broadcast_in_dim3A_641 = vector.broadcast %scan3A_601 : i32 to vector<16xi32>
        %select_n3A_642 = arith.select %gt3A_639, %broadcast_in_dim3A_641, %select_n3A_599 : vector<16xi1>, vector<16xi32>
        %scan3A_643 = arith.constant 7 : i32
        %scan3A_644 = arith.addi %scan3A_341, %scan3A_643 : i32
        %mul3A_645 = arith.constant 16 : i32
        %mul3A_646 = arith.muli %scan3A_644, %mul3A_645 : i32
        %get3A_647 = arith.index_cast %mul3A_646 : i32 to index
        %get3A_648 = tpu.vector_load %arg8[%get3A_647] {strides = array<i32>} : memref<1280xf32, #tpu.memory_space<vmem>>, vector<16xf32>,
        %get3A_649 = vector.shape_cast %get3A_648 : vector<16xf32> to vector<16xf32>
        %get3A_650 = arith.index_cast %mul3A_646 : i32 to index
        %get3A_651 = tpu.vector_load %arg9[%get3A_650] {strides = array<i32>} : memref<1296xf32, #tpu.memory_space<vmem>>, vector<16xf32>,
        %get3A_652 = vector.shape_cast %get3A_651 : vector<16xf32> to vector<16xf32>
        %min3A_653 = vector.broadcast %squeeze3A_138 : f32 to vector<16xf32>
        %min3A_654 = arith.minimumf %min3A_653, %get3A_652 : vector<16xf32>
        %max3A_655 = vector.broadcast %squeeze3A : f32 to vector<16xf32>
        %max3A_656 = arith.maximumf %max3A_655, %get3A_649 : vector<16xf32>
        %sub3A_657 = arith.subf %min3A_654, %max3A_656 : vector<16xf32>
        %max3A_658 = arith.constant 0.000000e+00 : f32
        %max3A_659 = vector.broadcast %max3A_658 : f32 to vector<16xf32>
        %max3A_660 = arith.maximumf %sub3A_657, %max3A_659 : vector<16xf32>
        %get3A_661 = arith.index_cast %mul3A_646 : i32 to index
        %get3A_662 = tpu.vector_load %arg10[%get3A_661] {strides = array<i32>} : memref<1296xf32, #tpu.memory_space<vmem>>, vector<16xf32>,
        %get3A_663 = vector.shape_cast %get3A_662 : vector<16xf32> to vector<16xf32>
        %add3A_664 = vector.broadcast %sub3A_139 : f32 to vector<16xf32>
        %add3A_665 = arith.addf %add3A_664, %get3A_663 : vector<16xf32>
        %sub3A_666 = arith.subf %add3A_665, %max3A_660 : vector<16xf32>
        %max3A_667 = arith.constant 9.99999993E-9 : f32
        %max3A_668 = vector.broadcast %max3A_667 : f32 to vector<16xf32>
        %max3A_669 = arith.maximumf %sub3A_666, %max3A_668 : vector<16xf32>
        %div3A_670 = arith.divf %max3A_660, %max3A_669 : vector<16xf32>
        %max3A_671 = vector.broadcast %squeeze3A_138 : f32 to vector<16xf32>
        %max3A_672 = arith.maximumf %max3A_671, %get3A_652 : vector<16xf32>
        %min3A_673 = vector.broadcast %squeeze3A : f32 to vector<16xf32>
        %min3A_674 = arith.minimumf %min3A_673, %get3A_649 : vector<16xf32>
        %sub3A_675 = arith.subf %max3A_672, %min3A_674 : vector<16xf32>
        %sub3A_676 = arith.subf %sub3A_675, %sub3A_666 : vector<16xf32>
        %max3A_677 = arith.constant 9.99999993E-9 : f32
        %max3A_678 = vector.broadcast %max3A_677 : f32 to vector<16xf32>
        %max3A_679 = arith.maximumf %sub3A_675, %max3A_678 : vector<16xf32>
        %div3A_680 = arith.divf %sub3A_676, %max3A_679 : vector<16xf32>
        %sub3A_681 = arith.subf %div3A_670, %div3A_680 : vector<16xf32>
        %gt3A_682 = arith.cmpf ogt, %sub3A_681, %select_n3A_640 : vector<16xf32>
        %select_n3A_683 = arith.select %gt3A_682, %sub3A_681, %select_n3A_640 : vector<16xi1>, vector<16xf32>
        %broadcast_in_dim3A_684 = vector.broadcast %scan3A_644 : i32 to vector<16xi32>
        %select_n3A_685 = arith.select %gt3A_682, %broadcast_in_dim3A_684, %select_n3A_642 : vector<16xi1>, vector<16xi32>
        %scan3A_686 = arith.constant 8 : i32
        %scan3A_687 = arith.addi %scan3A_341, %scan3A_686 : i32
        %mul3A_688 = arith.constant 16 : i32
        %mul3A_689 = arith.muli %scan3A_687, %mul3A_688 : i32
        %get3A_690 = arith.index_cast %mul3A_689 : i32 to index
        %get3A_691 = tpu.vector_load %arg8[%get3A_690] {strides = array<i32>} : memref<1280xf32, #tpu.memory_space<vmem>>, vector<16xf32>,
        %get3A_692 = vector.shape_cast %get3A_691 : vector<16xf32> to vector<16xf32>
        %get3A_693 = arith.index_cast %mul3A_689 : i32 to index
        %get3A_694 = tpu.vector_load %arg9[%get3A_693] {strides = array<i32>} : memref<1296xf32, #tpu.memory_space<vmem>>, vector<16xf32>,
        %get3A_695 = vector.shape_cast %get3A_694 : vector<16xf32> to vector<16xf32>
        %min3A_696 = vector.broadcast %squeeze3A_138 : f32 to vector<16xf32>
        %min3A_697 = arith.minimumf %min3A_696, %get3A_695 : vector<16xf32>
        %max3A_698 = vector.broadcast %squeeze3A : f32 to vector<16xf32>
        %max3A_699 = arith.maximumf %max3A_698, %get3A_692 : vector<16xf32>
        %sub3A_700 = arith.subf %min3A_697, %max3A_699 : vector<16xf32>
        %max3A_701 = arith.constant 0.000000e+00 : f32
        %max3A_702 = vector.broadcast %max3A_701 : f32 to vector<16xf32>
        %max3A_703 = arith.maximumf %sub3A_700, %max3A_702 : vector<16xf32>
        %get3A_704 = arith.index_cast %mul3A_689 : i32 to index
        %get3A_705 = tpu.vector_load %arg10[%get3A_704] {strides = array<i32>} : memref<1296xf32, #tpu.memory_space<vmem>>, vector<16xf32>,
        %get3A_706 = vector.shape_cast %get3A_705 : vector<16xf32> to vector<16xf32>
        %add3A_707 = vector.broadcast %sub3A_139 : f32 to vector<16xf32>
        %add3A_708 = arith.addf %add3A_707, %get3A_706 : vector<16xf32>
        %sub3A_709 = arith.subf %add3A_708, %max3A_703 : vector<16xf32>
        %max3A_710 = arith.constant 9.99999993E-9 : f32
        %max3A_711 = vector.broadcast %max3A_710 : f32 to vector<16xf32>
        %max3A_712 = arith.maximumf %sub3A_709, %max3A_711 : vector<16xf32>
        %div3A_713 = arith.divf %max3A_703, %max3A_712 : vector<16xf32>
        %max3A_714 = vector.broadcast %squeeze3A_138 : f32 to vector<16xf32>
        %max3A_715 = arith.maximumf %max3A_714, %get3A_695 : vector<16xf32>
        %min3A_716 = vector.broadcast %squeeze3A : f32 to vector<16xf32>
        %min3A_717 = arith.minimumf %min3A_716, %get3A_692 : vector<16xf32>
        %sub3A_718 = arith.subf %max3A_715, %min3A_717 : vector<16xf32>
        %sub3A_719 = arith.subf %sub3A_718, %sub3A_709 : vector<16xf32>
        %max3A_720 = arith.constant 9.99999993E-9 : f32
        %max3A_721 = vector.broadcast %max3A_720 : f32 to vector<16xf32>
        %max3A_722 = arith.maximumf %sub3A_718, %max3A_721 : vector<16xf32>
        %div3A_723 = arith.divf %sub3A_719, %max3A_722 : vector<16xf32>
        %sub3A_724 = arith.subf %div3A_713, %div3A_723 : vector<16xf32>
        %gt3A_725 = arith.cmpf ogt, %sub3A_724, %select_n3A_683 : vector<16xf32>
        %select_n3A_726 = arith.select %gt3A_725, %sub3A_724, %select_n3A_683 : vector<16xi1>, vector<16xf32>
        %broadcast_in_dim3A_727 = vector.broadcast %scan3A_687 : i32 to vector<16xi32>
        %select_n3A_728 = arith.select %gt3A_725, %broadcast_in_dim3A_727, %select_n3A_685 : vector<16xi1>, vector<16xi32>
        %scan3A_729 = arith.constant 9 : i32
        %scan3A_730 = arith.addi %scan3A_341, %scan3A_729 : i32
        %mul3A_731 = arith.constant 16 : i32
        %mul3A_732 = arith.muli %scan3A_730, %mul3A_731 : i32
        %get3A_733 = arith.index_cast %mul3A_732 : i32 to index
        %get3A_734 = tpu.vector_load %arg8[%get3A_733] {strides = array<i32>} : memref<1280xf32, #tpu.memory_space<vmem>>, vector<16xf32>,
        %get3A_735 = vector.shape_cast %get3A_734 : vector<16xf32> to vector<16xf32>
        %get3A_736 = arith.index_cast %mul3A_732 : i32 to index
        %get3A_737 = tpu.vector_load %arg9[%get3A_736] {strides = array<i32>} : memref<1296xf32, #tpu.memory_space<vmem>>, vector<16xf32>,
        %get3A_738 = vector.shape_cast %get3A_737 : vector<16xf32> to vector<16xf32>
        %min3A_739 = vector.broadcast %squeeze3A_138 : f32 to vector<16xf32>
        %min3A_740 = arith.minimumf %min3A_739, %get3A_738 : vector<16xf32>
        %max3A_741 = vector.broadcast %squeeze3A : f32 to vector<16xf32>
        %max3A_742 = arith.maximumf %max3A_741, %get3A_735 : vector<16xf32>
        %sub3A_743 = arith.subf %min3A_740, %max3A_742 : vector<16xf32>
        %max3A_744 = arith.constant 0.000000e+00 : f32
        %max3A_745 = vector.broadcast %max3A_744 : f32 to vector<16xf32>
        %max3A_746 = arith.maximumf %sub3A_743, %max3A_745 : vector<16xf32>
        %get3A_747 = arith.index_cast %mul3A_732 : i32 to index
        %get3A_748 = tpu.vector_load %arg10[%get3A_747] {strides = array<i32>} : memref<1296xf32, #tpu.memory_space<vmem>>, vector<16xf32>,
        %get3A_749 = vector.shape_cast %get3A_748 : vector<16xf32> to vector<16xf32>
        %add3A_750 = vector.broadcast %sub3A_139 : f32 to vector<16xf32>
        %add3A_751 = arith.addf %add3A_750, %get3A_749 : vector<16xf32>
        %sub3A_752 = arith.subf %add3A_751, %max3A_746 : vector<16xf32>
        %max3A_753 = arith.constant 9.99999993E-9 : f32
        %max3A_754 = vector.broadcast %max3A_753 : f32 to vector<16xf32>
        %max3A_755 = arith.maximumf %sub3A_752, %max3A_754 : vector<16xf32>
        %div3A_756 = arith.divf %max3A_746, %max3A_755 : vector<16xf32>
        %max3A_757 = vector.broadcast %squeeze3A_138 : f32 to vector<16xf32>
        %max3A_758 = arith.maximumf %max3A_757, %get3A_738 : vector<16xf32>
        %min3A_759 = vector.broadcast %squeeze3A : f32 to vector<16xf32>
        %min3A_760 = arith.minimumf %min3A_759, %get3A_735 : vector<16xf32>
        %sub3A_761 = arith.subf %max3A_758, %min3A_760 : vector<16xf32>
        %sub3A_762 = arith.subf %sub3A_761, %sub3A_752 : vector<16xf32>
        %max3A_763 = arith.constant 9.99999993E-9 : f32
        %max3A_764 = vector.broadcast %max3A_763 : f32 to vector<16xf32>
        %max3A_765 = arith.maximumf %sub3A_761, %max3A_764 : vector<16xf32>
        %div3A_766 = arith.divf %sub3A_762, %max3A_765 : vector<16xf32>
        %sub3A_767 = arith.subf %div3A_756, %div3A_766 : vector<16xf32>
        %gt3A_768 = arith.cmpf ogt, %sub3A_767, %select_n3A_726 : vector<16xf32>
        %select_n3A_769 = arith.select %gt3A_768, %sub3A_767, %select_n3A_726 : vector<16xi1>, vector<16xf32>
        %broadcast_in_dim3A_770 = vector.broadcast %scan3A_730 : i32 to vector<16xi32>
        %select_n3A_771 = arith.select %gt3A_768, %broadcast_in_dim3A_770, %select_n3A_728 : vector<16xi1>, vector<16xi32>
        scf.yield %select_n3A_769, %select_n3A_771 : vector<16xf32>, vector<16xi32>
      }
      %scan3A_149 = arith.constant 80 : i32
      %jit3A_150 = arith.constant 2 : i32
      %eq3A_151 = arith.constant 0 : i32
      %eq3A_152 = arith.cmpi eq, %jit3A_150, %eq3A_151 : i32
      %jit3A_153 = arith.constant 1 : i32
      %select_n3A_154 = arith.select %eq3A_152, %jit3A_153, %jit3A_150 : i32
      %rem3A_155 = arith.remsi %scan3A_130, %select_n3A_154 : i32
      %ne3A_156 = arith.constant 0 : i32
      %ne3A_157 = arith.cmpi ne, %rem3A_155, %ne3A_156 : i32
      %lt3A_158 = arith.constant 0 : i32
      %lt3A_159 = arith.cmpi slt, %rem3A_155, %lt3A_158 : i32
      %lt3A_160 = arith.constant 0 : i32
      %lt3A_161 = arith.cmpi slt, %select_n3A_154, %lt3A_160 : i32
      %ne3A_162 = arith.xori %lt3A_159, %lt3A_161 : i1
      %and3A_163 = arith.andi %ne3A_162, %ne3A_157 : i1
      %add3A_164 = arith.addi %rem3A_155, %select_n3A_154 : i32
      %select_n3A_165 = arith.select %and3A_163, %add3A_164, %rem3A_155 : i32
      %sub3A_166 = arith.constant 1 : i32
      %sub3A_167 = arith.subi %sub3A_166, %select_n3A_165 : i32
      %gt3A = arith.constant 0 : i32
      %gt3A_168 = arith.cmpi sgt, %scan3A_130, %gt3A : i32
      %convert_element_type3A_169 = arith.extui %gt3A_168 : i1 to i32
      %cond3A_170 = arith.constant 0 : i32
      %cond3A_171 = arith.cmpi ne, %convert_element_type3A_169, %cond3A_170 : i32
      scf.if %cond3A_171 {
        %mul3A_341 = arith.constant 512 : i32
        %mul3A_342 = arith.muli %sub3A_167, %mul3A_341 : i32
        %mul3A_343 = arith.constant 32 : i32
        %mul3A_344 = arith.muli %arg1, %mul3A_343 : i32
        %add3A_345 = arith.addi %mul3A_342, %mul3A_344 : i32
        %dma_wait3A_346 = tpu.memref_slice %arg17[%add3A_345] : memref<1024xf32, #tpu.memory_space<vmem_shared>> -> memref<32xf32, #tpu.memory_space<vmem_shared>>
        %dma_wait3A_347 = tpu.memref_slice %arg17[%add3A_345] : memref<1024xf32, #tpu.memory_space<vmem_shared>> -> memref<32xf32, #tpu.memory_space<vmem_shared>>
        tpu.wait_dma2 semaphore(%arg19 : memref<!tpu.dma_semaphore, #tpu.memory_space<semaphore_mem>>) src(%arg15 : memref<32xf32, #tpu.memory_space<vmem>>) dst(%dma_wait3A_347 : memref<32xf32, #tpu.memory_space<vmem_shared>>)
      } else {
      }
      %barrier3A_172 = arith.constant 0 : index
      tpu.barrier barrier_id(%barrier3A_172)
      %mul3A_173 = arith.constant 512 : i32
      %mul3A_174 = arith.muli %sub3A_167, %mul3A_173 : i32
      %mul3A_175 = arith.constant 128 : i32
      %mul3A_176 = arith.muli %select_n3A, %mul3A_175 : i32
      %add3A_177 = arith.addi %mul3A_174, %mul3A_176 : i32
      %dma_start3A_178 = tpu.memref_slice %arg17[%add3A_177] : memref<1024xf32, #tpu.memory_space<vmem_shared>> -> memref<128xf32, #tpu.memory_space<vmem_shared>>
      %dma_start3A_179 = tpu.memref_slice %arg17[%add3A_177] : memref<1024xf32, #tpu.memory_space<vmem_shared>> -> memref<128xf32, #tpu.memory_space<vmem_shared>>
      tpu.enqueue_dma source(%dma_start3A_179 : memref<128xf32, #tpu.memory_space<vmem_shared>>) target(%arg16 : memref<128xf32, #tpu.memory_space<vmem>>) target_semaphore(%arg20 : memref<!tpu.dma_semaphore, #tpu.memory_space<semaphore_mem>>)
      %mul3A_180 = arith.constant 16 : i32
      %mul3A_181 = vector.broadcast %mul3A_180 : i32 to vector<16xi32>
      %mul3A_182 = arith.muli %scan3A_148#1, %mul3A_181 : vector<16xi32>
      %add3A_183 = arith.addi %mul3A_182, %iota3A : vector<16xi32>
      %rev3A = arith.constant 15 : i32
      %rev3A_184 = vector.broadcast %rev3A : i32 to vector<16xi32>
      %rev3A_185 = tpu.iota {dimensions = array<i32: 0>} : vector<16xi32>
      %rev3A_186 = arith.subi %rev3A_184, %rev3A_185 : vector<16xi32>
      %rev3A_187 = tpu.dynamic_gather %scan3A_148#0[%rev3A_186] in [0] : vector<16xf32>, vector<16xi32> -> vector<16xf32>
      %max3A = arith.maximumf %scan3A_148#0, %rev3A_187 : vector<16xf32>
      %slice3A_188 = vector.extract_strided_slice %max3A {offsets = [0], sizes = [1], strides = [1]} : vector<16xf32> to vector<1xf32>
      %squeeze3A_189 = vector.extract %slice3A_188[0] : f32 from vector<1xf32>
      %slice3A_190 = vector.extract_strided_slice %max3A {offsets = [1], sizes = [1], strides = [1]} : vector<16xf32> to vector<1xf32>
      %squeeze3A_191 = vector.extract %slice3A_190[0] : f32 from vector<1xf32>
      %max3A_192 = arith.maximumf %squeeze3A_189, %squeeze3A_191 : f32
      %slice3A_193 = vector.extract_strided_slice %max3A {offsets = [2], sizes = [1], strides = [1]} : vector<16xf32> to vector<1xf32>
      %squeeze3A_194 = vector.extract %slice3A_193[0] : f32 from vector<1xf32>
      %max3A_195 = arith.maximumf %max3A_192, %squeeze3A_194 : f32
      %slice3A_196 = vector.extract_strided_slice %max3A {offsets = [3], sizes = [1], strides = [1]} : vector<16xf32> to vector<1xf32>
      %squeeze3A_197 = vector.extract %slice3A_196[0] : f32 from vector<1xf32>
      %max3A_198 = arith.maximumf %max3A_195, %squeeze3A_197 : f32
      %slice3A_199 = vector.extract_strided_slice %max3A {offsets = [4], sizes = [1], strides = [1]} : vector<16xf32> to vector<1xf32>
      %squeeze3A_200 = vector.extract %slice3A_199[0] : f32 from vector<1xf32>
      %max3A_201 = arith.maximumf %max3A_198, %squeeze3A_200 : f32
      %slice3A_202 = vector.extract_strided_slice %max3A {offsets = [5], sizes = [1], strides = [1]} : vector<16xf32> to vector<1xf32>
      %squeeze3A_203 = vector.extract %slice3A_202[0] : f32 from vector<1xf32>
      %max3A_204 = arith.maximumf %max3A_201, %squeeze3A_203 : f32
      %slice3A_205 = vector.extract_strided_slice %max3A {offsets = [6], sizes = [1], strides = [1]} : vector<16xf32> to vector<1xf32>
      %squeeze3A_206 = vector.extract %slice3A_205[0] : f32 from vector<1xf32>
      %max3A_207 = arith.maximumf %max3A_204, %squeeze3A_206 : f32
      %slice3A_208 = vector.extract_strided_slice %max3A {offsets = [7], sizes = [1], strides = [1]} : vector<16xf32> to vector<1xf32>
      %squeeze3A_209 = vector.extract %slice3A_208[0] : f32 from vector<1xf32>
      %max3A_210 = arith.maximumf %max3A_207, %squeeze3A_209 : f32
      %eq3A_211 = vector.broadcast %max3A_210 : f32 to vector<16xf32>
      %eq3A_212 = arith.cmpf oeq, %scan3A_148#0, %eq3A_211 : vector<16xf32>
      %jit3A_213 = arith.constant 1073741824 : i32
      %broadcast_in_dim3A_214 = vector.broadcast %jit3A_213 : i32 to vector<16xi32>
      %select_n3A_215 = arith.select %eq3A_212, %add3A_183, %broadcast_in_dim3A_214 : vector<16xi1>, vector<16xi32>
      %rev3A_216 = arith.constant 15 : i32
      %rev3A_217 = vector.broadcast %rev3A_216 : i32 to vector<16xi32>
      %rev3A_218 = tpu.iota {dimensions = array<i32: 0>} : vector<16xi32>
      %rev3A_219 = arith.subi %rev3A_217, %rev3A_218 : vector<16xi32>
      %rev3A_220 = tpu.dynamic_gather %select_n3A_215[%rev3A_219] in [0] : vector<16xi32>, vector<16xi32> -> vector<16xi32>
      %min3A = arith.minsi %select_n3A_215, %rev3A_220 : vector<16xi32>
      %slice3A_221 = vector.extract_strided_slice %min3A {offsets = [0], sizes = [1], strides = [1]} : vector<16xi32> to vector<1xi32>
      %squeeze3A_222 = vector.extract %slice3A_221[0] : i32 from vector<1xi32>
      %slice3A_223 = vector.extract_strided_slice %min3A {offsets = [1], sizes = [1], strides = [1]} : vector<16xi32> to vector<1xi32>
      %squeeze3A_224 = vector.extract %slice3A_223[0] : i32 from vector<1xi32>
      %min3A_225 = arith.minsi %squeeze3A_222, %squeeze3A_224 : i32
      %slice3A_226 = vector.extract_strided_slice %min3A {offsets = [2], sizes = [1], strides = [1]} : vector<16xi32> to vector<1xi32>
      %squeeze3A_227 = vector.extract %slice3A_226[0] : i32 from vector<1xi32>
      %min3A_228 = arith.minsi %min3A_225, %squeeze3A_227 : i32
      %slice3A_229 = vector.extract_strided_slice %min3A {offsets = [3], sizes = [1], strides = [1]} : vector<16xi32> to vector<1xi32>
      %squeeze3A_230 = vector.extract %slice3A_229[0] : i32 from vector<1xi32>
      %min3A_231 = arith.minsi %min3A_228, %squeeze3A_230 : i32
      %slice3A_232 = vector.extract_strided_slice %min3A {offsets = [4], sizes = [1], strides = [1]} : vector<16xi32> to vector<1xi32>
      %squeeze3A_233 = vector.extract %slice3A_232[0] : i32 from vector<1xi32>
      %min3A_234 = arith.minsi %min3A_231, %squeeze3A_233 : i32
      %slice3A_235 = vector.extract_strided_slice %min3A {offsets = [5], sizes = [1], strides = [1]} : vector<16xi32> to vector<1xi32>
      %squeeze3A_236 = vector.extract %slice3A_235[0] : i32 from vector<1xi32>
      %min3A_237 = arith.minsi %min3A_234, %squeeze3A_236 : i32
      %slice3A_238 = vector.extract_strided_slice %min3A {offsets = [6], sizes = [1], strides = [1]} : vector<16xi32> to vector<1xi32>
      %squeeze3A_239 = vector.extract %slice3A_238[0] : i32 from vector<1xi32>
      %min3A_240 = arith.minsi %min3A_237, %squeeze3A_239 : i32
      %slice3A_241 = vector.extract_strided_slice %min3A {offsets = [7], sizes = [1], strides = [1]} : vector<16xi32> to vector<1xi32>
      %squeeze3A_242 = vector.extract %slice3A_241[0] : i32 from vector<1xi32>
      %min3A_243 = arith.minsi %min3A_240, %squeeze3A_242 : i32
      %add3A_244 = arith.addi %min3A_243, %mul3A_35 : i32
      %dma_wait3A_245 = tpu.memref_slice %arg17[%add3A_177] : memref<1024xf32, #tpu.memory_space<vmem_shared>> -> memref<128xf32, #tpu.memory_space<vmem_shared>>
      %dma_wait3A_246 = tpu.memref_slice %arg17[%add3A_177] : memref<1024xf32, #tpu.memory_space<vmem_shared>> -> memref<128xf32, #tpu.memory_space<vmem_shared>>
      tpu.wait_dma2 semaphore(%arg20 : memref<!tpu.dma_semaphore, #tpu.memory_space<semaphore_mem>>) src(%dma_wait3A_246 : memref<128xf32, #tpu.memory_space<vmem_shared>>) dst(%arg16 : memref<128xf32, #tpu.memory_space<vmem>>)
      %get3A_247 = arith.constant 0 : index
      %get3A_248 = tpu.vector_load %arg16[%get3A_247] {strides = array<i32>} : memref<128xf32, #tpu.memory_space<vmem>>, vector<16xf32>,
      %get3A_249 = vector.shape_cast %get3A_248 : vector<16xf32> to vector<16xf32>
      %get3A_250 = arith.constant 32 : index
      %get3A_251 = tpu.vector_load %arg16[%get3A_250] {strides = array<i32>} : memref<128xf32, #tpu.memory_space<vmem>>, vector<16xf32>,
      %get3A_252 = vector.shape_cast %get3A_251 : vector<16xf32> to vector<16xf32>
      %get3A_253 = arith.constant 64 : index
      %get3A_254 = tpu.vector_load %arg16[%get3A_253] {strides = array<i32>} : memref<128xf32, #tpu.memory_space<vmem>>, vector<16xf32>,
      %get3A_255 = vector.shape_cast %get3A_254 : vector<16xf32> to vector<16xf32>
      %get3A_256 = arith.constant 96 : index
      %get3A_257 = tpu.vector_load %arg16[%get3A_256] {strides = array<i32>} : memref<128xf32, #tpu.memory_space<vmem>>, vector<16xf32>,
      %get3A_258 = vector.shape_cast %get3A_257 : vector<16xf32> to vector<16xf32>
      %get3A_259 = arith.constant 16 : index
      %get3A_260 = tpu.vector_load %arg16[%get3A_259] {strides = array<i32>} : memref<128xf32, #tpu.memory_space<vmem>>, vector<16xf32>,
      %get3A_261 = vector.shape_cast %get3A_260 : vector<16xf32> to vector<16xf32>
      %get3A_262 = arith.constant 48 : index
      %get3A_263 = tpu.vector_load %arg16[%get3A_262] {strides = array<i32>} : memref<128xf32, #tpu.memory_space<vmem>>, vector<16xf32>,
      %get3A_264 = vector.shape_cast %get3A_263 : vector<16xf32> to vector<16xf32>
      %get3A_265 = arith.constant 80 : index
      %get3A_266 = tpu.vector_load %arg16[%get3A_265] {strides = array<i32>} : memref<128xf32, #tpu.memory_space<vmem>>, vector<16xf32>,
      %get3A_267 = vector.shape_cast %get3A_266 : vector<16xf32> to vector<16xf32>
      %get3A_268 = arith.constant 112 : index
      %get3A_269 = tpu.vector_load %arg16[%get3A_268] {strides = array<i32>} : memref<128xf32, #tpu.memory_space<vmem>>, vector<16xf32>,
      %get3A_270 = vector.shape_cast %get3A_269 : vector<16xf32> to vector<16xf32>
      %max3A_271 = arith.maximumf %get3A_249, %get3A_252 : vector<16xf32>
      %max3A_272 = arith.maximumf %get3A_255, %get3A_258 : vector<16xf32>
      %max3A_273 = arith.maximumf %max3A_271, %max3A_272 : vector<16xf32>
      %eq3A_274 = arith.cmpf oeq, %get3A_249, %max3A_273 : vector<16xf32>
      %jit3A_275 = arith.constant 1.07374182E+9 : f32
      %broadcast_in_dim3A_276 = vector.broadcast %jit3A_275 : f32 to vector<16xf32>
      %select_n3A_277 = arith.select %eq3A_274, %get3A_261, %broadcast_in_dim3A_276 : vector<16xi1>, vector<16xf32>
      %eq3A_278 = arith.cmpf oeq, %get3A_252, %max3A_273 : vector<16xf32>
      %jit3A_279 = arith.constant 1.07374182E+9 : f32
      %broadcast_in_dim3A_280 = vector.broadcast %jit3A_279 : f32 to vector<16xf32>
      %select_n3A_281 = arith.select %eq3A_278, %get3A_264, %broadcast_in_dim3A_280 : vector<16xi1>, vector<16xf32>
      %eq3A_282 = arith.cmpf oeq, %get3A_255, %max3A_273 : vector<16xf32>
      %jit3A_283 = arith.constant 1.07374182E+9 : f32
      %broadcast_in_dim3A_284 = vector.broadcast %jit3A_283 : f32 to vector<16xf32>
      %select_n3A_285 = arith.select %eq3A_282, %get3A_267, %broadcast_in_dim3A_284 : vector<16xi1>, vector<16xf32>
      %eq3A_286 = arith.cmpf oeq, %get3A_258, %max3A_273 : vector<16xf32>
      %jit3A_287 = arith.constant 1.07374182E+9 : f32
      %broadcast_in_dim3A_288 = vector.broadcast %jit3A_287 : f32 to vector<16xf32>
      %select_n3A_289 = arith.select %eq3A_286, %get3A_270, %broadcast_in_dim3A_288 : vector<16xi1>, vector<16xf32>
      %min3A_290 = arith.minimumf %select_n3A_277, %select_n3A_281 : vector<16xf32>
      %min3A_291 = arith.minimumf %select_n3A_285, %select_n3A_289 : vector<16xf32>
      %min3A_292 = arith.minimumf %min3A_290, %min3A_291 : vector<16xf32>
      %slice3A_293 = vector.extract_strided_slice %max3A_273 {offsets = [0], sizes = [1], strides = [1]} : vector<16xf32> to vector<1xf32>
      %squeeze3A_294 = vector.extract %slice3A_293[0] : f32 from vector<1xf32>
      %slice3A_295 = vector.extract_strided_slice %min3A_292 {offsets = [0], sizes = [1], strides = [1]} : vector<16xf32> to vector<1xf32>
      %squeeze3A_296 = vector.extract %slice3A_295[0] : f32 from vector<1xf32>
      %convert_element_type3A_297 = arith.fptosi %squeeze3A_296 : f32 to i32
      %gt3A_298 = arith.constant 0 : i32
      %gt3A_299 = arith.cmpi sgt, %scan3A_130, %gt3A_298 : i32
      %jit3A_300 = arith.constant -1 : i32
      %select_n3A_301 = arith.select %gt3A_299, %convert_element_type3A_297, %jit3A_300 : i32
      %gt3A_302 = arith.constant 0 : i32
      %gt3A_303 = arith.cmpi sgt, %scan3A_130, %gt3A_302 : i32
      %eq3A_304 = arith.constant 0 : i32
      %eq3A_305 = arith.cmpi eq, %select_n3A_28, %eq3A_304 : i32
      %and3A_306 = arith.andi %gt3A_303, %eq3A_305 : i1
      %convert_element_type3A_307 = arith.extui %and3A_306 : i1 to i32
      %cond3A_308 = arith.constant 0 : i32
      %cond3A_309 = arith.cmpi ne, %convert_element_type3A_307, %cond3A_308 : i32
      scf.if %cond3A_309 {
        %eq3A_341 = arith.constant 0 : i32
        %eq3A_342 = vector.broadcast %eq3A_341 : i32 to vector<16xi32>
        %eq3A_343 = arith.cmpi eq, %iota3A, %eq3A_342 : vector<16xi32>
        %sub3A_344 = arith.constant 1 : i32
        %sub3A_345 = arith.subi %scan3A_130, %sub3A_344 : i32
        %get3A_346 = arith.index_cast %sub3A_345 : i32 to index
        %get3A_347 = tpu.vector_load %arg13[%get3A_346] {strides = array<i32>} : memref<80xi32, #tpu.memory_space<vmem>>, vector<16xi32>,
        %get3A_348 = vector.shape_cast %get3A_347 : vector<16xi32> to vector<16xi32>
        %broadcast_in_dim3A_349 = vector.broadcast %select_n3A_301 : i32 to vector<16xi32>
        %select_n3A_350 = arith.select %eq3A_343, %broadcast_in_dim3A_349, %get3A_348 : vector<16xi1>, vector<16xi32>
        %sub3A_351 = arith.constant 1 : i32
        %sub3A_352 = arith.subi %scan3A_130, %sub3A_351 : i32
        %swap3A_353 = arith.index_cast %sub3A_352 : i32 to index
        %swap3A_354 = tpu.vector_load %arg13[%swap3A_353] {strides = array<i32>} : memref<80xi32, #tpu.memory_space<vmem>>, vector<16xi32>,
        %swap3A_355 = vector.shape_cast %swap3A_354 : vector<16xi32> to vector<16xi32>
        %swap3A_356 = vector.shape_cast %select_n3A_350 : vector<16xi32> to vector<16xi32>
        tpu.vector_store %arg13[%swap3A_353], %swap3A_356 {strides = array<i32>} : memref<80xi32, #tpu.memory_space<vmem>>, vector<16xi32>,
        %sub3A_357 = arith.constant 1 : i32
        %sub3A_358 = arith.subi %scan3A_130, %sub3A_357 : i32
        %get3A_359 = arith.index_cast %sub3A_358 : i32 to index
        %get3A_360 = tpu.vector_load %arg14[%get3A_359] {strides = array<i32>} : memref<80xf32, #tpu.memory_space<vmem>>, vector<16xf32>,
        %get3A_361 = vector.shape_cast %get3A_360 : vector<16xf32> to vector<16xf32>
        %broadcast_in_dim3A_362 = vector.broadcast %squeeze3A_294 : f32 to vector<16xf32>
        %select_n3A_363 = arith.select %eq3A_343, %broadcast_in_dim3A_362, %get3A_361 : vector<16xi1>, vector<16xf32>
        %sub3A_364 = arith.constant 1 : i32
        %sub3A_365 = arith.subi %scan3A_130, %sub3A_364 : i32
        %swap3A_366 = arith.index_cast %sub3A_365 : i32 to index
        %swap3A_367 = tpu.vector_load %arg14[%swap3A_366] {strides = array<i32>} : memref<80xf32, #tpu.memory_space<vmem>>, vector<16xf32>,
        %swap3A_368 = vector.shape_cast %swap3A_367 : vector<16xf32> to vector<16xf32>
        %swap3A_369 = vector.shape_cast %select_n3A_363 : vector<16xf32> to vector<16xf32>
        tpu.vector_store %arg14[%swap3A_366], %swap3A_369 {strides = array<i32>} : memref<80xf32, #tpu.memory_space<vmem>>, vector<16xf32>,
      } else {
      }
      %sub3A_310 = arith.subi %select_n3A_301, %mul3A_35 : i32
      %ge3A = arith.constant 0 : i32
      %ge3A_311 = arith.cmpi sge, %sub3A_310, %ge3A : i32
      %lt3A_312 = arith.constant 1280 : i32
      %lt3A_313 = arith.cmpi slt, %sub3A_310, %lt3A_312 : i32
      %and3A_314 = arith.andi %ge3A_311, %lt3A_313 : i1
      %convert_element_type3A_315 = arith.extui %and3A_314 : i1 to i32
      %cond3A_316 = arith.constant 0 : i32
      %cond3A_317 = arith.cmpi ne, %convert_element_type3A_315, %cond3A_316 : i32
      scf.if %cond3A_317 {
        %eq3A_341 = arith.constant 0 : i32
        %eq3A_342 = vector.broadcast %eq3A_341 : i32 to vector<16xi32>
        %eq3A_343 = arith.cmpi eq, %iota3A, %eq3A_342 : vector<16xi32>
        %get3A_344 = arith.index_cast %sub3A_310 : i32 to index
        %get3A_345 = tpu.vector_load %arg9[%get3A_344] {strides = array<i32>} : memref<1296xf32, #tpu.memory_space<vmem>>, vector<16xf32>,
        %get3A_346 = vector.shape_cast %get3A_345 : vector<16xf32> to vector<16xf32>
        %broadcast_in_dim3A_347 = vector.broadcast %scan3A_113 : f32 to vector<16xf32>
        %select_n3A_348 = arith.select %eq3A_343, %broadcast_in_dim3A_347, %get3A_346 : vector<16xi1>, vector<16xf32>
        %swap3A_349 = arith.index_cast %sub3A_310 : i32 to index
        %swap3A_350 = tpu.vector_load %arg9[%swap3A_349] {strides = array<i32>} : memref<1296xf32, #tpu.memory_space<vmem>>, vector<16xf32>,
        %swap3A_351 = vector.shape_cast %swap3A_350 : vector<16xf32> to vector<16xf32>
        %swap3A_352 = vector.shape_cast %select_n3A_348 : vector<16xf32> to vector<16xf32>
        tpu.vector_store %arg9[%swap3A_349], %swap3A_352 {strides = array<i32>} : memref<1296xf32, #tpu.memory_space<vmem>>, vector<16xf32>,
        %get3A_353 = arith.index_cast %sub3A_310 : i32 to index
        %get3A_354 = tpu.vector_load %arg10[%get3A_353] {strides = array<i32>} : memref<1296xf32, #tpu.memory_space<vmem>>, vector<16xf32>,
        %get3A_355 = vector.shape_cast %get3A_354 : vector<16xf32> to vector<16xf32>
        %broadcast_in_dim3A_356 = vector.broadcast %scan3A_113 : f32 to vector<16xf32>
        %select_n3A_357 = arith.select %eq3A_343, %broadcast_in_dim3A_356, %get3A_355 : vector<16xi1>, vector<16xf32>
        %swap3A_358 = arith.index_cast %sub3A_310 : i32 to index
        %swap3A_359 = tpu.vector_load %arg10[%swap3A_358] {strides = array<i32>} : memref<1296xf32, #tpu.memory_space<vmem>>, vector<16xf32>,
        %swap3A_360 = vector.shape_cast %swap3A_359 : vector<16xf32> to vector<16xf32>
        %swap3A_361 = vector.shape_cast %select_n3A_357 : vector<16xf32> to vector<16xf32>
        tpu.vector_store %arg10[%swap3A_358], %swap3A_361 {strides = array<i32>} : memref<1296xf32, #tpu.memory_space<vmem>>, vector<16xf32>,
      } else {
      }
      %broadcast_in_dim3A_318 = vector.broadcast %max3A_210 : f32 to vector<16xf32>
      %swap3A_319 = arith.constant 0 : index
      %swap3A_320 = tpu.vector_load %arg15[%swap3A_319] {strides = array<i32>} : memref<32xf32, #tpu.memory_space<vmem>>, vector<16xf32>,
      %swap3A_321 = vector.shape_cast %swap3A_320 : vector<16xf32> to vector<16xf32>
      %swap3A_322 = vector.shape_cast %broadcast_in_dim3A_318 : vector<16xf32> to vector<16xf32>
      tpu.vector_store %arg15[%swap3A_319], %swap3A_322 {strides = array<i32>} : memref<32xf32, #tpu.memory_space<vmem>>, vector<16xf32>,
      %convert_element_type3A_323 = arith.sitofp %add3A_244 : i32 to f32
      %broadcast_in_dim3A_324 = vector.broadcast %convert_element_type3A_323 : f32 to vector<16xf32>
      %swap3A_325 = arith.constant 16 : index
      %swap3A_326 = tpu.vector_load %arg15[%swap3A_325] {strides = array<i32>} : memref<32xf32, #tpu.memory_space<vmem>>, vector<16xf32>,
      %swap3A_327 = vector.shape_cast %swap3A_326 : vector<16xf32> to vector<16xf32>
      %swap3A_328 = vector.shape_cast %broadcast_in_dim3A_324 : vector<16xf32> to vector<16xf32>
      tpu.vector_store %arg15[%swap3A_325], %swap3A_328 {strides = array<i32>} : memref<32xf32, #tpu.memory_space<vmem>>, vector<16xf32>,
      %eq3A_329 = arith.cmpi eq, %add3A_244, %select_n3A_301 : i32
      %convert_element_type3A_330 = arith.extui %eq3A_329 : i1 to i32
      %cond3A_331 = arith.constant 0 : i32
      %cond3A_332 = arith.cmpi ne, %convert_element_type3A_330, %cond3A_331 : i32
      scf.if %cond3A_332 {
        %get3A_341 = arith.index_cast %scan3A_130 : i32 to index
        %get3A_342 = tpu.vector_load %arg11[%get3A_341] {strides = array<i32>} : memref<80xf32, #tpu.memory_space<vmem>>, vector<16xf32>,
        %get3A_343 = vector.shape_cast %get3A_342 : vector<16xf32> to vector<16xf32>
        %slice3A_344 = vector.extract_strided_slice %get3A_343 {offsets = [0], sizes = [1], strides = [1]} : vector<16xf32> to vector<1xf32>
        %squeeze3A_345 = vector.extract %slice3A_344[0] : f32 from vector<1xf32>
        %get3A_346 = arith.index_cast %scan3A_130 : i32 to index
        %get3A_347 = tpu.vector_load %arg12[%get3A_346] {strides = array<i32>} : memref<80xf32, #tpu.memory_space<vmem>>, vector<16xf32>,
        %get3A_348 = vector.shape_cast %get3A_347 : vector<16xf32> to vector<16xf32>
        %slice3A_349 = vector.extract_strided_slice %get3A_348 {offsets = [0], sizes = [1], strides = [1]} : vector<16xf32> to vector<1xf32>
        %squeeze3A_350 = vector.extract %slice3A_349[0] : f32 from vector<1xf32>
        %sub3A_351 = arith.subf %squeeze3A_350, %squeeze3A_345 : f32
        %broadcast_in_dim3A_352 = arith.constant 0xFF800000 : f32
        %broadcast_in_dim3A_353 = vector.broadcast %broadcast_in_dim3A_352 : f32 to vector<16xf32>
        %broadcast_in_dim3A_354 = arith.constant 0 : i32
        %broadcast_in_dim3A_355 = vector.broadcast %broadcast_in_dim3A_354 : i32 to vector<16xi32>
        %scan3A_356 = arith.constant 0 : i32
        %scan3A_357 = arith.constant 80 : i32
        %scan3A_358 = arith.addi %scan3A_356, %scan3A_357 : i32
        %scan3A_359 = arith.constant 10 : i32
        %scan3A_360:2 = scf.for %scan3A_441 = %scan3A_356 to %scan3A_358 step %scan3A_359 iter_args(%scan3A_442 = %broadcast_in_dim3A_353, %scan3A_443 = %broadcast_in_dim3A_355) -> (vector<16xf32>, vector<16xi32>)  : i32 {
          %mul3A_444 = arith.constant 16 : i32
          %mul3A_445 = arith.muli %scan3A_441, %mul3A_444 : i32
          %get3A_446 = arith.index_cast %mul3A_445 : i32 to index
          %get3A_447 = tpu.vector_load %arg8[%get3A_446] {strides = array<i32>} : memref<1280xf32, #tpu.memory_space<vmem>>, vector<16xf32>,
          %get3A_448 = vector.shape_cast %get3A_447 : vector<16xf32> to vector<16xf32>
          %get3A_449 = arith.index_cast %mul3A_445 : i32 to index
          %get3A_450 = tpu.vector_load %arg9[%get3A_449] {strides = array<i32>} : memref<1296xf32, #tpu.memory_space<vmem>>, vector<16xf32>,
          %get3A_451 = vector.shape_cast %get3A_450 : vector<16xf32> to vector<16xf32>
          %min3A_452 = vector.broadcast %squeeze3A_350 : f32 to vector<16xf32>
          %min3A_453 = arith.minimumf %min3A_452, %get3A_451 : vector<16xf32>
          %max3A_454 = vector.broadcast %squeeze3A_345 : f32 to vector<16xf32>
          %max3A_455 = arith.maximumf %max3A_454, %get3A_448 : vector<16xf32>
          %sub3A_456 = arith.subf %min3A_453, %max3A_455 : vector<16xf32>
          %max3A_457 = arith.constant 0.000000e+00 : f32
          %max3A_458 = vector.broadcast %max3A_457 : f32 to vector<16xf32>
          %max3A_459 = arith.maximumf %sub3A_456, %max3A_458 : vector<16xf32>
          %get3A_460 = arith.index_cast %mul3A_445 : i32 to index
          %get3A_461 = tpu.vector_load %arg10[%get3A_460] {strides = array<i32>} : memref<1296xf32, #tpu.memory_space<vmem>>, vector<16xf32>,
          %get3A_462 = vector.shape_cast %get3A_461 : vector<16xf32> to vector<16xf32>
          %add3A_463 = vector.broadcast %sub3A_351 : f32 to vector<16xf32>
          %add3A_464 = arith.addf %add3A_463, %get3A_462 : vector<16xf32>
          %sub3A_465 = arith.subf %add3A_464, %max3A_459 : vector<16xf32>
          %max3A_466 = arith.constant 9.99999993E-9 : f32
          %max3A_467 = vector.broadcast %max3A_466 : f32 to vector<16xf32>
          %max3A_468 = arith.maximumf %sub3A_465, %max3A_467 : vector<16xf32>
          %div3A_469 = arith.divf %max3A_459, %max3A_468 : vector<16xf32>
          %max3A_470 = vector.broadcast %squeeze3A_350 : f32 to vector<16xf32>
          %max3A_471 = arith.maximumf %max3A_470, %get3A_451 : vector<16xf32>
          %min3A_472 = vector.broadcast %squeeze3A_345 : f32 to vector<16xf32>
          %min3A_473 = arith.minimumf %min3A_472, %get3A_448 : vector<16xf32>
          %sub3A_474 = arith.subf %max3A_471, %min3A_473 : vector<16xf32>
          %sub3A_475 = arith.subf %sub3A_474, %sub3A_465 : vector<16xf32>
          %max3A_476 = arith.constant 9.99999993E-9 : f32
          %max3A_477 = vector.broadcast %max3A_476 : f32 to vector<16xf32>
          %max3A_478 = arith.maximumf %sub3A_474, %max3A_477 : vector<16xf32>
          %div3A_479 = arith.divf %sub3A_475, %max3A_478 : vector<16xf32>
          %sub3A_480 = arith.subf %div3A_469, %div3A_479 : vector<16xf32>
          %gt3A_481 = arith.cmpf ogt, %sub3A_480, %scan3A_442 : vector<16xf32>
          %select_n3A_482 = arith.select %gt3A_481, %sub3A_480, %scan3A_442 : vector<16xi1>, vector<16xf32>
          %broadcast_in_dim3A_483 = vector.broadcast %scan3A_441 : i32 to vector<16xi32>
          %select_n3A_484 = arith.select %gt3A_481, %broadcast_in_dim3A_483, %scan3A_443 : vector<16xi1>, vector<16xi32>
          %scan3A_485 = arith.constant 1 : i32
          %scan3A_486 = arith.addi %scan3A_441, %scan3A_485 : i32
          %mul3A_487 = arith.constant 16 : i32
          %mul3A_488 = arith.muli %scan3A_486, %mul3A_487 : i32
          %get3A_489 = arith.index_cast %mul3A_488 : i32 to index
          %get3A_490 = tpu.vector_load %arg8[%get3A_489] {strides = array<i32>} : memref<1280xf32, #tpu.memory_space<vmem>>, vector<16xf32>,
          %get3A_491 = vector.shape_cast %get3A_490 : vector<16xf32> to vector<16xf32>
          %get3A_492 = arith.index_cast %mul3A_488 : i32 to index
          %get3A_493 = tpu.vector_load %arg9[%get3A_492] {strides = array<i32>} : memref<1296xf32, #tpu.memory_space<vmem>>, vector<16xf32>,
          %get3A_494 = vector.shape_cast %get3A_493 : vector<16xf32> to vector<16xf32>
          %min3A_495 = vector.broadcast %squeeze3A_350 : f32 to vector<16xf32>
          %min3A_496 = arith.minimumf %min3A_495, %get3A_494 : vector<16xf32>
          %max3A_497 = vector.broadcast %squeeze3A_345 : f32 to vector<16xf32>
          %max3A_498 = arith.maximumf %max3A_497, %get3A_491 : vector<16xf32>
          %sub3A_499 = arith.subf %min3A_496, %max3A_498 : vector<16xf32>
          %max3A_500 = arith.constant 0.000000e+00 : f32
          %max3A_501 = vector.broadcast %max3A_500 : f32 to vector<16xf32>
          %max3A_502 = arith.maximumf %sub3A_499, %max3A_501 : vector<16xf32>
          %get3A_503 = arith.index_cast %mul3A_488 : i32 to index
          %get3A_504 = tpu.vector_load %arg10[%get3A_503] {strides = array<i32>} : memref<1296xf32, #tpu.memory_space<vmem>>, vector<16xf32>,
          %get3A_505 = vector.shape_cast %get3A_504 : vector<16xf32> to vector<16xf32>
          %add3A_506 = vector.broadcast %sub3A_351 : f32 to vector<16xf32>
          %add3A_507 = arith.addf %add3A_506, %get3A_505 : vector<16xf32>
          %sub3A_508 = arith.subf %add3A_507, %max3A_502 : vector<16xf32>
          %max3A_509 = arith.constant 9.99999993E-9 : f32
          %max3A_510 = vector.broadcast %max3A_509 : f32 to vector<16xf32>
          %max3A_511 = arith.maximumf %sub3A_508, %max3A_510 : vector<16xf32>
          %div3A_512 = arith.divf %max3A_502, %max3A_511 : vector<16xf32>
          %max3A_513 = vector.broadcast %squeeze3A_350 : f32 to vector<16xf32>
          %max3A_514 = arith.maximumf %max3A_513, %get3A_494 : vector<16xf32>
          %min3A_515 = vector.broadcast %squeeze3A_345 : f32 to vector<16xf32>
          %min3A_516 = arith.minimumf %min3A_515, %get3A_491 : vector<16xf32>
          %sub3A_517 = arith.subf %max3A_514, %min3A_516 : vector<16xf32>
          %sub3A_518 = arith.subf %sub3A_517, %sub3A_508 : vector<16xf32>
          %max3A_519 = arith.constant 9.99999993E-9 : f32
          %max3A_520 = vector.broadcast %max3A_519 : f32 to vector<16xf32>
          %max3A_521 = arith.maximumf %sub3A_517, %max3A_520 : vector<16xf32>
          %div3A_522 = arith.divf %sub3A_518, %max3A_521 : vector<16xf32>
          %sub3A_523 = arith.subf %div3A_512, %div3A_522 : vector<16xf32>
          %gt3A_524 = arith.cmpf ogt, %sub3A_523, %select_n3A_482 : vector<16xf32>
          %select_n3A_525 = arith.select %gt3A_524, %sub3A_523, %select_n3A_482 : vector<16xi1>, vector<16xf32>
          %broadcast_in_dim3A_526 = vector.broadcast %scan3A_486 : i32 to vector<16xi32>
          %select_n3A_527 = arith.select %gt3A_524, %broadcast_in_dim3A_526, %select_n3A_484 : vector<16xi1>, vector<16xi32>
          %scan3A_528 = arith.constant 2 : i32
          %scan3A_529 = arith.addi %scan3A_441, %scan3A_528 : i32
          %mul3A_530 = arith.constant 16 : i32
          %mul3A_531 = arith.muli %scan3A_529, %mul3A_530 : i32
          %get3A_532 = arith.index_cast %mul3A_531 : i32 to index
          %get3A_533 = tpu.vector_load %arg8[%get3A_532] {strides = array<i32>} : memref<1280xf32, #tpu.memory_space<vmem>>, vector<16xf32>,
          %get3A_534 = vector.shape_cast %get3A_533 : vector<16xf32> to vector<16xf32>
          %get3A_535 = arith.index_cast %mul3A_531 : i32 to index
          %get3A_536 = tpu.vector_load %arg9[%get3A_535] {strides = array<i32>} : memref<1296xf32, #tpu.memory_space<vmem>>, vector<16xf32>,
          %get3A_537 = vector.shape_cast %get3A_536 : vector<16xf32> to vector<16xf32>
          %min3A_538 = vector.broadcast %squeeze3A_350 : f32 to vector<16xf32>
          %min3A_539 = arith.minimumf %min3A_538, %get3A_537 : vector<16xf32>
          %max3A_540 = vector.broadcast %squeeze3A_345 : f32 to vector<16xf32>
          %max3A_541 = arith.maximumf %max3A_540, %get3A_534 : vector<16xf32>
          %sub3A_542 = arith.subf %min3A_539, %max3A_541 : vector<16xf32>
          %max3A_543 = arith.constant 0.000000e+00 : f32
          %max3A_544 = vector.broadcast %max3A_543 : f32 to vector<16xf32>
          %max3A_545 = arith.maximumf %sub3A_542, %max3A_544 : vector<16xf32>
          %get3A_546 = arith.index_cast %mul3A_531 : i32 to index
          %get3A_547 = tpu.vector_load %arg10[%get3A_546] {strides = array<i32>} : memref<1296xf32, #tpu.memory_space<vmem>>, vector<16xf32>,
          %get3A_548 = vector.shape_cast %get3A_547 : vector<16xf32> to vector<16xf32>
          %add3A_549 = vector.broadcast %sub3A_351 : f32 to vector<16xf32>
          %add3A_550 = arith.addf %add3A_549, %get3A_548 : vector<16xf32>
          %sub3A_551 = arith.subf %add3A_550, %max3A_545 : vector<16xf32>
          %max3A_552 = arith.constant 9.99999993E-9 : f32
          %max3A_553 = vector.broadcast %max3A_552 : f32 to vector<16xf32>
          %max3A_554 = arith.maximumf %sub3A_551, %max3A_553 : vector<16xf32>
          %div3A_555 = arith.divf %max3A_545, %max3A_554 : vector<16xf32>
          %max3A_556 = vector.broadcast %squeeze3A_350 : f32 to vector<16xf32>
          %max3A_557 = arith.maximumf %max3A_556, %get3A_537 : vector<16xf32>
          %min3A_558 = vector.broadcast %squeeze3A_345 : f32 to vector<16xf32>
          %min3A_559 = arith.minimumf %min3A_558, %get3A_534 : vector<16xf32>
          %sub3A_560 = arith.subf %max3A_557, %min3A_559 : vector<16xf32>
          %sub3A_561 = arith.subf %sub3A_560, %sub3A_551 : vector<16xf32>
          %max3A_562 = arith.constant 9.99999993E-9 : f32
          %max3A_563 = vector.broadcast %max3A_562 : f32 to vector<16xf32>
          %max3A_564 = arith.maximumf %sub3A_560, %max3A_563 : vector<16xf32>
          %div3A_565 = arith.divf %sub3A_561, %max3A_564 : vector<16xf32>
          %sub3A_566 = arith.subf %div3A_555, %div3A_565 : vector<16xf32>
          %gt3A_567 = arith.cmpf ogt, %sub3A_566, %select_n3A_525 : vector<16xf32>
          %select_n3A_568 = arith.select %gt3A_567, %sub3A_566, %select_n3A_525 : vector<16xi1>, vector<16xf32>
          %broadcast_in_dim3A_569 = vector.broadcast %scan3A_529 : i32 to vector<16xi32>
          %select_n3A_570 = arith.select %gt3A_567, %broadcast_in_dim3A_569, %select_n3A_527 : vector<16xi1>, vector<16xi32>
          %scan3A_571 = arith.constant 3 : i32
          %scan3A_572 = arith.addi %scan3A_441, %scan3A_571 : i32
          %mul3A_573 = arith.constant 16 : i32
          %mul3A_574 = arith.muli %scan3A_572, %mul3A_573 : i32
          %get3A_575 = arith.index_cast %mul3A_574 : i32 to index
          %get3A_576 = tpu.vector_load %arg8[%get3A_575] {strides = array<i32>} : memref<1280xf32, #tpu.memory_space<vmem>>, vector<16xf32>,
          %get3A_577 = vector.shape_cast %get3A_576 : vector<16xf32> to vector<16xf32>
          %get3A_578 = arith.index_cast %mul3A_574 : i32 to index
          %get3A_579 = tpu.vector_load %arg9[%get3A_578] {strides = array<i32>} : memref<1296xf32, #tpu.memory_space<vmem>>, vector<16xf32>,
          %get3A_580 = vector.shape_cast %get3A_579 : vector<16xf32> to vector<16xf32>
          %min3A_581 = vector.broadcast %squeeze3A_350 : f32 to vector<16xf32>
          %min3A_582 = arith.minimumf %min3A_581, %get3A_580 : vector<16xf32>
          %max3A_583 = vector.broadcast %squeeze3A_345 : f32 to vector<16xf32>
          %max3A_584 = arith.maximumf %max3A_583, %get3A_577 : vector<16xf32>
          %sub3A_585 = arith.subf %min3A_582, %max3A_584 : vector<16xf32>
          %max3A_586 = arith.constant 0.000000e+00 : f32
          %max3A_587 = vector.broadcast %max3A_586 : f32 to vector<16xf32>
          %max3A_588 = arith.maximumf %sub3A_585, %max3A_587 : vector<16xf32>
          %get3A_589 = arith.index_cast %mul3A_574 : i32 to index
          %get3A_590 = tpu.vector_load %arg10[%get3A_589] {strides = array<i32>} : memref<1296xf32, #tpu.memory_space<vmem>>, vector<16xf32>,
          %get3A_591 = vector.shape_cast %get3A_590 : vector<16xf32> to vector<16xf32>
          %add3A_592 = vector.broadcast %sub3A_351 : f32 to vector<16xf32>
          %add3A_593 = arith.addf %add3A_592, %get3A_591 : vector<16xf32>
          %sub3A_594 = arith.subf %add3A_593, %max3A_588 : vector<16xf32>
          %max3A_595 = arith.constant 9.99999993E-9 : f32
          %max3A_596 = vector.broadcast %max3A_595 : f32 to vector<16xf32>
          %max3A_597 = arith.maximumf %sub3A_594, %max3A_596 : vector<16xf32>
          %div3A_598 = arith.divf %max3A_588, %max3A_597 : vector<16xf32>
          %max3A_599 = vector.broadcast %squeeze3A_350 : f32 to vector<16xf32>
          %max3A_600 = arith.maximumf %max3A_599, %get3A_580 : vector<16xf32>
          %min3A_601 = vector.broadcast %squeeze3A_345 : f32 to vector<16xf32>
          %min3A_602 = arith.minimumf %min3A_601, %get3A_577 : vector<16xf32>
          %sub3A_603 = arith.subf %max3A_600, %min3A_602 : vector<16xf32>
          %sub3A_604 = arith.subf %sub3A_603, %sub3A_594 : vector<16xf32>
          %max3A_605 = arith.constant 9.99999993E-9 : f32
          %max3A_606 = vector.broadcast %max3A_605 : f32 to vector<16xf32>
          %max3A_607 = arith.maximumf %sub3A_603, %max3A_606 : vector<16xf32>
          %div3A_608 = arith.divf %sub3A_604, %max3A_607 : vector<16xf32>
          %sub3A_609 = arith.subf %div3A_598, %div3A_608 : vector<16xf32>
          %gt3A_610 = arith.cmpf ogt, %sub3A_609, %select_n3A_568 : vector<16xf32>
          %select_n3A_611 = arith.select %gt3A_610, %sub3A_609, %select_n3A_568 : vector<16xi1>, vector<16xf32>
          %broadcast_in_dim3A_612 = vector.broadcast %scan3A_572 : i32 to vector<16xi32>
          %select_n3A_613 = arith.select %gt3A_610, %broadcast_in_dim3A_612, %select_n3A_570 : vector<16xi1>, vector<16xi32>
          %scan3A_614 = arith.constant 4 : i32
          %scan3A_615 = arith.addi %scan3A_441, %scan3A_614 : i32
          %mul3A_616 = arith.constant 16 : i32
          %mul3A_617 = arith.muli %scan3A_615, %mul3A_616 : i32
          %get3A_618 = arith.index_cast %mul3A_617 : i32 to index
          %get3A_619 = tpu.vector_load %arg8[%get3A_618] {strides = array<i32>} : memref<1280xf32, #tpu.memory_space<vmem>>, vector<16xf32>,
          %get3A_620 = vector.shape_cast %get3A_619 : vector<16xf32> to vector<16xf32>
          %get3A_621 = arith.index_cast %mul3A_617 : i32 to index
          %get3A_622 = tpu.vector_load %arg9[%get3A_621] {strides = array<i32>} : memref<1296xf32, #tpu.memory_space<vmem>>, vector<16xf32>,
          %get3A_623 = vector.shape_cast %get3A_622 : vector<16xf32> to vector<16xf32>
          %min3A_624 = vector.broadcast %squeeze3A_350 : f32 to vector<16xf32>
          %min3A_625 = arith.minimumf %min3A_624, %get3A_623 : vector<16xf32>
          %max3A_626 = vector.broadcast %squeeze3A_345 : f32 to vector<16xf32>
          %max3A_627 = arith.maximumf %max3A_626, %get3A_620 : vector<16xf32>
          %sub3A_628 = arith.subf %min3A_625, %max3A_627 : vector<16xf32>
          %max3A_629 = arith.constant 0.000000e+00 : f32
          %max3A_630 = vector.broadcast %max3A_629 : f32 to vector<16xf32>
          %max3A_631 = arith.maximumf %sub3A_628, %max3A_630 : vector<16xf32>
          %get3A_632 = arith.index_cast %mul3A_617 : i32 to index
          %get3A_633 = tpu.vector_load %arg10[%get3A_632] {strides = array<i32>} : memref<1296xf32, #tpu.memory_space<vmem>>, vector<16xf32>,
          %get3A_634 = vector.shape_cast %get3A_633 : vector<16xf32> to vector<16xf32>
          %add3A_635 = vector.broadcast %sub3A_351 : f32 to vector<16xf32>
          %add3A_636 = arith.addf %add3A_635, %get3A_634 : vector<16xf32>
          %sub3A_637 = arith.subf %add3A_636, %max3A_631 : vector<16xf32>
          %max3A_638 = arith.constant 9.99999993E-9 : f32
          %max3A_639 = vector.broadcast %max3A_638 : f32 to vector<16xf32>
          %max3A_640 = arith.maximumf %sub3A_637, %max3A_639 : vector<16xf32>
          %div3A_641 = arith.divf %max3A_631, %max3A_640 : vector<16xf32>
          %max3A_642 = vector.broadcast %squeeze3A_350 : f32 to vector<16xf32>
          %max3A_643 = arith.maximumf %max3A_642, %get3A_623 : vector<16xf32>
          %min3A_644 = vector.broadcast %squeeze3A_345 : f32 to vector<16xf32>
          %min3A_645 = arith.minimumf %min3A_644, %get3A_620 : vector<16xf32>
          %sub3A_646 = arith.subf %max3A_643, %min3A_645 : vector<16xf32>
          %sub3A_647 = arith.subf %sub3A_646, %sub3A_637 : vector<16xf32>
          %max3A_648 = arith.constant 9.99999993E-9 : f32
          %max3A_649 = vector.broadcast %max3A_648 : f32 to vector<16xf32>
          %max3A_650 = arith.maximumf %sub3A_646, %max3A_649 : vector<16xf32>
          %div3A_651 = arith.divf %sub3A_647, %max3A_650 : vector<16xf32>
          %sub3A_652 = arith.subf %div3A_641, %div3A_651 : vector<16xf32>
          %gt3A_653 = arith.cmpf ogt, %sub3A_652, %select_n3A_611 : vector<16xf32>
          %select_n3A_654 = arith.select %gt3A_653, %sub3A_652, %select_n3A_611 : vector<16xi1>, vector<16xf32>
          %broadcast_in_dim3A_655 = vector.broadcast %scan3A_615 : i32 to vector<16xi32>
          %select_n3A_656 = arith.select %gt3A_653, %broadcast_in_dim3A_655, %select_n3A_613 : vector<16xi1>, vector<16xi32>
          %scan3A_657 = arith.constant 5 : i32
          %scan3A_658 = arith.addi %scan3A_441, %scan3A_657 : i32
          %mul3A_659 = arith.constant 16 : i32
          %mul3A_660 = arith.muli %scan3A_658, %mul3A_659 : i32
          %get3A_661 = arith.index_cast %mul3A_660 : i32 to index
          %get3A_662 = tpu.vector_load %arg8[%get3A_661] {strides = array<i32>} : memref<1280xf32, #tpu.memory_space<vmem>>, vector<16xf32>,
          %get3A_663 = vector.shape_cast %get3A_662 : vector<16xf32> to vector<16xf32>
          %get3A_664 = arith.index_cast %mul3A_660 : i32 to index
          %get3A_665 = tpu.vector_load %arg9[%get3A_664] {strides = array<i32>} : memref<1296xf32, #tpu.memory_space<vmem>>, vector<16xf32>,
          %get3A_666 = vector.shape_cast %get3A_665 : vector<16xf32> to vector<16xf32>
          %min3A_667 = vector.broadcast %squeeze3A_350 : f32 to vector<16xf32>
          %min3A_668 = arith.minimumf %min3A_667, %get3A_666 : vector<16xf32>
          %max3A_669 = vector.broadcast %squeeze3A_345 : f32 to vector<16xf32>
          %max3A_670 = arith.maximumf %max3A_669, %get3A_663 : vector<16xf32>
          %sub3A_671 = arith.subf %min3A_668, %max3A_670 : vector<16xf32>
          %max3A_672 = arith.constant 0.000000e+00 : f32
          %max3A_673 = vector.broadcast %max3A_672 : f32 to vector<16xf32>
          %max3A_674 = arith.maximumf %sub3A_671, %max3A_673 : vector<16xf32>
          %get3A_675 = arith.index_cast %mul3A_660 : i32 to index
          %get3A_676 = tpu.vector_load %arg10[%get3A_675] {strides = array<i32>} : memref<1296xf32, #tpu.memory_space<vmem>>, vector<16xf32>,
          %get3A_677 = vector.shape_cast %get3A_676 : vector<16xf32> to vector<16xf32>
          %add3A_678 = vector.broadcast %sub3A_351 : f32 to vector<16xf32>
          %add3A_679 = arith.addf %add3A_678, %get3A_677 : vector<16xf32>
          %sub3A_680 = arith.subf %add3A_679, %max3A_674 : vector<16xf32>
          %max3A_681 = arith.constant 9.99999993E-9 : f32
          %max3A_682 = vector.broadcast %max3A_681 : f32 to vector<16xf32>
          %max3A_683 = arith.maximumf %sub3A_680, %max3A_682 : vector<16xf32>
          %div3A_684 = arith.divf %max3A_674, %max3A_683 : vector<16xf32>
          %max3A_685 = vector.broadcast %squeeze3A_350 : f32 to vector<16xf32>
          %max3A_686 = arith.maximumf %max3A_685, %get3A_666 : vector<16xf32>
          %min3A_687 = vector.broadcast %squeeze3A_345 : f32 to vector<16xf32>
          %min3A_688 = arith.minimumf %min3A_687, %get3A_663 : vector<16xf32>
          %sub3A_689 = arith.subf %max3A_686, %min3A_688 : vector<16xf32>
          %sub3A_690 = arith.subf %sub3A_689, %sub3A_680 : vector<16xf32>
          %max3A_691 = arith.constant 9.99999993E-9 : f32
          %max3A_692 = vector.broadcast %max3A_691 : f32 to vector<16xf32>
          %max3A_693 = arith.maximumf %sub3A_689, %max3A_692 : vector<16xf32>
          %div3A_694 = arith.divf %sub3A_690, %max3A_693 : vector<16xf32>
          %sub3A_695 = arith.subf %div3A_684, %div3A_694 : vector<16xf32>
          %gt3A_696 = arith.cmpf ogt, %sub3A_695, %select_n3A_654 : vector<16xf32>
          %select_n3A_697 = arith.select %gt3A_696, %sub3A_695, %select_n3A_654 : vector<16xi1>, vector<16xf32>
          %broadcast_in_dim3A_698 = vector.broadcast %scan3A_658 : i32 to vector<16xi32>
          %select_n3A_699 = arith.select %gt3A_696, %broadcast_in_dim3A_698, %select_n3A_656 : vector<16xi1>, vector<16xi32>
          %scan3A_700 = arith.constant 6 : i32
          %scan3A_701 = arith.addi %scan3A_441, %scan3A_700 : i32
          %mul3A_702 = arith.constant 16 : i32
          %mul3A_703 = arith.muli %scan3A_701, %mul3A_702 : i32
          %get3A_704 = arith.index_cast %mul3A_703 : i32 to index
          %get3A_705 = tpu.vector_load %arg8[%get3A_704] {strides = array<i32>} : memref<1280xf32, #tpu.memory_space<vmem>>, vector<16xf32>,
          %get3A_706 = vector.shape_cast %get3A_705 : vector<16xf32> to vector<16xf32>
          %get3A_707 = arith.index_cast %mul3A_703 : i32 to index
          %get3A_708 = tpu.vector_load %arg9[%get3A_707] {strides = array<i32>} : memref<1296xf32, #tpu.memory_space<vmem>>, vector<16xf32>,
          %get3A_709 = vector.shape_cast %get3A_708 : vector<16xf32> to vector<16xf32>
          %min3A_710 = vector.broadcast %squeeze3A_350 : f32 to vector<16xf32>
          %min3A_711 = arith.minimumf %min3A_710, %get3A_709 : vector<16xf32>
          %max3A_712 = vector.broadcast %squeeze3A_345 : f32 to vector<16xf32>
          %max3A_713 = arith.maximumf %max3A_712, %get3A_706 : vector<16xf32>
          %sub3A_714 = arith.subf %min3A_711, %max3A_713 : vector<16xf32>
          %max3A_715 = arith.constant 0.000000e+00 : f32
          %max3A_716 = vector.broadcast %max3A_715 : f32 to vector<16xf32>
          %max3A_717 = arith.maximumf %sub3A_714, %max3A_716 : vector<16xf32>
          %get3A_718 = arith.index_cast %mul3A_703 : i32 to index
          %get3A_719 = tpu.vector_load %arg10[%get3A_718] {strides = array<i32>} : memref<1296xf32, #tpu.memory_space<vmem>>, vector<16xf32>,
          %get3A_720 = vector.shape_cast %get3A_719 : vector<16xf32> to vector<16xf32>
          %add3A_721 = vector.broadcast %sub3A_351 : f32 to vector<16xf32>
          %add3A_722 = arith.addf %add3A_721, %get3A_720 : vector<16xf32>
          %sub3A_723 = arith.subf %add3A_722, %max3A_717 : vector<16xf32>
          %max3A_724 = arith.constant 9.99999993E-9 : f32
          %max3A_725 = vector.broadcast %max3A_724 : f32 to vector<16xf32>
          %max3A_726 = arith.maximumf %sub3A_723, %max3A_725 : vector<16xf32>
          %div3A_727 = arith.divf %max3A_717, %max3A_726 : vector<16xf32>
          %max3A_728 = vector.broadcast %squeeze3A_350 : f32 to vector<16xf32>
          %max3A_729 = arith.maximumf %max3A_728, %get3A_709 : vector<16xf32>
          %min3A_730 = vector.broadcast %squeeze3A_345 : f32 to vector<16xf32>
          %min3A_731 = arith.minimumf %min3A_730, %get3A_706 : vector<16xf32>
          %sub3A_732 = arith.subf %max3A_729, %min3A_731 : vector<16xf32>
          %sub3A_733 = arith.subf %sub3A_732, %sub3A_723 : vector<16xf32>
          %max3A_734 = arith.constant 9.99999993E-9 : f32
          %max3A_735 = vector.broadcast %max3A_734 : f32 to vector<16xf32>
          %max3A_736 = arith.maximumf %sub3A_732, %max3A_735 : vector<16xf32>
          %div3A_737 = arith.divf %sub3A_733, %max3A_736 : vector<16xf32>
          %sub3A_738 = arith.subf %div3A_727, %div3A_737 : vector<16xf32>
          %gt3A_739 = arith.cmpf ogt, %sub3A_738, %select_n3A_697 : vector<16xf32>
          %select_n3A_740 = arith.select %gt3A_739, %sub3A_738, %select_n3A_697 : vector<16xi1>, vector<16xf32>
          %broadcast_in_dim3A_741 = vector.broadcast %scan3A_701 : i32 to vector<16xi32>
          %select_n3A_742 = arith.select %gt3A_739, %broadcast_in_dim3A_741, %select_n3A_699 : vector<16xi1>, vector<16xi32>
          %scan3A_743 = arith.constant 7 : i32
          %scan3A_744 = arith.addi %scan3A_441, %scan3A_743 : i32
          %mul3A_745 = arith.constant 16 : i32
          %mul3A_746 = arith.muli %scan3A_744, %mul3A_745 : i32
          %get3A_747 = arith.index_cast %mul3A_746 : i32 to index
          %get3A_748 = tpu.vector_load %arg8[%get3A_747] {strides = array<i32>} : memref<1280xf32, #tpu.memory_space<vmem>>, vector<16xf32>,
          %get3A_749 = vector.shape_cast %get3A_748 : vector<16xf32> to vector<16xf32>
          %get3A_750 = arith.index_cast %mul3A_746 : i32 to index
          %get3A_751 = tpu.vector_load %arg9[%get3A_750] {strides = array<i32>} : memref<1296xf32, #tpu.memory_space<vmem>>, vector<16xf32>,
          %get3A_752 = vector.shape_cast %get3A_751 : vector<16xf32> to vector<16xf32>
          %min3A_753 = vector.broadcast %squeeze3A_350 : f32 to vector<16xf32>
          %min3A_754 = arith.minimumf %min3A_753, %get3A_752 : vector<16xf32>
          %max3A_755 = vector.broadcast %squeeze3A_345 : f32 to vector<16xf32>
          %max3A_756 = arith.maximumf %max3A_755, %get3A_749 : vector<16xf32>
          %sub3A_757 = arith.subf %min3A_754, %max3A_756 : vector<16xf32>
          %max3A_758 = arith.constant 0.000000e+00 : f32
          %max3A_759 = vector.broadcast %max3A_758 : f32 to vector<16xf32>
          %max3A_760 = arith.maximumf %sub3A_757, %max3A_759 : vector<16xf32>
          %get3A_761 = arith.index_cast %mul3A_746 : i32 to index
          %get3A_762 = tpu.vector_load %arg10[%get3A_761] {strides = array<i32>} : memref<1296xf32, #tpu.memory_space<vmem>>, vector<16xf32>,
          %get3A_763 = vector.shape_cast %get3A_762 : vector<16xf32> to vector<16xf32>
          %add3A_764 = vector.broadcast %sub3A_351 : f32 to vector<16xf32>
          %add3A_765 = arith.addf %add3A_764, %get3A_763 : vector<16xf32>
          %sub3A_766 = arith.subf %add3A_765, %max3A_760 : vector<16xf32>
          %max3A_767 = arith.constant 9.99999993E-9 : f32
          %max3A_768 = vector.broadcast %max3A_767 : f32 to vector<16xf32>
          %max3A_769 = arith.maximumf %sub3A_766, %max3A_768 : vector<16xf32>
          %div3A_770 = arith.divf %max3A_760, %max3A_769 : vector<16xf32>
          %max3A_771 = vector.broadcast %squeeze3A_350 : f32 to vector<16xf32>
          %max3A_772 = arith.maximumf %max3A_771, %get3A_752 : vector<16xf32>
          %min3A_773 = vector.broadcast %squeeze3A_345 : f32 to vector<16xf32>
          %min3A_774 = arith.minimumf %min3A_773, %get3A_749 : vector<16xf32>
          %sub3A_775 = arith.subf %max3A_772, %min3A_774 : vector<16xf32>
          %sub3A_776 = arith.subf %sub3A_775, %sub3A_766 : vector<16xf32>
          %max3A_777 = arith.constant 9.99999993E-9 : f32
          %max3A_778 = vector.broadcast %max3A_777 : f32 to vector<16xf32>
          %max3A_779 = arith.maximumf %sub3A_775, %max3A_778 : vector<16xf32>
          %div3A_780 = arith.divf %sub3A_776, %max3A_779 : vector<16xf32>
          %sub3A_781 = arith.subf %div3A_770, %div3A_780 : vector<16xf32>
          %gt3A_782 = arith.cmpf ogt, %sub3A_781, %select_n3A_740 : vector<16xf32>
          %select_n3A_783 = arith.select %gt3A_782, %sub3A_781, %select_n3A_740 : vector<16xi1>, vector<16xf32>
          %broadcast_in_dim3A_784 = vector.broadcast %scan3A_744 : i32 to vector<16xi32>
          %select_n3A_785 = arith.select %gt3A_782, %broadcast_in_dim3A_784, %select_n3A_742 : vector<16xi1>, vector<16xi32>
          %scan3A_786 = arith.constant 8 : i32
          %scan3A_787 = arith.addi %scan3A_441, %scan3A_786 : i32
          %mul3A_788 = arith.constant 16 : i32
          %mul3A_789 = arith.muli %scan3A_787, %mul3A_788 : i32
          %get3A_790 = arith.index_cast %mul3A_789 : i32 to index
          %get3A_791 = tpu.vector_load %arg8[%get3A_790] {strides = array<i32>} : memref<1280xf32, #tpu.memory_space<vmem>>, vector<16xf32>,
          %get3A_792 = vector.shape_cast %get3A_791 : vector<16xf32> to vector<16xf32>
          %get3A_793 = arith.index_cast %mul3A_789 : i32 to index
          %get3A_794 = tpu.vector_load %arg9[%get3A_793] {strides = array<i32>} : memref<1296xf32, #tpu.memory_space<vmem>>, vector<16xf32>,
          %get3A_795 = vector.shape_cast %get3A_794 : vector<16xf32> to vector<16xf32>
          %min3A_796 = vector.broadcast %squeeze3A_350 : f32 to vector<16xf32>
          %min3A_797 = arith.minimumf %min3A_796, %get3A_795 : vector<16xf32>
          %max3A_798 = vector.broadcast %squeeze3A_345 : f32 to vector<16xf32>
          %max3A_799 = arith.maximumf %max3A_798, %get3A_792 : vector<16xf32>
          %sub3A_800 = arith.subf %min3A_797, %max3A_799 : vector<16xf32>
          %max3A_801 = arith.constant 0.000000e+00 : f32
          %max3A_802 = vector.broadcast %max3A_801 : f32 to vector<16xf32>
          %max3A_803 = arith.maximumf %sub3A_800, %max3A_802 : vector<16xf32>
          %get3A_804 = arith.index_cast %mul3A_789 : i32 to index
          %get3A_805 = tpu.vector_load %arg10[%get3A_804] {strides = array<i32>} : memref<1296xf32, #tpu.memory_space<vmem>>, vector<16xf32>,
          %get3A_806 = vector.shape_cast %get3A_805 : vector<16xf32> to vector<16xf32>
          %add3A_807 = vector.broadcast %sub3A_351 : f32 to vector<16xf32>
          %add3A_808 = arith.addf %add3A_807, %get3A_806 : vector<16xf32>
          %sub3A_809 = arith.subf %add3A_808, %max3A_803 : vector<16xf32>
          %max3A_810 = arith.constant 9.99999993E-9 : f32
          %max3A_811 = vector.broadcast %max3A_810 : f32 to vector<16xf32>
          %max3A_812 = arith.maximumf %sub3A_809, %max3A_811 : vector<16xf32>
          %div3A_813 = arith.divf %max3A_803, %max3A_812 : vector<16xf32>
          %max3A_814 = vector.broadcast %squeeze3A_350 : f32 to vector<16xf32>
          %max3A_815 = arith.maximumf %max3A_814, %get3A_795 : vector<16xf32>
          %min3A_816 = vector.broadcast %squeeze3A_345 : f32 to vector<16xf32>
          %min3A_817 = arith.minimumf %min3A_816, %get3A_792 : vector<16xf32>
          %sub3A_818 = arith.subf %max3A_815, %min3A_817 : vector<16xf32>
          %sub3A_819 = arith.subf %sub3A_818, %sub3A_809 : vector<16xf32>
          %max3A_820 = arith.constant 9.99999993E-9 : f32
          %max3A_821 = vector.broadcast %max3A_820 : f32 to vector<16xf32>
          %max3A_822 = arith.maximumf %sub3A_818, %max3A_821 : vector<16xf32>
          %div3A_823 = arith.divf %sub3A_819, %max3A_822 : vector<16xf32>
          %sub3A_824 = arith.subf %div3A_813, %div3A_823 : vector<16xf32>
          %gt3A_825 = arith.cmpf ogt, %sub3A_824, %select_n3A_783 : vector<16xf32>
          %select_n3A_826 = arith.select %gt3A_825, %sub3A_824, %select_n3A_783 : vector<16xi1>, vector<16xf32>
          %broadcast_in_dim3A_827 = vector.broadcast %scan3A_787 : i32 to vector<16xi32>
          %select_n3A_828 = arith.select %gt3A_825, %broadcast_in_dim3A_827, %select_n3A_785 : vector<16xi1>, vector<16xi32>
          %scan3A_829 = arith.constant 9 : i32
          %scan3A_830 = arith.addi %scan3A_441, %scan3A_829 : i32
          %mul3A_831 = arith.constant 16 : i32
          %mul3A_832 = arith.muli %scan3A_830, %mul3A_831 : i32
          %get3A_833 = arith.index_cast %mul3A_832 : i32 to index
          %get3A_834 = tpu.vector_load %arg8[%get3A_833] {strides = array<i32>} : memref<1280xf32, #tpu.memory_space<vmem>>, vector<16xf32>,
          %get3A_835 = vector.shape_cast %get3A_834 : vector<16xf32> to vector<16xf32>
          %get3A_836 = arith.index_cast %mul3A_832 : i32 to index
          %get3A_837 = tpu.vector_load %arg9[%get3A_836] {strides = array<i32>} : memref<1296xf32, #tpu.memory_space<vmem>>, vector<16xf32>,
          %get3A_838 = vector.shape_cast %get3A_837 : vector<16xf32> to vector<16xf32>
          %min3A_839 = vector.broadcast %squeeze3A_350 : f32 to vector<16xf32>
          %min3A_840 = arith.minimumf %min3A_839, %get3A_838 : vector<16xf32>
          %max3A_841 = vector.broadcast %squeeze3A_345 : f32 to vector<16xf32>
          %max3A_842 = arith.maximumf %max3A_841, %get3A_835 : vector<16xf32>
          %sub3A_843 = arith.subf %min3A_840, %max3A_842 : vector<16xf32>
          %max3A_844 = arith.constant 0.000000e+00 : f32
          %max3A_845 = vector.broadcast %max3A_844 : f32 to vector<16xf32>
          %max3A_846 = arith.maximumf %sub3A_843, %max3A_845 : vector<16xf32>
          %get3A_847 = arith.index_cast %mul3A_832 : i32 to index
          %get3A_848 = tpu.vector_load %arg10[%get3A_847] {strides = array<i32>} : memref<1296xf32, #tpu.memory_space<vmem>>, vector<16xf32>,
          %get3A_849 = vector.shape_cast %get3A_848 : vector<16xf32> to vector<16xf32>
          %add3A_850 = vector.broadcast %sub3A_351 : f32 to vector<16xf32>
          %add3A_851 = arith.addf %add3A_850, %get3A_849 : vector<16xf32>
          %sub3A_852 = arith.subf %add3A_851, %max3A_846 : vector<16xf32>
          %max3A_853 = arith.constant 9.99999993E-9 : f32
          %max3A_854 = vector.broadcast %max3A_853 : f32 to vector<16xf32>
          %max3A_855 = arith.maximumf %sub3A_852, %max3A_854 : vector<16xf32>
          %div3A_856 = arith.divf %max3A_846, %max3A_855 : vector<16xf32>
          %max3A_857 = vector.broadcast %squeeze3A_350 : f32 to vector<16xf32>
          %max3A_858 = arith.maximumf %max3A_857, %get3A_838 : vector<16xf32>
          %min3A_859 = vector.broadcast %squeeze3A_345 : f32 to vector<16xf32>
          %min3A_860 = arith.minimumf %min3A_859, %get3A_835 : vector<16xf32>
          %sub3A_861 = arith.subf %max3A_858, %min3A_860 : vector<16xf32>
          %sub3A_862 = arith.subf %sub3A_861, %sub3A_852 : vector<16xf32>
          %max3A_863 = arith.constant 9.99999993E-9 : f32
          %max3A_864 = vector.broadcast %max3A_863 : f32 to vector<16xf32>
          %max3A_865 = arith.maximumf %sub3A_861, %max3A_864 : vector<16xf32>
          %div3A_866 = arith.divf %sub3A_862, %max3A_865 : vector<16xf32>
          %sub3A_867 = arith.subf %div3A_856, %div3A_866 : vector<16xf32>
          %gt3A_868 = arith.cmpf ogt, %sub3A_867, %select_n3A_826 : vector<16xf32>
          %select_n3A_869 = arith.select %gt3A_868, %sub3A_867, %select_n3A_826 : vector<16xi1>, vector<16xf32>
          %broadcast_in_dim3A_870 = vector.broadcast %scan3A_830 : i32 to vector<16xi32>
          %select_n3A_871 = arith.select %gt3A_868, %broadcast_in_dim3A_870, %select_n3A_828 : vector<16xi1>, vector<16xi32>
          scf.yield %select_n3A_869, %select_n3A_871 : vector<16xf32>, vector<16xi32>
        }
        %scan3A_361 = arith.constant 80 : i32
        %mul3A_362 = arith.constant 16 : i32
        %mul3A_363 = vector.broadcast %mul3A_362 : i32 to vector<16xi32>
        %mul3A_364 = arith.muli %scan3A_360#1, %mul3A_363 : vector<16xi32>
        %add3A_365 = arith.addi %mul3A_364, %iota3A : vector<16xi32>
        %rev3A_366 = arith.constant 15 : i32
        %rev3A_367 = vector.broadcast %rev3A_366 : i32 to vector<16xi32>
        %rev3A_368 = tpu.iota {dimensions = array<i32: 0>} : vector<16xi32>
        %rev3A_369 = arith.subi %rev3A_367, %rev3A_368 : vector<16xi32>
        %rev3A_370 = tpu.dynamic_gather %scan3A_360#0[%rev3A_369] in [0] : vector<16xf32>, vector<16xi32> -> vector<16xf32>
        %max3A_371 = arith.maximumf %scan3A_360#0, %rev3A_370 : vector<16xf32>
        %slice3A_372 = vector.extract_strided_slice %max3A_371 {offsets = [0], sizes = [1], strides = [1]} : vector<16xf32> to vector<1xf32>
        %squeeze3A_373 = vector.extract %slice3A_372[0] : f32 from vector<1xf32>
        %slice3A_374 = vector.extract_strided_slice %max3A_371 {offsets = [1], sizes = [1], strides = [1]} : vector<16xf32> to vector<1xf32>
        %squeeze3A_375 = vector.extract %slice3A_374[0] : f32 from vector<1xf32>
        %max3A_376 = arith.maximumf %squeeze3A_373, %squeeze3A_375 : f32
        %slice3A_377 = vector.extract_strided_slice %max3A_371 {offsets = [2], sizes = [1], strides = [1]} : vector<16xf32> to vector<1xf32>
        %squeeze3A_378 = vector.extract %slice3A_377[0] : f32 from vector<1xf32>
        %max3A_379 = arith.maximumf %max3A_376, %squeeze3A_378 : f32
        %slice3A_380 = vector.extract_strided_slice %max3A_371 {offsets = [3], sizes = [1], strides = [1]} : vector<16xf32> to vector<1xf32>
        %squeeze3A_381 = vector.extract %slice3A_380[0] : f32 from vector<1xf32>
        %max3A_382 = arith.maximumf %max3A_379, %squeeze3A_381 : f32
        %slice3A_383 = vector.extract_strided_slice %max3A_371 {offsets = [4], sizes = [1], strides = [1]} : vector<16xf32> to vector<1xf32>
        %squeeze3A_384 = vector.extract %slice3A_383[0] : f32 from vector<1xf32>
        %max3A_385 = arith.maximumf %max3A_382, %squeeze3A_384 : f32
        %slice3A_386 = vector.extract_strided_slice %max3A_371 {offsets = [5], sizes = [1], strides = [1]} : vector<16xf32> to vector<1xf32>
        %squeeze3A_387 = vector.extract %slice3A_386[0] : f32 from vector<1xf32>
        %max3A_388 = arith.maximumf %max3A_385, %squeeze3A_387 : f32
        %slice3A_389 = vector.extract_strided_slice %max3A_371 {offsets = [6], sizes = [1], strides = [1]} : vector<16xf32> to vector<1xf32>
        %squeeze3A_390 = vector.extract %slice3A_389[0] : f32 from vector<1xf32>
        %max3A_391 = arith.maximumf %max3A_388, %squeeze3A_390 : f32
        %slice3A_392 = vector.extract_strided_slice %max3A_371 {offsets = [7], sizes = [1], strides = [1]} : vector<16xf32> to vector<1xf32>
        %squeeze3A_393 = vector.extract %slice3A_392[0] : f32 from vector<1xf32>
        %max3A_394 = arith.maximumf %max3A_391, %squeeze3A_393 : f32
        %eq3A_395 = vector.broadcast %max3A_394 : f32 to vector<16xf32>
        %eq3A_396 = arith.cmpf oeq, %scan3A_360#0, %eq3A_395 : vector<16xf32>
        %jit3A_397 = arith.constant 1073741824 : i32
        %broadcast_in_dim3A_398 = vector.broadcast %jit3A_397 : i32 to vector<16xi32>
        %select_n3A_399 = arith.select %eq3A_396, %add3A_365, %broadcast_in_dim3A_398 : vector<16xi1>, vector<16xi32>
        %rev3A_400 = arith.constant 15 : i32
        %rev3A_401 = vector.broadcast %rev3A_400 : i32 to vector<16xi32>
        %rev3A_402 = tpu.iota {dimensions = array<i32: 0>} : vector<16xi32>
        %rev3A_403 = arith.subi %rev3A_401, %rev3A_402 : vector<16xi32>
        %rev3A_404 = tpu.dynamic_gather %select_n3A_399[%rev3A_403] in [0] : vector<16xi32>, vector<16xi32> -> vector<16xi32>
        %min3A_405 = arith.minsi %select_n3A_399, %rev3A_404 : vector<16xi32>
        %slice3A_406 = vector.extract_strided_slice %min3A_405 {offsets = [0], sizes = [1], strides = [1]} : vector<16xi32> to vector<1xi32>
        %squeeze3A_407 = vector.extract %slice3A_406[0] : i32 from vector<1xi32>
        %slice3A_408 = vector.extract_strided_slice %min3A_405 {offsets = [1], sizes = [1], strides = [1]} : vector<16xi32> to vector<1xi32>
        %squeeze3A_409 = vector.extract %slice3A_408[0] : i32 from vector<1xi32>
        %min3A_410 = arith.minsi %squeeze3A_407, %squeeze3A_409 : i32
        %slice3A_411 = vector.extract_strided_slice %min3A_405 {offsets = [2], sizes = [1], strides = [1]} : vector<16xi32> to vector<1xi32>
        %squeeze3A_412 = vector.extract %slice3A_411[0] : i32 from vector<1xi32>
        %min3A_413 = arith.minsi %min3A_410, %squeeze3A_412 : i32
        %slice3A_414 = vector.extract_strided_slice %min3A_405 {offsets = [3], sizes = [1], strides = [1]} : vector<16xi32> to vector<1xi32>
        %squeeze3A_415 = vector.extract %slice3A_414[0] : i32 from vector<1xi32>
        %min3A_416 = arith.minsi %min3A_413, %squeeze3A_415 : i32
        %slice3A_417 = vector.extract_strided_slice %min3A_405 {offsets = [4], sizes = [1], strides = [1]} : vector<16xi32> to vector<1xi32>
        %squeeze3A_418 = vector.extract %slice3A_417[0] : i32 from vector<1xi32>
        %min3A_419 = arith.minsi %min3A_416, %squeeze3A_418 : i32
        %slice3A_420 = vector.extract_strided_slice %min3A_405 {offsets = [5], sizes = [1], strides = [1]} : vector<16xi32> to vector<1xi32>
        %squeeze3A_421 = vector.extract %slice3A_420[0] : i32 from vector<1xi32>
        %min3A_422 = arith.minsi %min3A_419, %squeeze3A_421 : i32
        %slice3A_423 = vector.extract_strided_slice %min3A_405 {offsets = [6], sizes = [1], strides = [1]} : vector<16xi32> to vector<1xi32>
        %squeeze3A_424 = vector.extract %slice3A_423[0] : i32 from vector<1xi32>
        %min3A_425 = arith.minsi %min3A_422, %squeeze3A_424 : i32
        %slice3A_426 = vector.extract_strided_slice %min3A_405 {offsets = [7], sizes = [1], strides = [1]} : vector<16xi32> to vector<1xi32>
        %squeeze3A_427 = vector.extract %slice3A_426[0] : i32 from vector<1xi32>
        %min3A_428 = arith.minsi %min3A_425, %squeeze3A_427 : i32
        %add3A_429 = arith.addi %min3A_428, %mul3A_35 : i32
        %broadcast_in_dim3A_430 = vector.broadcast %max3A_394 : f32 to vector<16xf32>
        %swap3A_431 = arith.constant 0 : index
        %swap3A_432 = tpu.vector_load %arg15[%swap3A_431] {strides = array<i32>} : memref<32xf32, #tpu.memory_space<vmem>>, vector<16xf32>,
        %swap3A_433 = vector.shape_cast %swap3A_432 : vector<16xf32> to vector<16xf32>
        %swap3A_434 = vector.shape_cast %broadcast_in_dim3A_430 : vector<16xf32> to vector<16xf32>
        tpu.vector_store %arg15[%swap3A_431], %swap3A_434 {strides = array<i32>} : memref<32xf32, #tpu.memory_space<vmem>>, vector<16xf32>,
        %convert_element_type3A_435 = arith.sitofp %add3A_429 : i32 to f32
        %broadcast_in_dim3A_436 = vector.broadcast %convert_element_type3A_435 : f32 to vector<16xf32>
        %swap3A_437 = arith.constant 16 : index
        %swap3A_438 = tpu.vector_load %arg15[%swap3A_437] {strides = array<i32>} : memref<32xf32, #tpu.memory_space<vmem>>, vector<16xf32>,
        %swap3A_439 = vector.shape_cast %swap3A_438 : vector<16xf32> to vector<16xf32>
        %swap3A_440 = vector.shape_cast %broadcast_in_dim3A_436 : vector<16xf32> to vector<16xf32>
        tpu.vector_store %arg15[%swap3A_437], %swap3A_440 {strides = array<i32>} : memref<32xf32, #tpu.memory_space<vmem>>, vector<16xf32>,
      } else {
      }
      %mul3A_333 = arith.constant 512 : i32
      %mul3A_334 = arith.muli %select_n3A_165, %mul3A_333 : i32
      %mul3A_335 = arith.constant 32 : i32
      %mul3A_336 = arith.muli %arg1, %mul3A_335 : i32
      %add3A_337 = arith.addi %mul3A_334, %mul3A_336 : i32
      %dma_start3A_338 = tpu.memref_slice %arg17[%add3A_337] : memref<1024xf32, #tpu.memory_space<vmem_shared>> -> memref<32xf32, #tpu.memory_space<vmem_shared>>
      %dma_start3A_339 = tpu.memref_slice %arg17[%add3A_337] : memref<1024xf32, #tpu.memory_space<vmem_shared>> -> memref<32xf32, #tpu.memory_space<vmem_shared>>
      tpu.enqueue_dma source(%arg15 : memref<32xf32, #tpu.memory_space<vmem>>) target(%dma_start3A_339 : memref<32xf32, #tpu.memory_space<vmem_shared>>) target_semaphore(%arg19 : memref<!tpu.dma_semaphore, #tpu.memory_space<semaphore_mem>>)
      %scan3A_340 = arith.constant 0 : i32
      scf.yield %scan3A_340 : i32
    }
    %scan3A_120 = arith.constant 50 : i32
    %mul3A_121 = arith.constant 32 : i32
    %mul3A_122 = arith.muli %arg1, %mul3A_121 : i32
    %add3A_123 = arith.constant 512 : i32
    %add3A_124 = arith.addi %add3A_123, %mul3A_122 : i32
    %dma_wait3A_125 = tpu.memref_slice %arg17[%add3A_124] : memref<1024xf32, #tpu.memory_space<vmem_shared>> -> memref<32xf32, #tpu.memory_space<vmem_shared>>
    %dma_wait3A_126 = tpu.memref_slice %arg17[%add3A_124] : memref<1024xf32, #tpu.memory_space<vmem_shared>> -> memref<32xf32, #tpu.memory_space<vmem_shared>>
    tpu.wait_dma2 semaphore(%arg19 : memref<!tpu.dma_semaphore, #tpu.memory_space<semaphore_mem>>) src(%arg15 : memref<32xf32, #tpu.memory_space<vmem>>) dst(%dma_wait3A_126 : memref<32xf32, #tpu.memory_space<vmem_shared>>)
    %barrier3A = arith.constant 0 : index
    tpu.barrier barrier_id(%barrier3A)
    %eq3A_127 = arith.constant 0 : i32
    %eq3A_128 = arith.cmpi eq, %select_n3A_28, %eq3A_127 : i32
    %convert_element_type3A = arith.extui %eq3A_128 : i1 to i32
    %cond3A = arith.constant 0 : i32
    %cond3A_129 = arith.cmpi ne, %convert_element_type3A, %cond3A : i32
    scf.if %cond3A_129 {
      %mul3A_130 = arith.constant 128 : i32
      %mul3A_131 = arith.muli %select_n3A, %mul3A_130 : i32
      %add3A_132 = arith.constant 512 : i32
      %add3A_133 = arith.addi %add3A_132, %mul3A_131 : i32
      "tpu.region"() ({
        %run_scoped3A = tpu.sem_alloc : memref<!tpu.dma_semaphore, #tpu.memory_space<semaphore_mem>>
        %dma_start3A_201 = tpu.memref_slice %arg17[%add3A_133] : memref<1024xf32, #tpu.memory_space<vmem_shared>> -> memref<128xf32, #tpu.memory_space<vmem_shared>>
        %dma_start3A_202 = tpu.memref_slice %arg17[%add3A_133] : memref<1024xf32, #tpu.memory_space<vmem_shared>> -> memref<128xf32, #tpu.memory_space<vmem_shared>>
        tpu.enqueue_dma source(%dma_start3A_202 : memref<128xf32, #tpu.memory_space<vmem_shared>>) target(%arg16 : memref<128xf32, #tpu.memory_space<vmem>>) target_semaphore(%run_scoped3A : memref<!tpu.dma_semaphore, #tpu.memory_space<semaphore_mem>>)
        %dma_wait3A_203 = tpu.memref_slice %arg17[%add3A_133] : memref<1024xf32, #tpu.memory_space<vmem_shared>> -> memref<128xf32, #tpu.memory_space<vmem_shared>>
        %dma_wait3A_204 = tpu.memref_slice %arg17[%add3A_133] : memref<1024xf32, #tpu.memory_space<vmem_shared>> -> memref<128xf32, #tpu.memory_space<vmem_shared>>
        tpu.wait_dma2 semaphore(%run_scoped3A : memref<!tpu.dma_semaphore, #tpu.memory_space<semaphore_mem>>) src(%dma_wait3A_204 : memref<128xf32, #tpu.memory_space<vmem_shared>>) dst(%arg16 : memref<128xf32, #tpu.memory_space<vmem>>)
        tpu.yield
      }) : () -> ()
      %get3A = arith.constant 0 : index
      %get3A_134 = tpu.vector_load %arg16[%get3A] {strides = array<i32>} : memref<128xf32, #tpu.memory_space<vmem>>, vector<16xf32>,
      %get3A_135 = vector.shape_cast %get3A_134 : vector<16xf32> to vector<16xf32>
      %get3A_136 = arith.constant 32 : index
      %get3A_137 = tpu.vector_load %arg16[%get3A_136] {strides = array<i32>} : memref<128xf32, #tpu.memory_space<vmem>>, vector<16xf32>,
      %get3A_138 = vector.shape_cast %get3A_137 : vector<16xf32> to vector<16xf32>
      %get3A_139 = arith.constant 64 : index
      %get3A_140 = tpu.vector_load %arg16[%get3A_139] {strides = array<i32>} : memref<128xf32, #tpu.memory_space<vmem>>, vector<16xf32>,
      %get3A_141 = vector.shape_cast %get3A_140 : vector<16xf32> to vector<16xf32>
      %get3A_142 = arith.constant 96 : index
      %get3A_143 = tpu.vector_load %arg16[%get3A_142] {strides = array<i32>} : memref<128xf32, #tpu.memory_space<vmem>>, vector<16xf32>,
      %get3A_144 = vector.shape_cast %get3A_143 : vector<16xf32> to vector<16xf32>
      %get3A_145 = arith.constant 16 : index
      %get3A_146 = tpu.vector_load %arg16[%get3A_145] {strides = array<i32>} : memref<128xf32, #tpu.memory_space<vmem>>, vector<16xf32>,
      %get3A_147 = vector.shape_cast %get3A_146 : vector<16xf32> to vector<16xf32>
      %get3A_148 = arith.constant 48 : index
      %get3A_149 = tpu.vector_load %arg16[%get3A_148] {strides = array<i32>} : memref<128xf32, #tpu.memory_space<vmem>>, vector<16xf32>,
      %get3A_150 = vector.shape_cast %get3A_149 : vector<16xf32> to vector<16xf32>
      %get3A_151 = arith.constant 80 : index
      %get3A_152 = tpu.vector_load %arg16[%get3A_151] {strides = array<i32>} : memref<128xf32, #tpu.memory_space<vmem>>, vector<16xf32>,
      %get3A_153 = vector.shape_cast %get3A_152 : vector<16xf32> to vector<16xf32>
      %get3A_154 = arith.constant 112 : index
      %get3A_155 = tpu.vector_load %arg16[%get3A_154] {strides = array<i32>} : memref<128xf32, #tpu.memory_space<vmem>>, vector<16xf32>,
      %get3A_156 = vector.shape_cast %get3A_155 : vector<16xf32> to vector<16xf32>
      %max3A = arith.maximumf %get3A_135, %get3A_138 : vector<16xf32>
      %max3A_157 = arith.maximumf %get3A_141, %get3A_144 : vector<16xf32>
      %max3A_158 = arith.maximumf %max3A, %max3A_157 : vector<16xf32>
      %eq3A_159 = arith.cmpf oeq, %get3A_135, %max3A_158 : vector<16xf32>
      %jit3A_160 = arith.constant 1.07374182E+9 : f32
      %broadcast_in_dim3A_161 = vector.broadcast %jit3A_160 : f32 to vector<16xf32>
      %select_n3A_162 = arith.select %eq3A_159, %get3A_147, %broadcast_in_dim3A_161 : vector<16xi1>, vector<16xf32>
      %eq3A_163 = arith.cmpf oeq, %get3A_138, %max3A_158 : vector<16xf32>
      %jit3A_164 = arith.constant 1.07374182E+9 : f32
      %broadcast_in_dim3A_165 = vector.broadcast %jit3A_164 : f32 to vector<16xf32>
      %select_n3A_166 = arith.select %eq3A_163, %get3A_150, %broadcast_in_dim3A_165 : vector<16xi1>, vector<16xf32>
      %eq3A_167 = arith.cmpf oeq, %get3A_141, %max3A_158 : vector<16xf32>
      %jit3A_168 = arith.constant 1.07374182E+9 : f32
      %broadcast_in_dim3A_169 = vector.broadcast %jit3A_168 : f32 to vector<16xf32>
      %select_n3A_170 = arith.select %eq3A_167, %get3A_153, %broadcast_in_dim3A_169 : vector<16xi1>, vector<16xf32>
      %eq3A_171 = arith.cmpf oeq, %get3A_144, %max3A_158 : vector<16xf32>
      %jit3A_172 = arith.constant 1.07374182E+9 : f32
      %broadcast_in_dim3A_173 = vector.broadcast %jit3A_172 : f32 to vector<16xf32>
      %select_n3A_174 = arith.select %eq3A_171, %get3A_156, %broadcast_in_dim3A_173 : vector<16xi1>, vector<16xf32>
      %min3A = arith.minimumf %select_n3A_162, %select_n3A_166 : vector<16xf32>
      %min3A_175 = arith.minimumf %select_n3A_170, %select_n3A_174 : vector<16xf32>
      %min3A_176 = arith.minimumf %min3A, %min3A_175 : vector<16xf32>
      %eq3A_177 = arith.constant 0 : i32
      %eq3A_178 = vector.broadcast %eq3A_177 : i32 to vector<16xi32>
      %eq3A_179 = arith.cmpi eq, %iota3A, %eq3A_178 : vector<16xi32>
      %get3A_180 = arith.constant 49 : index
      %get3A_181 = tpu.vector_load %arg13[%get3A_180] {strides = array<i32>} : memref<80xi32, #tpu.memory_space<vmem>>, vector<16xi32>,
      %get3A_182 = vector.shape_cast %get3A_181 : vector<16xi32> to vector<16xi32>
      %slice3A = vector.extract_strided_slice %min3A_176 {offsets = [0], sizes = [1], strides = [1]} : vector<16xf32> to vector<1xf32>
      %squeeze3A = vector.extract %slice3A[0] : f32 from vector<1xf32>
      %convert_element_type3A_183 = arith.fptosi %squeeze3A : f32 to i32
      %broadcast_in_dim3A_184 = vector.broadcast %convert_element_type3A_183 : i32 to vector<16xi32>
      %select_n3A_185 = arith.select %eq3A_179, %broadcast_in_dim3A_184, %get3A_182 : vector<16xi1>, vector<16xi32>
      %swap3A_186 = arith.constant 49 : index
      %swap3A_187 = tpu.vector_load %arg13[%swap3A_186] {strides = array<i32>} : memref<80xi32, #tpu.memory_space<vmem>>, vector<16xi32>,
      %swap3A_188 = vector.shape_cast %swap3A_187 : vector<16xi32> to vector<16xi32>
      %swap3A_189 = vector.shape_cast %select_n3A_185 : vector<16xi32> to vector<16xi32>
      tpu.vector_store %arg13[%swap3A_186], %swap3A_189 {strides = array<i32>} : memref<80xi32, #tpu.memory_space<vmem>>, vector<16xi32>,
      %get3A_190 = arith.constant 49 : index
      %get3A_191 = tpu.vector_load %arg14[%get3A_190] {strides = array<i32>} : memref<80xf32, #tpu.memory_space<vmem>>, vector<16xf32>,
      %get3A_192 = vector.shape_cast %get3A_191 : vector<16xf32> to vector<16xf32>
      %slice3A_193 = vector.extract_strided_slice %max3A_158 {offsets = [0], sizes = [1], strides = [1]} : vector<16xf32> to vector<1xf32>
      %squeeze3A_194 = vector.extract %slice3A_193[0] : f32 from vector<1xf32>
      %broadcast_in_dim3A_195 = vector.broadcast %squeeze3A_194 : f32 to vector<16xf32>
      %select_n3A_196 = arith.select %eq3A_179, %broadcast_in_dim3A_195, %get3A_192 : vector<16xi1>, vector<16xf32>
      %swap3A_197 = arith.constant 49 : index
      %swap3A_198 = tpu.vector_load %arg14[%swap3A_197] {strides = array<i32>} : memref<80xf32, #tpu.memory_space<vmem>>, vector<16xf32>,
      %swap3A_199 = vector.shape_cast %swap3A_198 : vector<16xf32> to vector<16xf32>
      %swap3A_200 = vector.shape_cast %select_n3A_196 : vector<16xf32> to vector<16xf32>
      tpu.vector_store %arg14[%swap3A_197], %swap3A_200 {strides = array<i32>} : memref<80xf32, #tpu.memory_space<vmem>>, vector<16xf32>,
      "tpu.region"() ({
        %run_scoped3A = tpu.sem_alloc : memref<!tpu.dma_semaphore, #tpu.memory_space<semaphore_mem>>
        %dma_start3A_201 = arith.constant 0 : i32
        %dma_start3A_202 = tpu.memref_slice %arg6[%add3A_30, %dma_start3A_201] : memref<8x80xi32, #tpu.memory_space<hbm>> -> memref<1x80xi32, #tpu.memory_space<hbm>>
        %dma_start3A_203 = tpu.memref_squeeze %dma_start3A_202 : memref<1x80xi32, #tpu.memory_space<hbm>> -> memref<80xi32, #tpu.memory_space<hbm>>
        %dma_start3A_204 = arith.constant 0 : i32
        %dma_start3A_205 = tpu.memref_slice %arg6[%add3A_30, %dma_start3A_204] : memref<8x80xi32, #tpu.memory_space<hbm>> -> memref<1x80xi32, #tpu.memory_space<hbm>>
        %dma_start3A_206 = tpu.memref_squeeze %dma_start3A_205 : memref<1x80xi32, #tpu.memory_space<hbm>> -> memref<80xi32, #tpu.memory_space<hbm>>
        tpu.enqueue_dma source(%arg13 : memref<80xi32, #tpu.memory_space<vmem>>) target(%dma_start3A_206 : memref<80xi32, #tpu.memory_space<hbm>>) target_semaphore(%run_scoped3A : memref<!tpu.dma_semaphore, #tpu.memory_space<semaphore_mem>>)
        %dma_wait3A_207 = arith.constant 0 : i32
        %dma_wait3A_208 = tpu.memref_slice %arg6[%add3A_30, %dma_wait3A_207] : memref<8x80xi32, #tpu.memory_space<hbm>> -> memref<1x80xi32, #tpu.memory_space<hbm>>
        %dma_wait3A_209 = tpu.memref_squeeze %dma_wait3A_208 : memref<1x80xi32, #tpu.memory_space<hbm>> -> memref<80xi32, #tpu.memory_space<hbm>>
        %dma_wait3A_210 = arith.constant 0 : i32
        %dma_wait3A_211 = tpu.memref_slice %arg6[%add3A_30, %dma_wait3A_210] : memref<8x80xi32, #tpu.memory_space<hbm>> -> memref<1x80xi32, #tpu.memory_space<hbm>>
        %dma_wait3A_212 = tpu.memref_squeeze %dma_wait3A_211 : memref<1x80xi32, #tpu.memory_space<hbm>> -> memref<80xi32, #tpu.memory_space<hbm>>
        tpu.wait_dma2 semaphore(%run_scoped3A : memref<!tpu.dma_semaphore, #tpu.memory_space<semaphore_mem>>) src(%arg13 : memref<80xi32, #tpu.memory_space<vmem>>) dst(%dma_wait3A_212 : memref<80xi32, #tpu.memory_space<hbm>>)
        tpu.yield
      }) : () -> ()
      "tpu.region"() ({
        %run_scoped3A = tpu.sem_alloc : memref<!tpu.dma_semaphore, #tpu.memory_space<semaphore_mem>>
        %dma_start3A_201 = arith.constant 0 : i32
        %dma_start3A_202 = tpu.memref_slice %arg7[%add3A_30, %dma_start3A_201] : memref<8x80xf32, #tpu.memory_space<hbm>> -> memref<1x80xf32, #tpu.memory_space<hbm>>
        %dma_start3A_203 = tpu.memref_squeeze %dma_start3A_202 : memref<1x80xf32, #tpu.memory_space<hbm>> -> memref<80xf32, #tpu.memory_space<hbm>>
        %dma_start3A_204 = arith.constant 0 : i32
        %dma_start3A_205 = tpu.memref_slice %arg7[%add3A_30, %dma_start3A_204] : memref<8x80xf32, #tpu.memory_space<hbm>> -> memref<1x80xf32, #tpu.memory_space<hbm>>
        %dma_start3A_206 = tpu.memref_squeeze %dma_start3A_205 : memref<1x80xf32, #tpu.memory_space<hbm>> -> memref<80xf32, #tpu.memory_space<hbm>>
        tpu.enqueue_dma source(%arg14 : memref<80xf32, #tpu.memory_space<vmem>>) target(%dma_start3A_206 : memref<80xf32, #tpu.memory_space<hbm>>) target_semaphore(%run_scoped3A : memref<!tpu.dma_semaphore, #tpu.memory_space<semaphore_mem>>)
        %dma_wait3A_207 = arith.constant 0 : i32
        %dma_wait3A_208 = tpu.memref_slice %arg7[%add3A_30, %dma_wait3A_207] : memref<8x80xf32, #tpu.memory_space<hbm>> -> memref<1x80xf32, #tpu.memory_space<hbm>>
        %dma_wait3A_209 = tpu.memref_squeeze %dma_wait3A_208 : memref<1x80xf32, #tpu.memory_space<hbm>> -> memref<80xf32, #tpu.memory_space<hbm>>
        %dma_wait3A_210 = arith.constant 0 : i32
        %dma_wait3A_211 = tpu.memref_slice %arg7[%add3A_30, %dma_wait3A_210] : memref<8x80xf32, #tpu.memory_space<hbm>> -> memref<1x80xf32, #tpu.memory_space<hbm>>
        %dma_wait3A_212 = tpu.memref_squeeze %dma_wait3A_211 : memref<1x80xf32, #tpu.memory_space<hbm>> -> memref<80xf32, #tpu.memory_space<hbm>>
        tpu.wait_dma2 semaphore(%run_scoped3A : memref<!tpu.dma_semaphore, #tpu.memory_space<semaphore_mem>>) src(%arg14 : memref<80xf32, #tpu.memory_space<vmem>>) dst(%dma_wait3A_212 : memref<80xf32, #tpu.memory_space<hbm>>)
        tpu.yield
      }) : () -> ()
    } else {
    }
    return
  }
}

</mosaic_0001>

<sc_bundles>
// kernel: kernel.3.cloned.1.call-start
scs
__scs_entry_jumppad:
0x0: {  	(pc) =	sbr.rel $0x88, $3  }
0x1: {  	(tag) =	ssettag $0x0;
	lr =	simm.s32 $0x1  }
0x2: {  	[smem:$0x3F9E] =	sst lr;
	_ =	strace $0xD0000000  }
0x3: {  	_ = 	snop  }
0x4: {  	_ = 	snop  }
0x5: {  	_ = 	snop  }
0x6: {  	_ = 	snop  }
0x7: {  	_ = 	snop  }
__scs_overlays_trampoline_lowered:
0x8: {  	[smem:$0x3FAD] =	sst s0  }
0x9: {  	[smem:$0x3FAE] =	sst s1  }
0xa: {  	[smem:$0x3FAF] =	sst s2  }
0xb: {  	[smem:$0x3FB0] =	sst s3  }
0xc: {  	[smem:$0x3FB1] =	sst s4  }
0xd: {  	[smem:$0x3FB2] =	sst s5  }
0xe: {  	[smem:$0x3FB3] =	sst s6  }
0xf: {  	[smem:$0x3FB4] =	sst s7  }
0x10: {  	[smem:$0x3FB5] =	sst s8  }
0x11: {  	[smem:$0x3FB6] =	sst s9;
	s0 =	simm.s32 @!p0 $0x0  }
0x12: {  	s1 =	sld [smem:$0x3F9C];
	s0 =	simm.s32 @p0 $0x1  }
0x13: {  	[smem:$0x3FB7] =	sst s0;
	s0 =	simm.s32 @!p1 $0x0  }
0x14: {  	s2 =	sld [smem:$0x3F9B];
	s0 =	simm.s32 @p1 $0x1  }
0x15: {  	[smem:$0x3FB8] =	sst s0;
	s0 =	simm.s32 @!p2 $0x0  }
0x16: {  	s3 =	sld [smem:$0x3FDB];
	s0 =	simm.s32 @p2 $0x1  }
0x17: {  	s4 =	simm.s32 $0x1BF5;
	[smem:$0x3FBA] =	sst s0  }
0x18: {  	s0 =	sld [smem:$0x3F9D];
	_ =	swait.ge [sflag:s4], $0x0  }
0x19: {  	s7 =	sld [smem:$0x3F9E]  }
0x1a: {  	s8 =	sadd.s32 $0xFFFFE003, lr  }
0x1b: {  	s9 =	sadd.s32 $0xFFFFFEF7, lr;
	s5 =	simm.s32 $0xFFFFFFFF;
	p2 =	slt.u32 s8, $0xFFFFF086  }
0x1c: {  	p1 =	slt.u32 s9, $0xF7A;
	s5 =	simm.s32 @!p2 $0x0  }
0x1d: {  	s5 =	simm.s32 @p1 $0x1;
	p0 =	seq.s32 s7, s2  }
0x1e: {  	s7 =	smul.u32 @!p0 $0xF7A, s2;
	p2 =	seq.s32 @!p0 s5, $0x0  }
0x1f: {  	s9 =	smul.u32 $0xF7A, s1;
	s8 =	simm.s32 @!p0 $0x1BF5;
	p2 =	por !p2, p0  }
0x20: {  	[sflag:s8] =	ssyncset.s32 @!p0 $0xFFFFF086;
	s6 =	sadd.s32 @!p0 s3, s7;
	s7 =	simm.s32 @!p0 $0x108  }
0x21: {  	s3 =	sadd.s32 s3, s9;
	s6 =	sadd.s32 @!p0 $0x88, s6;
	s7 =	simm.s32 @p2 $0x1082  }
0x22: {  	[simem:s7], [sflag:s8] =	dma.local @!p0 [hbm:s6], $0xF7A  }
0x23: {  	s9 =	sor.u32 $0xD0000000, s2;
	s6 =	simm.s32 $0x108;
	_ =	swait.ge @!p0 [sflag:s8], $0x0  }
0x24: {  	s3 =	sadd.s32 $0x88, s3;
	s6 =	simm.s32 @!p1 $0x1082;
	[sflag:s4] =	ssyncset.s32 $0xFFFFF086  }
0x25: {  	[simem:s6], [sflag:s4] =	dma.local [hbm:s3], $0xF7A  }
0x26: {  	[smem:$0x3F9E] =	sst s1;
	(tag) =	ssettag s2;
	_ =	strace s9  }
0x27: {  	s1 =	sld [smem:$0x3FAE]  }
0x28: {  	s2 =	sld [smem:$0x3FAF]  }
0x29: {  	s4 =	sld [smem:$0x3FB1]  }
0x2a: {  	p0 =	seq.s32 s5, $0x0;
	s5 =	sld [smem:$0x3FB2]  }
0x2b: {  	s6 =	sld [smem:$0x3FB3]  }
0x2c: {  	s7 =	sld [smem:$0x3FB4]  }
0x2d: {  	s3 =	simm.s32 $0x108;
	s8 =	sld [smem:$0x3FB5]  }
0x2e: {  	s3 =	simm.s32 @!p0 $0x1082;
	s9 =	sld [smem:$0x3FB6]  }
0x2f: {  	lr =	sadd.s32 s0, s3;
	s0 =	sld [smem:$0x3FAD]  }
0x30: {  	s3 =	sld [smem:$0x3FB0]  }
0x31: {  	[smem:$0x3FB9] =	sst s10  }
0x32: {  	s10 =	sld [smem:$0x3FB7];
	_ =	sdelay $0x3  }
0x33: {  	p0 =	seq.s32 s10, $0x1;
	s10 =	sld [smem:$0x3FB9];
	_ =	sdelay $0x3  }
0x34: {  	[smem:$0x3FB9] =	sst s10  }
0x35: {  	s10 =	sld [smem:$0x3FB8];
	_ =	sdelay $0x3  }
0x36: {  	p1 =	seq.s32 s10, $0x1;
	s10 =	sld [smem:$0x3FB9];
	_ =	sdelay $0x3  }
0x37: {  	[smem:$0x3FB9] =	sst s10  }
0x38: {  	s10 =	sld [smem:$0x3FBA]  }
0x39: {  	_ = 	snop;
	(pc) =	sbr.ind lr, $3  }
0x3a: {  	_ = 	snop  }
0x3b: {  	_ = 	snop  }
0x3c: {  	p2 =	seq.s32 s10, $0x1;
	s10 =	sld [smem:$0x3FB9]  }
0x3d: {  	_ =	shalt  }
0x3e: {  	_ =	shalt  }
0x3f: {  	_ =	shalt  }
0x40: {  	_ =	shalt  }
0x41: {  	_ =	shalt  }
0x42: {  	_ =	shalt  }
0x43: {  	_ =	shalt  }
0x44: {  	_ =	shalt  }
0x45: {  	_ =	shalt  }
0x46: {  	_ =	shalt  }
0x47: {  	_ =	shalt  }
0x48: {  	_ =	shalt  }
0x49: {  	_ =	shalt  }
0x4a: {  	_ =	shalt  }
0x4b: {  	_ =	shalt  }
0x4c: {  	_ =	shalt  }
0x4d: {  	_ =	shalt  }
0x4e: {  	_ =	shalt  }
0x4f: {  	_ =	shalt  }
0x50: {  	_ =	shalt  }
0x51: {  	_ =	shalt  }
0x52: {  	_ =	shalt  }
0x53: {  	_ =	shalt  }
0x54: {  	_ =	shalt  }
0x55: {  	_ =	shalt  }
0x56: {  	_ =	shalt  }
0x57: {  	_ =	shalt  }
0x58: {  	_ =	shalt  }
0x59: {  	_ =	shalt  }
0x5a: {  	_ =	shalt  }
0x5b: {  	_ =	shalt  }
0x5c: {  	_ =	shalt  }
0x5d: {  	_ =	shalt  }
0x5e: {  	_ =	shalt  }
0x5f: {  	_ =	shalt  }
0x60: {  	_ =	shalt  }
0x61: {  	_ =	shalt  }
0x62: {  	_ =	shalt  }
0x63: {  	_ =	shalt  }
0x64: {  	_ =	shalt  }
0x65: {  	_ =	shalt  }
0x66: {  	_ =	shalt  }
0x67: {  	_ =	shalt  }
0x68: {  	_ =	shalt  }
0x69: {  	_ =	shalt  }
0x6a: {  	_ =	shalt  }
0x6b: {  	_ =	shalt  }
0x6c: {  	_ =	shalt  }
0x6d: {  	_ =	shalt  }
0x6e: {  	_ =	shalt  }
0x6f: {  	_ =	shalt  }
0x70: {  	_ =	shalt  }
0x71: {  	_ =	shalt  }
0x72: {  	_ =	shalt  }
0x73: {  	_ =	shalt  }
0x74: {  	_ =	shalt  }
0x75: {  	_ =	shalt  }
0x76: {  	_ =	shalt  }
0x77: {  	_ =	shalt  }
0x78: {  	_ =	shalt  }
0x79: {  	_ =	shalt  }
0x7a: {  	_ =	shalt  }
0x7b: {  	_ =	shalt  }
0x7c: {  	_ =	shalt  }
0x7d: {  	_ =	shalt  }
0x7e: {  	_ =	shalt  }
0x7f: {  	_ =	shalt  }
0x80: {  	_ =	shalt  }
0x81: {  	_ =	shalt  }
0x82: {  	_ =	shalt  }
0x83: {  	_ =	shalt  }
0x84: {  	_ =	shalt  }
0x85: {  	_ =	shalt  }
0x86: {  	_ =	shalt  }
0x87: {  	_ =	shalt  }
.Lfunc_end0:
.L_simem_size_0:
called_computation_lowered:
.L_overlay_start_0:
0x88: {  	s2 =	sld [smem:$0x3FD9]  }
0x89: {  	s3 =	sld [smem:$0x3FFE];
	_ =	sdelay $0x1  }
0x8a: {  	s1 =	srdreg.scid  }
0x8b: {  	s0 =	sand.u32 $0x1, s1  }
0x8c: {  	s14 =	sshll.u32 s0, $0xA;
	s2 =	sadd.s32 s3, s2  }
0x8d: {  	s2 =	sadd.s32 s2, s14  }
0x8e: {  	[smem:$0x3FC5] =	sst s2  }
0x8f: {  	_ = 	snop  }
0x90: {  	s2 =	sld [smem:$0x3FD0];
	_ =	sdelay $0x2  }
0x91: {  	s15 =	simm.s32 $0xA;
	s4 =	simm.s32 $0x10  }
0x92: {  	[smem:s4], [sflag:s15] =	dma.local [hbm:s2], $0x1  }
0x93: {  	_ =	swait.eq [sflag:s15], $0x1  }
0x94: {  	[sflag:s15] =	ssyncset.done $0x0  }
0x95: {  	s16 =	sld [smem:$0x10];
	[sflag:s15] =	ssyncadd.s32 $0xFFFFFFFF  }
0x96: {  	s17 =	sld [smem:$0x11];
	(tm) =	ssettm $0x1  }
0x97: {  	s18 =	sld [smem:$0x3FFB];
	_ =	sdelay $0x3  }
0x98: {  	_ =	strace s18  }
0x99: {  	s4 =	sld [smem:$0x3FFC];
	_ =	sdelay $0x3  }
0x9a: {  	_ =	strace s4  }
0x9b: {  	s4 =	sld [smem:$0x3FFD];
	_ =	sdelay $0x3  }
0x9c: {  	_ =	strace s4  }
0x9d: {  	_ =	strace $0x8FFFFFFF  }
0x9e: {  	s19 =	sld [smem:$0x3FDB];
	_ =	sdelay $0x1  }
0x9f: {  	s5 =	simm.s32 $_scs_section_size  }
0xa0: {  	s6 =	simm.s32 $_size__tile_overlayer_lowered;
	s7 =	simm.s32 $_tile_overlayer_lowered  }
0xa1: {  	s22 =	simm.s32 $0x1BFF;
	s21 =	sshll.u32 s7, $0x1;
	s4 =	sadd.s32 s5, s19  }
0xa2: {  	s8 =	simm.s32 $0x0;
	s20 =	sshll.u32 s6, $0x1;
	s6 =	sadd.s32 s21, s4  }
0xa3: {  	[timem:s8], [sflag:s22] =	dma.local [hbm:s6], s20  }
0xa4: {  	_ =	swait.ge [sflag:s22], s20  }
0xa5: {  	s5 =	ssub.s32 $0x0, s20;
	[sflag:s22] =	ssyncset.done $0x0  }
0xa6: {  	[sflag:s22] =	ssyncadd.s32 s5;
	_ =	sdelay $0x1  }
0xa7: {  	s23 =	simm.s32 $0x1B8B  }
0xa8: {  	_ =	swait.ge [sflag:s23], $0x1  }
0xa9: {  	[sflag:s23] =	ssyncset.done $0x0  }
0xaa: {  	s25 =	simm.s32 $0x1B8E;
	s24 =	sld [smem:$0x3FFE];
	[sflag:s23] =	ssyncadd.s32 $0xFFFFFFFF  }
0xab: {  	s26 =	simm.s32 $execute0_lowered;
	[smem:$0x3FD2] =	sst s25  }
0xac: {  	s6 =	sshll.u32 s26, $0x1;
	_ =	strace $0x80000046;
	[dreg:$0x1] =	wrdreg $0xFFFFFFFF  }
0xad: {  	s28 =	simm.s32 $_size_execute0_lowered;
	s4 =	sadd.s32 s4, s6;
	[dreg:$0x0] =	wrdreg $0x0  }
0xae: {  	s6 =	sshll.u32 s28, $0x1;
	[dreg:$0x2] =	wrdreg s4  }
0xaf: {  	[dreg:$0x3] =	wrdreg s6  }
0xb0: {  	[dreg:$0x4] =	wrdreg $0xC0  }
0xb1: {  	_ =	task [dreg:s8], $0x5FFFF  }
0xb2: {  	[dreg:$0x1] =	wrdreg $0xFFFFFFFF  }
0xb3: {  	[dreg:$0x0] =	wrdreg $0x60  }
0xb4: {  	[dreg:$0x2] =	wrdreg s24  }
0xb5: {  	[dreg:$0x3] =	wrdreg s16  }
0xb6: {  	[dreg:$0x4] =	wrdreg s17  }
0xb7: {  	[dreg:$0x5] =	wrdreg $0x13000  }
0xb8: {  	[dreg:$0x6] =	wrdreg $0x9  }
0xb9: {  	_ =	task.clear_ibuf [dreg:s8], $0x7FFFF;
	_ =	strace $0x90000046  }
0xba: {  	s29 =	simm.s32 $0x9;
	_ =	strace $0x80000048  }
0xbb: {  	_ =	swait.ge [sflag:s29], $0x1  }
0xbc: {  	[sflag:s29] =	ssyncadd.s32 $0xFFFFFFFF  }
0xbd: {  	_ =	strace $0x90000048  }
0xbe: {  	_ =	sfence  }
0xbf: {  	s30 =	sld [smem:$0x0];
	_ =	sdelay $0x2  }
0xc0: {  	s31 =	sshll.u32 s1, $0xD;
	s1 =	sshrl.u32 s1, $0x2  }
0xc1: {  	s3 =	sand.u32 $0x4000, s31;
	s1 =	sadd.s32 s1, s30  }
0xc2: {  	s0 =	sor.u32 s3, s0;
	s1 =	sshll.u32 s1, $0x11  }
0xc3: {  	s0 =	sor.u32 s1, s0  }
0xc4: {  	s0 =	sadd.s32 $0x8F2B, s0  }
0xc5: {  	[sflag:s0] =	ssyncadd.remote.s32 $0x1  }
0xc6: {  	_ =	sfence.sel $0xFFFF  }
0xc7: {  	[dreg:$0x0] =	wrdreg $0xFFFFFFFF;
	(pc) =	sbr.abs _section_cstart, $3  }
0xc8: {  	[dreg:$0x1] =	wrdreg $0xFFFFFFFF  }
0xc9: {  	_ =	task.clear_ibuf [dreg:s8], $0x2FFFF;
	_ =	strace $0x9FFFFFFF  }
0xca: {  	(tm) =	ssettm $0x7FFFFFFF  }
0xcb: {  	_ =	shalt  }
tec
execute0_lowered:
.L_overlay_start_1:
0x0: {  	(tag) =	ssettag $0x1  }
0x1: {  	s1 =	rddreg [dreg:$0x0]  }
0x2: {  	s0 =	srdreg.scid;
	s13 =	rddreg [dreg:$0x1]  }
0x3: {  	s9 =	stileid.u32;
	s14 =	rddreg [dreg:$0x2];
	s22 =	simm.s32 $0x1200  }
0x4: {  	s28 =	simm.s32 $0x2;
	s29 =	simm.s32 $0x0;
	s0 =	sand.u32 $0x1, s0  }
0x5: {  	s7 =	sshrl.u32 s9, $0x2;
	s8 =	sshll.u32 s9, $0x7;
	s19 =	sand.u32 $0x3, s9  }
0x6: {  	s2 =	sshll.u32 s0, $0x2;
	s6 =	sand.u32 $0x380, s8;
	s0 =	ssub.s32 $0x2, s0  }
0x7: {  	s26 =	sshrl.u32 s8, $0x2;
	p0 =	sne.s32 s19, $0x0;
	s4 =	sor.u32 s7, s2  }
0x8: {  	s2 =	rddreg [dreg:$0x3];
	s24 =	sshrl.u32 s0, $0x1;
	s7 =	sshll.u32 s7, $0x9  }
0x9: {  	s3 =	sshrl.u32 s4, $0x1;
	s15 =	sshll.u32 s4, $0x4;
	s0 =	ssub.s32 s0, s24  }
0xa: {  	s4 =	smul.u32 $0x500, s19;
	s9 =	sadd.s32 s26, s2;
	s12 =	sshrl.u32 s7, $0x2  }
0xb: {  	s24 =	simm.s32 $0x1;
	s26 =	simm.s32 $0x3;
	s5 =	smul.u32 $0x2800, s3  }
0xc: {  	s3 =	simm.s32 $0x0;
	s11 =	sadd.s32 $0x200, s9;
	s31 =	sadd.s32 s12, s2  }
0xd: {  	s13 =	sadd.s32 s13, s15;
	s14 =	sadd.s32 s14, s15;
	s5 =	sor.u32 s6, s5  }
0xe: {  	[smem:$0x7FF] =	sst s3;
	s12 =	sadd.s32 $0x200, s31;
	s5 =	sshrl.u32 s5, $0x3  }
.Ltmp0:
0xf: {  	s16 =	sor.u32 $0x70, s4;
	s23 =	sadd.s32 s5, s1;
	(pc) =	sbr.rel .LBB2_1-.Ltmp0, $4  }
0x10: {  	v0 =	vlaneseq.u32;
	_ =	strace $0x80000047;
	s1 =	sadd.s32 s15, s1;
	s5 =	sadd.s32 $0x1000, s23  }
0x11: {  	v1 =	vmul.u32 $0xFFFFFFFF, v0;
	s15 =	smax.u32 s0, $0x1;
	s25 =	sadd.s32 $0x2400, s23;
	[dreg:$0x5] =	wrdreg s5  }
0x12: {  	s30 =	sadd.s32 $0x3800, s1;
	s10 =	sadd.s32 $0x3A00, s1;
	[dreg:$0x6] =	wrdreg s25  }
0x13: {  	v3 =	vadd.s32 $0x1388, v1;
	s23 =	simm.s32 $0x4;
	[dreg:$0x7] =	wrdreg s30;
	s25 =	simm.s32 $0x1280  }
.LBB2_11:
0x14: {  	_ =	swait.ge [sflag:s28], $0x20  }
0x15: {  	[sflag:s28] =	ssyncset.done $0x0  }
0x16: {  	[sflag:s28] =	ssyncadd.s32 $0xFFFFFFE0  }
0x17: {  	s0 =	simm.s32 @!p0 $0x1280;
	[bflag:$0x0] =	sbarrier.arrive $0xFFFF  }
0x18: {  	[tilespmem:s0], [sflag:$0x4] =	stream.linear.gather @!p0 [spmem:s12], $0x80, $0x38;
	[tilespmem:$0x1340] =	vst v63  }
0x19: {  	s0 =	simm.s32 @!p0 $0x4  }
0x1a: {  	_ =	swait.ge @!p0 [sflag:s0], $0x80  }
0x1b: {  	[sflag:s0] =	ssyncset.done @!p0 $0x0  }
0x1c: {  	[sflag:s0] =	ssyncadd.s32 @!p0 $0xFFFFFF80  }
0x1d: {  	v2 =	vld @!p0 [tilespmem:$0x1280]  }
0x1e: {  	v4 =	vld @!p0 [tilespmem:$0x12A0]  }
0x1f: {  	v5 =	vld @!p0 [tilespmem:$0x12C0]  }
0x20: {  	v6 =	vld @!p0 [tilespmem:$0x12E0]  }
0x21: {  	v7 =	vld @!p0 [tilespmem:$0x1290]  }
0x22: {  	v8 =	vld @!p0 [tilespmem:$0x12B0]  }
0x23: {  	v9 =	vld @!p0 [tilespmem:$0x12D0]  }
0x24: {  	v10 =	vld @!p0 [tilespmem:$0x12F0]  }
0x25: {  	v11 =	vmax.f32 @!p0 v2, v4;
	v12 =	vmax.f32 @!p0 v5, v6  }
0x26: {  	v11 =	vmax.f32 @!p0 v11, v12  }
0x27: {  	vm0 =	veq.f32 @!p0 v2, v11;
	vm1 =	veq.f32 @!p0 v5, v11  }
0x28: {  	vm2 =	veq.f32 @!p0 v6, v11;
	v2 =	vnsel @!p0 vm0, $0x4E800000, v7;
	vm0 =	veq.f32 @!p0 v4, v11  }
0x29: {  	v5 =	vnsel @!p0 vm1, $0x4E800000, v9;
	v6 =	vnsel @!p0 vm2, $0x4E800000, v10;
	v4 =	vnsel @!p0 vm0, $0x4E800000, v8  }
0x2a: {  	v2 =	vmin.f32 @!p0 v2, v4;
	v4 =	vmin.f32 @!p0 v5, v6  }
0x2b: {  	v2 =	vmin.f32 @!p0 v2, v4  }
0x2c: {  	(v2sf) =	vpush @!p0 v2, $0x0;
	_ =	sdelay $0xc  }
0x2d: {  	v2 =	vld @!p0 [tilespmem:$0x1131]  }
0x2e: {  	v4 =	vld @!p0 [tilespmem:$0x11B1]  }
0x2f: {  	s1 =	spop @!p0 (v2sf)  }
0x30: {  	v5 =	vlaneseq.u32 @!p0;
	s1 =	scvt.f32.s32 @!p0 s1  }
0x31: {  	vm0 =	veq.s32 @!p0 v5, $0x0  }
0x32: {  	v2 =	vsel @!p0 vm0, s1, v2;
	vm0 =	vmmov @!p0 $0x1  }
0x33: {  	[tilespmem:$0x1131] =	vst @!p0 v2;
	v2 =	vsel @!p0 vm0, v11, v4  }
0x34: {  	s5 =	simm.s32 @!p0 $0x1100;
	s1 =	simm.s32 @!p0 $0x0;
	[tilespmem:$0x11B1] =	vst @!p0 v2  }
0x35: {  	[hbm4b:s13+s1] =	stream.linear.scatter @!p0 [tilespmem:s5], [sflag:$0x4], $0x80, $0x38;
	[tilespmem:$0x1340] =	vst v63  }
0x36: {  	s29 =	sadd.s32 $0x1, s29;
	_ =	swait.ge @!p0 [sflag:s0], $0x80  }
0x37: {  	p1 =	sne.s32 s29, s15;
	[sflag:s0] =	ssyncset.done @!p0 $0x0  }
.Ltmp1:
0x38: {  	s5 =	simm.s32 @!p0 $0x1180;
	[sflag:s0] =	ssyncadd.s32 @!p0 $0xFFFFFF80;
	(pc) =	sbr.rel @!p1 .LBB2_12-.Ltmp1, $4  }
0x39: {  	[hbm4b:s14+s1] =	stream.linear.scatter @!p0 [tilespmem:s5], [sflag:$0x4], $0x80, $0x38;
	[tilespmem:$0x1340] =	vst v63  }
0x3a: {  	_ =	swait.ge @!p0 [sflag:s0], $0x80  }
0x3b: {  	[sflag:s0] =	ssyncset.done @!p0 $0x0  }
0x3c: {  	[sflag:s0] =	ssyncadd.s32 @!p0 $0xFFFFFF80  }
.LBB2_1:
0x3d: {  	s0 =	rddreg [dreg:$0x5];
	s1 =	simm.s32 $0x80;
	s5 =	simm.s32 $0x400  }
0x3e: {  	[tilespmem:s3], [sflag:$0x1] =	stream.strided.gather [hbm4b:s0+s1], $0x500, s5, s1, $0x38;
	[tilespmem:$0x1340] =	vst v63  }
0x3f: {  	s20 =	rddreg [dreg:$0x6];
	s6 =	simm.s32 $0x500  }
0x40: {  	[tilespmem:s6], [sflag:$0x1] =	stream.strided.gather [hbm4b:s20+s1], $0x500, s5, s1, $0x38;
	[tilespmem:$0x1340] =	vst v63  }
0x41: {  	s21 =	rddreg [dreg:$0x7];
	s30 =	simm.s32 $0x1000  }
0x42: {  	[tilespmem:s30], [sflag:$0x1] =	stream.linear.gather [hbm4b:s21+s3], $0x80, $0x38;
	[tilespmem:$0x1340] =	vst v63  }
0x43: {  	s5 =	simm.s32 $0x1080  }
0x44: {  	v2 =	vimm.f32 $0.0e+00;
	[tilespmem:s5], [sflag:$0x1] =	stream.linear.gather [hbm4b:s10+s3], $0x80, $0x38;
	[tilespmem:$0x1340] =	vst v63  }
0x45: {  	[tilespmem:$0x1200] =	vst v2  }
0x46: {  	[tilespmem:$0x1210] =	vst v2  }
0x47: {  	[spmem:s9] =	stream.linear.scatter [tilespmem:s22], [sflag:$0x4], $0x20, $0x38;
	[tilespmem:$0x1340] =	vst v63  }
0x48: {  	_ =	swait.ge [sflag:s23], $0x20  }
0x49: {  	[sflag:s23] =	ssyncset.done $0x0  }
0x4a: {  	[sflag:s23] =	ssyncadd.s32 $0xFFFFFFE0  }
0x4b: {  	[spmem:s11] =	stream.linear.scatter [tilespmem:s22], [sflag:$0x4], $0x20, $0x38;
	[tilespmem:$0x1340] =	vst v63  }
0x4c: {  	_ =	swait.ge [sflag:s23], $0x20  }
0x4d: {  	[sflag:s23] =	ssyncset.done $0x0  }
0x4e: {  	[sflag:s23] =	ssyncadd.s32 $0xFFFFFFE0  }
0x4f: {  	_ =	swait.ge [sflag:s24], $0x500  }
0x50: {  	[sflag:s24] =	ssyncset.done $0x0  }
0x51: {  	[sflag:s24] =	ssyncadd.s32 $0xFFFFFB00  }
0x52: {  	_ =	swait.ge [sflag:s24], $0x500  }
0x53: {  	[sflag:s24] =	ssyncset.done $0x0  }
0x54: {  	[sflag:s24] =	ssyncadd.s32 $0xFFFFFB00  }
0x55: {  	_ =	swait.ge [sflag:s24], $0x80  }
0x56: {  	[sflag:s24] =	ssyncset.done $0x0  }
0x57: {  	[sflag:s24] =	ssyncadd.s32 $0xFFFFFF80  }
0x58: {  	_ =	swait.ge [sflag:s24], $0x80  }
0x59: {  	[sflag:s24] =	ssyncset.done $0x0  }
0x5a: {  	s1 =	simm.s32 $0x540;
	[sflag:s24] =	ssyncadd.s32 $0xFFFFFF80  }
0x5b: {  	s0 =	simm.s32 $0x40;
	v4 =	vld [tilespmem:s1+$0xFFFFFFC0]  }
0x5c: {  	v5 =	vld [tilespmem:s0+$0xFFFFFFC0];
	_ =	sdelay $0x3  }
0x5d: {  	s19 =	sadd.s32 $0xFFFFFF90, s16  }
0x5e: {  	v6 =	vmov s19;
	v5 =	vsub.f32 v4, v5  }
0x5f: {  	vm0 =	vlt.u32 v6, v3  }
0x60: {  	s20 =	simm.s32 $0xAC0;
	v5 =	vnsel vm0, $0xFF800000, v5  }
0x61: {  	v4 =	vnsel vm0, $0xFF800000, v4;
	[tilespmem:s20+$0xFFFFFFC0] =	vst v5  }
0x62: {  	[tilespmem:s1+$0xFFFFFFC0] =	vst v4;
	v4 =	vld [tilespmem:s1+$0xFFFFFFD0]  }
0x63: {  	v5 =	vld [tilespmem:s0+$0xFFFFFFD0];
	_ =	sdelay $0x3  }
0x64: {  	s6 =	sadd.s32 $0xFFFFFFA0, s16  }
0x65: {  	v6 =	vmov s6;
	v5 =	vsub.f32 v4, v5  }
0x66: {  	vm9 =	vlt.u32 v6, v3  }
0x67: {  	v5 =	vnsel vm9, $0xFF800000, v5  }
0x68: {  	v4 =	vnsel vm9, $0xFF800000, v4;
	[tilespmem:s20+$0xFFFFFFD0] =	vst v5  }
0x69: {  	[tilespmem:s1+$0xFFFFFFD0] =	vst v4;
	v4 =	vld [tilespmem:s1+$0xFFFFFFE0]  }
0x6a: {  	v5 =	vld [tilespmem:s0+$0xFFFFFFE0];
	_ =	sdelay $0x3  }
0x6b: {  	s8 =	sadd.s32 $0xFFFFFFB0, s16  }
0x6c: {  	v6 =	vmov s8;
	v5 =	vsub.f32 v4, v5  }
0x6d: {  	vm10 =	vlt.u32 v6, v3  }
0x6e: {  	v5 =	vnsel vm10, $0xFF800000, v5  }
0x6f: {  	v4 =	vnsel vm10, $0xFF800000, v4;
	[tilespmem:s20+$0xFFFFFFE0] =	vst v5  }
0x70: {  	[tilespmem:s1+$0xFFFFFFE0] =	vst v4;
	v4 =	vld [tilespmem:s1+$0xFFFFFFF0]  }
0x71: {  	v5 =	vld [tilespmem:s0+$0xFFFFFFF0];
	_ =	sdelay $0x3  }
0x72: {  	s17 =	sadd.s32 $0xFFFFFFC0, s16  }
0x73: {  	v6 =	vmov s17;
	v5 =	vsub.f32 v4, v5  }
0x74: {  	vm11 =	vlt.u32 v6, v3  }
0x75: {  	v5 =	vnsel vm11, $0xFF800000, v5  }
0x76: {  	v4 =	vnsel vm11, $0xFF800000, v4;
	[tilespmem:s20+$0xFFFFFFF0] =	vst v5  }
0x77: {  	[tilespmem:s1+$0xFFFFFFF0] =	vst v4;
	v4 =	vld [tilespmem:s1+$0x0]  }
0x78: {  	v5 =	vld [tilespmem:s0+$0x0];
	_ =	sdelay $0x3  }
0x79: {  	s18 =	sadd.s32 $0xFFFFFFD0, s16  }
0x7a: {  	v6 =	vmov s18;
	v5 =	vsub.f32 v4, v5  }
0x7b: {  	vm12 =	vlt.u32 v6, v3  }
0x7c: {  	v5 =	vnsel vm12, $0xFF800000, v5  }
0x7d: {  	v4 =	vnsel vm12, $0xFF800000, v4;
	[tilespmem:s20+$0x0] =	vst v5  }
0x7e: {  	[tilespmem:s1+$0x0] =	vst v4;
	v4 =	vld [tilespmem:s1+$0x10]  }
0x7f: {  	v5 =	vld [tilespmem:s0+$0x10];
	_ =	sdelay $0x3  }
0x80: {  	s21 =	sadd.s32 $0xFFFFFFE0, s16  }
0x81: {  	v6 =	vmov s21;
	v5 =	vsub.f32 v4, v5  }
0x82: {  	vm13 =	vlt.u32 v6, v3  }
0x83: {  	v5 =	vnsel vm13, $0xFF800000, v5  }
0x84: {  	v4 =	vnsel vm13, $0xFF800000, v4;
	[tilespmem:s20+$0x10] =	vst v5  }
0x85: {  	[tilespmem:s1+$0x10] =	vst v4;
	v4 =	vld [tilespmem:s1+$0x20]  }
0x86: {  	v5 =	vld [tilespmem:s0+$0x20];
	_ =	sdelay $0x3  }
0x87: {  	s30 =	sadd.s32 $0xFFFFFFF0, s16  }
0x88: {  	v6 =	vmov s30;
	v5 =	vsub.f32 v4, v5  }
0x89: {  	vm14 =	vlt.u32 v6, v3  }
0x8a: {  	v5 =	vnsel vm14, $0xFF800000, v5  }
0x8b: {  	v4 =	vnsel vm14, $0xFF800000, v4;
	[tilespmem:s20+$0x20] =	vst v5  }
0x8c: {  	[tilespmem:s1+$0x20] =	vst v4;
	v4 =	vld [tilespmem:s1+$0x30]  }
0x8d: {  	v5 =	vld [tilespmem:s0+$0x30];
	_ =	sdelay $0x4  }
0x8e: {  	v6 =	vmov s16;
	v5 =	vsub.f32 v4, v5  }
0x8f: {  	vm15 =	vlt.u32 v6, v3  }
0x90: {  	s31 =	smov.u32 s16;
	v5 =	vnsel vm15, $0xFF800000, v5  }
0x91: {  	s19 =	simm.s32 $0x0;
	s21 =	simm.s32 $0xB40;
	v4 =	vnsel vm15, $0xFF800000, v4;
	[tilespmem:s20+$0x30] =	vst v5;
	s20 =	simm.s32 $0x5C0  }
.LBB2_2:
0x92: {  	v5 =	vld [tilespmem:s20+$0xFFFFFFC0];
	s19 =	sadd.s32 $0x8, s19;
	[tilespmem:s1+$0x30] =	vst v4;
	s31 =	sadd.s32 $0x80, s31;
	s0 =	sadd.s32 $0x80, s0  }
0x93: {  	s1 =	smov.u32 s20;
	v4 =	vld [tilespmem:s0+$0xFFFFFFC0];
	p1 =	slt.u32 s19, $0x48;
	_ =	sdelay $0x3  }
0x94: {  	s30 =	sadd.s32 $0xFFFFFF90, s31  }
0x95: {  	v6 =	vmov s30;
	v4 =	vsub.f32 v5, v4  }
0x96: {  	vm0 =	vlt.u32 v6, v3  }
0x97: {  	v4 =	vnsel vm0, $0xFF800000, v4  }
0x98: {  	[tilespmem:s21+$0xFFFFFFC0] =	vst v4;
	v4 =	vnsel vm0, $0xFF800000, v5  }
0x99: {  	[tilespmem:s20+$0xFFFFFFC0] =	vst v4;
	v4 =	vld [tilespmem:s20+$0xFFFFFFD0]  }
0x9a: {  	v5 =	vld [tilespmem:s0+$0xFFFFFFD0];
	_ =	sdelay $0x3  }
0x9b: {  	s30 =	sadd.s32 $0xFFFFFFA0, s31  }
0x9c: {  	v6 =	vmov s30;
	v5 =	vsub.f32 v4, v5  }
0x9d: {  	vm0 =	vlt.u32 v6, v3  }
0x9e: {  	v5 =	vnsel vm0, $0xFF800000, v5  }
0x9f: {  	v4 =	vnsel vm0, $0xFF800000, v4;
	[tilespmem:s21+$0xFFFFFFD0] =	vst v5  }
0xa0: {  	[tilespmem:s20+$0xFFFFFFD0] =	vst v4;
	v4 =	vld [tilespmem:s20+$0xFFFFFFE0]  }
0xa1: {  	v5 =	vld [tilespmem:s0+$0xFFFFFFE0];
	_ =	sdelay $0x3  }
0xa2: {  	s30 =	sadd.s32 $0xFFFFFFB0, s31  }
0xa3: {  	v6 =	vmov s30;
	v5 =	vsub.f32 v4, v5  }
0xa4: {  	vm0 =	vlt.u32 v6, v3  }
0xa5: {  	v5 =	vnsel vm0, $0xFF800000, v5  }
0xa6: {  	v4 =	vnsel vm0, $0xFF800000, v4;
	[tilespmem:s21+$0xFFFFFFE0] =	vst v5  }
0xa7: {  	[tilespmem:s20+$0xFFFFFFE0] =	vst v4;
	v4 =	vld [tilespmem:s20+$0xFFFFFFF0]  }
0xa8: {  	v5 =	vld [tilespmem:s0+$0xFFFFFFF0];
	_ =	sdelay $0x3  }
0xa9: {  	s30 =	sadd.s32 $0xFFFFFFC0, s31  }
0xaa: {  	v6 =	vmov s30;
	v5 =	vsub.f32 v4, v5  }
0xab: {  	vm0 =	vlt.u32 v6, v3  }
0xac: {  	v5 =	vnsel vm0, $0xFF800000, v5  }
0xad: {  	v4 =	vnsel vm0, $0xFF800000, v4;
	[tilespmem:s21+$0xFFFFFFF0] =	vst v5  }
0xae: {  	[tilespmem:s20+$0xFFFFFFF0] =	vst v4;
	v4 =	vld [tilespmem:s20+$0x0]  }
0xaf: {  	v5 =	vld [tilespmem:s0+$0x0];
	_ =	sdelay $0x3  }
0xb0: {  	s30 =	sadd.s32 $0xFFFFFFD0, s31  }
0xb1: {  	v6 =	vmov s30;
	v5 =	vsub.f32 v4, v5  }
0xb2: {  	vm0 =	vlt.u32 v6, v3  }
0xb3: {  	v5 =	vnsel vm0, $0xFF800000, v5  }
0xb4: {  	v4 =	vnsel vm0, $0xFF800000, v4;
	[tilespmem:s21+$0x0] =	vst v5  }
0xb5: {  	[tilespmem:s20+$0x0] =	vst v4;
	v4 =	vld [tilespmem:s20+$0x10]  }
0xb6: {  	v5 =	vld [tilespmem:s0+$0x10];
	_ =	sdelay $0x3  }
0xb7: {  	s30 =	sadd.s32 $0xFFFFFFE0, s31  }
0xb8: {  	v6 =	vmov s30;
	v5 =	vsub.f32 v4, v5  }
0xb9: {  	vm0 =	vlt.u32 v6, v3  }
0xba: {  	v5 =	vnsel vm0, $0xFF800000, v5  }
0xbb: {  	v4 =	vnsel vm0, $0xFF800000, v4;
	[tilespmem:s21+$0x10] =	vst v5  }
0xbc: {  	[tilespmem:s20+$0x10] =	vst v4;
	v4 =	vld [tilespmem:s20+$0x20]  }
0xbd: {  	v5 =	vld [tilespmem:s0+$0x20];
	_ =	sdelay $0x3  }
0xbe: {  	s30 =	sadd.s32 $0xFFFFFFF0, s31  }
0xbf: {  	v6 =	vmov s30;
	v5 =	vsub.f32 v4, v5  }
0xc0: {  	vm0 =	vlt.u32 v6, v3  }
0xc1: {  	v5 =	vnsel vm0, $0xFF800000, v5  }
0xc2: {  	v4 =	vnsel vm0, $0xFF800000, v4;
	[tilespmem:s21+$0x20] =	vst v5  }
0xc3: {  	[tilespmem:s20+$0x20] =	vst v4;
	v4 =	vld [tilespmem:s20+$0x30]  }
0xc4: {  	v5 =	vld [tilespmem:s0+$0x30];
	_ =	sdelay $0x3  }
.Ltmp2:
0xc5: {  	(pc) =	sbr.rel @p1 .LBB2_2-.Ltmp2, $4  }
0xc6: {  	v6 =	vmov s31;
	v5 =	vsub.f32 v4, v5  }
0xc7: {  	vm0 =	vlt.u32 v6, v3  }
0xc8: {  	v5 =	vnsel vm0, $0xFF800000, v5  }
0xc9: {  	s30 =	simm.s32 $0x0;
	s20 =	sadd.s32 $0x80, s20;
	v4 =	vnsel vm0, $0xFF800000, v4;
	[tilespmem:s21+$0x30] =	vst v5;
	s21 =	sadd.s32 $0x80, s21  }
.Ltmp3:
0xca: {  	(pc) =	sbr.rel .LBB2_4-.Ltmp3, $2  }
0xcb: {  	_ =	sdelay $0x2  }
0xcc: {  	[tilespmem:s1+$0x30] =	vst v4  }
.LBB2_10:
0xcd: {  	s30 =	sadd.s32 $0x1, s30  }
0xce: {  	p1 =	sne.s32 s30, $0x32  }
.Ltmp4:
0xcf: {  	_ = 	snop;
	(pc) =	sbr.rel @!p1 .LBB2_11-.Ltmp4, $4  }
0xd0: {  	_ = 	snop  }
0xd1: {  	s0 =	sshrl.u32 s31, $0x2  }
0xd2: {  	s0 =	sadd.s32 s0, s9  }
0xd3: {  	[spmem:s0] =	stream.linear.scatter [tilespmem:s22], [sflag:$0x2], $0x20, $0x38;
	[tilespmem:$0x1340] =	vst v63  }
.LBB2_4:
0xd4: {  	v5 =	vld [tilespmem:s30+$0x1000]  }
0xd5: {  	v4 =	vld [tilespmem:s30+$0x1080];
	s1 =	simm.s32 $0xAD0  }
0xd6: {  	v9 =	vld [tilespmem:s1+$0x40]  }
0xd7: {  	s0 =	simm.s32 $0x50;
	v11 =	vld [tilespmem:s1+$0x30]  }
0xd8: {  	s19 =	simm.s32 $0x550;
	v12 =	vld [tilespmem:s0+$0x40]  }
0xd9: {  	v13 =	vld [tilespmem:s19+$0x40]  }
0xda: {  	v14 =	vld [tilespmem:s1+$0x20]  }
0xdb: {  	v15 =	vld [tilespmem:s0+$0x30]  }
0xdc: {  	v16 =	vld [tilespmem:s19+$0x30]  }
0xdd: {  	v17 =	vld [tilespmem:s1+$0x10]  }
0xde: {  	v18 =	vld [tilespmem:s0+$0x20]  }
0xdf: {  	v19 =	vld [tilespmem:s19+$0x20];
	(v2sf) =	vpush v5, $0x0  }
0xe0: {  	v21 =	vld [tilespmem:s0+$0x10];
	(v2sf) =	vpush v4, $0x0  }
0xe1: {  	v24 =	vld [tilespmem:s0+$0x0]  }
0xe2: {  	v27 =	vld [tilespmem:s0+$0xFFFFFFF0]  }
0xe3: {  	v33 =	vld [tilespmem:s0+$0xFFFFFFE0]  }
0xe4: {  	v42 =	vld [tilespmem:s0+$0xFFFFFFD0];
	v6 =	vbroadcast v5, $0x0  }
0xe5: {  	v8 =	vimm.f32 $-Inf;
	v49 =	vld [tilespmem:s0+$0xFFFFFFC0];
	v5 =	vimm.s32 $0x0;
	v4 =	vbroadcast v4, $0x0  }
0xe6: {  	v22 =	vld [tilespmem:s19+$0x10];
	v29 =	vmin.f32 v6, v12;
	v34 =	vmin.f32 v6, v15;
	v36 =	vmax.f32 v6, v12  }
0xe7: {  	v48 =	vld [tilespmem:s19+$0xFFFFFFC0];
	v38 =	vmin.f32 v6, v18;
	v41 =	vmax.f32 v6, v15;
	v44 =	vmin.f32 v6, v24  }
0xe8: {  	v12 =	vld [tilespmem:s19+$0xFFFFFFE0];
	v45 =	vmax.f32 v6, v18;
	v47 =	vmax.f32 v6, v21;
	v51 =	vmax.f32 v6, v24  }
0xe9: {  	v15 =	vld [tilespmem:s19+$0xFFFFFFD0];
	v52 =	vmin.f32 v6, v33;
	v55 =	vmin.f32 v6, v42;
	v56 =	vmax.f32 v6, v27  }
0xea: {  	v57 =	vld [tilespmem:s19+$0xFFFFFFB0];
	v59 =	vmax.f32 v6, v33;
	v62 =	vmin.f32 v6, v49;
	v28 =	vmax.f32 v4, v13  }
0xeb: {  	v60 =	vld [tilespmem:s0+$0xFFFFFFB0];
	v32 =	vmax.f32 v4, v16;
	v35 =	vmin.f32 v4, v13;
	v37 =	vmax.f32 v4, v19  }
0xec: {  	v20 =	vld [tilespmem:s1+$0x0];
	v39 =	vmax.f32 v4, v22;
	v19 =	vmin.f32 v4, v19;
	v61 =	vmax.f32 v4, v48  }
0xed: {  	v23 =	vld [tilespmem:s1+$0xFFFFFFF0];
	v48 =	vmin.f32 v4, v48;
	v24 =	vsub.f32 v35, v36;
	v36 =	vmax.f32 v6, v42  }
0xee: {  	v25 =	vld [tilespmem:s19+$0x0];
	v50 =	vmax.f32 v4, v12;
	v54 =	vmax.f32 v4, v15;
	v58 =	vmin.f32 v4, v12;
	s20 =	spop (v2sf)  }
0xef: {  	v26 =	vld [tilespmem:s1+$0xFFFFFFE0];
	v12 =	vsub.f32 v28, v29;
	v63 =	vmin.f32 v4, v15;
	v15 =	vsub.f32 v37, v38;
	s21 =	spop (v2sf)  }
0xf0: {  	v30 =	vld [tilespmem:s19+$0xFFFFFFF0];
	v29 =	vmax.f32 v4, v57;
	v28 =	vsub.f32 v19, v45;
	v45 =	vmin.f32 v6, v60;
	s20 =	ssub.f32 s21, s20  }
0xf1: {  	v31 =	vld [tilespmem:s1+$0xFFFFFFD0];
	v19 =	vsub.f32 v50, v52;
	v52 =	vmax.f32 v6, v49;
	v35 =	vsub.f32 v58, v59  }
0xf2: {  	v18 =	vld [tilespmem:s1+$0xFFFFFFB0];
	v29 =	vsub.f32 v29, v45;
	v36 =	vsub.f32 v63, v36;
	v7 =	vmov s20  }
0xf3: {  	v13 =	vld [tilespmem:s1+$0xFFFFFFC0];
	v40 =	vmin.f32 v4, v16;
	v37 =	vsub.f32 v48, v52;
	v10 =	vadd.f32 v9, v7  }
0xf4: {  	v43 =	vmax.f32 v4, v25;
	v11 =	vadd.f32 v11, v7;
	v9 =	vadd.f32 v14, v7  }
0xf5: {  	v46 =	vmin.f32 v4, v22;
	v14 =	vadd.f32 v17, v7;
	v16 =	vadd.f32 v20, v7  }
0xf6: {  	v25 =	vmin.f32 v4, v25;
	v20 =	vadd.f32 v23, v7;
	v22 =	vadd.f32 v26, v7  }
0xf7: {  	v23 =	vmin.f32 v6, v27;
	v27 =	vadd.f32 v31, v7;
	v33 =	vadd.f32 v18, v7  }
0xf8: {  	v53 =	vmin.f32 v4, v30;
	v31 =	vadd.f32 v13, v7;
	v13 =	vsub.f32 v32, v34  }
0xf9: {  	v17 =	vmin.f32 v6, v21;
	v26 =	vsub.f32 v40, v41;
	v18 =	vsub.f32 v43, v44  }
0xfa: {  	v21 =	vmax.f32 v4, v30;
	v30 =	vsub.f32 v46, v47;
	v32 =	vsub.f32 v25, v51  }
0xfb: {  	v57 =	vmin.f32 v4, v57;
	v34 =	vsub.f32 v53, v56;
	v25 =	vsub.f32 v61, v62  }
0xfc: {  	v62 =	vmax.f32 v6, v60;
	v17 =	vsub.f32 v39, v17;
	v21 =	vsub.f32 v21, v23  }
0xfd: {  	s31 =	simm.s32 $0x0;
	s20 =	simm.s32 $0xA;
	v23 =	vsub.f32 v54, v55;
	v38 =	vsub.f32 v57, v62;
	v39 =	vmax.f32 v12, $9.999999930e-09  }
.LBB2_5:
0xfe: {  	p1 =	slt.u32 s20, $0x46;
	v40 =	vmax.f32 v15, $9.999999930e-09;
	v41 =	vmax.f32 v13, $9.999999930e-09;
	v24 =	vmax.f32 v24, $0.0e+00  }
0xff: {  	v42 =	vmax.f32 v17, $9.999999930e-09;
	v28 =	vmax.f32 v28, $0.0e+00;
	v26 =	vmax.f32 v26, $0.0e+00  }
0x100: {  	v43 =	vmax.f32 v18, $9.999999930e-09;
	v30 =	vmax.f32 v30, $0.0e+00;
	(erf) = vrcp.f32 v39  }
0x101: {  	v32 =	vmax.f32 v32, $0.0e+00;
	v39 =	vmax.f32 v21, $9.999999930e-09;
	(erf) = vrcp.f32 v41  }
0x102: {  	v34 =	vmax.f32 v34, $0.0e+00;
	v41 =	vmax.f32 v19, $9.999999930e-09;
	(erf) = vrcp.f32 v40  }
0x103: {  	v35 =	vmax.f32 v35, $0.0e+00;
	v40 =	vmax.f32 v23, $9.999999930e-09;
	(erf) = vrcp.f32 v42  }
0x104: {  	v36 =	vmax.f32 v36, $0.0e+00;
	v42 =	vmax.f32 v25, $9.999999930e-09;
	(erf) = vrcp.f32 v43  }
0x105: {  	v38 =	vmax.f32 v38, $0.0e+00;
	v43 =	vmax.f32 v29, $9.999999930e-09;
	(erf) = vrcp.f32 v39  }
0x106: {  	v37 =	vmax.f32 v37, $0.0e+00;
	v33 =	vsub.f32 v33, v38;
	(erf) = vrcp.f32 v41  }
0x107: {  	v39 =	vsub.f32 v11, v26;
	v41 =	vsub.f32 v10, v24;
	(erf) = vrcp.f32 v40  }
0x108: {  	v31 =	vsub.f32 v31, v37;
	v10 =	vmax.f32 v33, $9.999999930e-09;
	(erf) = vrcp.f32 v43  }
0x109: {  	v14 =	vsub.f32 v14, v30;
	v40 =	vsub.f32 v9, v28;
	(erf) = vrcp.f32 v10;
	v9 =	vpop (erf)  }
0x10a: {  	v27 =	vsub.f32 v27, v36;
	v10 =	vmax.f32 v31, $9.999999930e-09;
	(erf) = vrcp.f32 v42;
	v11 =	vpop (erf)  }
0x10b: {  	v20 =	vsub.f32 v20, v34;
	v16 =	vsub.f32 v16, v32;
	(erf) = vrcp.f32 v10;
	v42 =	vpop (erf)  }
0x10c: {  	v22 =	vsub.f32 v22, v35;
	v2 =	vmax.f32 v27, $9.999999930e-09;
	v10 =	vsub.f32 v12, v41;
	v12 =	vpop (erf)  }
0x10d: {  	v13 =	vsub.f32 v13, v39;
	v46 =	vmax.f32 v41, $9.999999930e-09;
	(erf) = vrcp.f32 v2;
	v43 =	vpop (erf)  }
0x10e: {  	v44 =	vmax.f32 v22, $9.999999930e-09;
	v15 =	vsub.f32 v15, v40;
	v45 =	vpop (erf);
	(erf) = vrcp.f32 v46  }
0x10f: {  	v17 =	vsub.f32 v17, v14;
	v39 =	vmax.f32 v39, $9.999999930e-09;
	(erf) = vrcp.f32 v44;
	v41 =	vpop (erf)  }
0x110: {  	v18 =	vsub.f32 v18, v16;
	v44 =	vmax.f32 v20, $9.999999930e-09;
	v46 =	vpop (erf);
	(erf) = vrcp.f32 v39  }
0x111: {  	v16 =	vmax.f32 v16, $9.999999930e-09;
	v2 =	vsub.f32 v29, v33;
	v33 =	vpop (erf);
	(erf) = vrcp.f32 v44  }
0x112: {  	v14 =	vmax.f32 v14, $9.999999930e-09;
	v20 =	vsub.f32 v21, v20;
	v21 =	vpop (erf);
	(erf) = vrcp.f32 v16  }
0x113: {  	v25 =	vsub.f32 v25, v31;
	v16 =	vmul.f32 v21, v38;
	v21 =	vmul.f32 v2, v33;
	v29 =	vpop (erf)  }
0x114: {  	v23 =	vsub.f32 v23, v27;
	v27 =	vmax.f32 v40, $9.999999930e-09;
	v31 =	vpop (erf);
	(erf) = vrcp.f32 v14  }
0x115: {  	v14 =	vsub.f32 v16, v21;
	v16 =	vmul.f32 v31, v37;
	v21 =	vmul.f32 v25, v29  }
0x116: {  	s1 =	sadd.s32 $0xA0, s1;
	v2 =	vsub.f32 v19, v22;
	v31 =	vmul.f32 v23, v46;
	v22 =	vpop (erf);
	(erf) = vrcp.f32 v27  }
0x117: {  	v25 =	vld [tilespmem:s1+$0x40];
	vm0 =	vgt.f32 v14, v8;
	v16 =	vsub.f32 v16, v21;
	v21 =	vmul.f32 v22, v36;
	v22 =	vpop (erf)  }
0x118: {  	s0 =	sadd.s32 $0xA0, s0;
	v27 =	vld [tilespmem:s1+$0x30];
	v8 =	vsel vm0, v14, v8;
	v5 =	vsel vm0, s31, v5;
	v14 =	vmul.f32 v2, v41;
	v19 =	vpop (erf)  }
0x119: {  	s21 =	sadd.s32 $0x1, s31;
	s19 =	sadd.s32 $0xA0, s19;
	v29 =	vld [tilespmem:s0+$0x40];
	vm0 =	vgt.f32 v16, v8;
	v21 =	vsub.f32 v21, v31;
	v19 =	vmul.f32 v19, v35;
	v23 =	vpop (erf)  }
0x11a: {  	v31 =	vld [tilespmem:s19+$0x40];
	v8 =	vsel vm0, v16, v8;
	v5 =	vsel vm0, s21, v5;
	v16 =	vmul.f32 v20, v45;
	v20 =	vpop (erf)  }
0x11b: {  	s21 =	sadd.s32 $0x2, s31;
	v33 =	vld [tilespmem:s1+$0x20];
	vm0 =	vgt.f32 v21, v8;
	v14 =	vsub.f32 v19, v14;
	v19 =	vmul.f32 v20, v34;
	v20 =	vpop (erf)  }
0x11c: {  	v18 =	vmul.f32 v18, v43;
	v34 =	vld [tilespmem:s0+$0x30];
	v8 =	vsel vm0, v21, v8;
	v5 =	vsel vm0, s21, v5  }
0x11d: {  	s21 =	sadd.s32 $0x3, s31;
	v2 =	vmul.f32 v20, v32;
	v21 =	vld [tilespmem:s19+$0x30];
	vm0 =	vgt.f32 v14, v8;
	v16 =	vsub.f32 v19, v16;
	v20 =	vpop (erf)  }
0x11e: {  	v12 =	vmul.f32 v17, v12;
	v32 =	vld [tilespmem:s1+$0x10];
	v8 =	vsel vm0, v14, v8;
	v5 =	vsel vm0, s21, v5  }
0x11f: {  	s21 =	sadd.s32 $0x4, s31;
	v14 =	vsub.f32 v2, v18;
	v18 =	vmul.f32 v20, v30;
	v17 =	vld [tilespmem:s0+$0x20];
	vm0 =	vgt.f32 v16, v8;
	v19 =	vpop (erf)  }
0x120: {  	v15 =	vmul.f32 v15, v42;
	v20 =	vld [tilespmem:s19+$0x20];
	v8 =	vsel vm0, v16, v8;
	v5 =	vsel vm0, s21, v5  }
0x121: {  	s21 =	sadd.s32 $0x5, s31;
	v12 =	vsub.f32 v18, v12;
	v18 =	vmul.f32 v19, v28;
	v16 =	vld [tilespmem:s1+$0x0];
	vm0 =	vgt.f32 v14, v8  }
0x122: {  	v11 =	vmul.f32 v13, v11;
	v19 =	vld [tilespmem:s0+$0x10];
	v8 =	vsel vm0, v14, v8;
	v5 =	vsel vm0, s21, v5  }
0x123: {  	s21 =	sadd.s32 $0x6, s31;
	v14 =	vsub.f32 v18, v15;
	v15 =	vmul.f32 v23, v26;
	v13 =	vld [tilespmem:s19+$0x10];
	vm0 =	vgt.f32 v12, v8  }
0x124: {  	v9 =	vmul.f32 v10, v9;
	v18 =	vld [tilespmem:s1+$0xFFFFFFF0];
	v8 =	vsel vm0, v12, v8;
	v5 =	vsel vm0, s21, v5  }
0x125: {  	s21 =	sadd.s32 $0x7, s31;
	v10 =	vsub.f32 v15, v11;
	v11 =	vmul.f32 v22, v24;
	v12 =	vld [tilespmem:s0+$0x0];
	vm0 =	vgt.f32 v14, v8  }
0x126: {  	v15 =	vld [tilespmem:s19+$0x0];
	v8 =	vsel vm0, v14, v8;
	v5 =	vsel vm0, s21, v5  }
0x127: {  	v23 =	vmax.f32 v4, v31;
	s21 =	sadd.s32 $0x8, s31;
	v9 =	vsub.f32 v11, v9;
	v22 =	vld [tilespmem:s1+$0xFFFFFFE0];
	vm0 =	vgt.f32 v10, v8  }
0x128: {  	v26 =	vmin.f32 v6, v29;
	v24 =	vld [tilespmem:s0+$0xFFFFFFF0];
	v8 =	vsel vm0, v10, v8;
	v5 =	vsel vm0, s21, v5  }
0x129: {  	v30 =	vmax.f32 v4, v21;
	v10 =	vadd.f32 v25, v7;
	s21 =	sadd.s32 $0x9, s31;
	s31 =	smov.u32 s20;
	v28 =	vld [tilespmem:s19+$0xFFFFFFF0];
	vm0 =	vgt.f32 v9, v8  }
0x12a: {  	v35 =	vmin.f32 v6, v34;
	v25 =	vld [tilespmem:s1+$0xFFFFFFD0];
	v8 =	vsel vm0, v9, v8;
	v5 =	vsel vm0, s21, v5  }
0x12b: {  	v37 =	vmin.f32 v4, v31;
	v29 =	vmax.f32 v6, v29;
	v11 =	vadd.f32 v27, v7;
	v36 =	vld [tilespmem:s0+$0xFFFFFFE0]  }
0x12c: {  	v39 =	vmin.f32 v6, v17;
	v38 =	vmax.f32 v4, v20;
	v9 =	vadd.f32 v33, v7;
	v31 =	vld [tilespmem:s19+$0xFFFFFFE0]  }
0x12d: {  	v34 =	vmax.f32 v6, v34;
	v21 =	vmin.f32 v4, v21;
	v41 =	vmax.f32 v4, v13;
	v40 =	vld [tilespmem:s1+$0xFFFFFFC0]  }
0x12e: {  	v43 =	vmin.f32 v4, v20;
	v14 =	vadd.f32 v32, v7;
	v32 =	vmin.f32 v6, v19;
	v42 =	vld [tilespmem:s0+$0xFFFFFFD0]  }
0x12f: {  	v47 =	vmax.f32 v6, v17;
	v46 =	vmin.f32 v6, v12;
	v45 =	vmax.f32 v4, v15;
	v44 =	vld [tilespmem:s19+$0xFFFFFFD0]  }
0x130: {  	v16 =	vadd.f32 v16, v7;
	v19 =	vmax.f32 v6, v19;
	v48 =	vmin.f32 v4, v13;
	v17 =	vld [tilespmem:s1+$0xFFFFFFB0]  }
0x131: {  	v20 =	vadd.f32 v18, v7;
	v51 =	vmin.f32 v6, v24;
	v50 =	vmax.f32 v4, v28;
	v49 =	vld [tilespmem:s19+$0xFFFFFFC0]  }
0x132: {  	v55 =	vmax.f32 v6, v12;
	v54 =	vmin.f32 v4, v15;
	v53 =	vmax.f32 v4, v31;
	v52 =	vld [tilespmem:s0+$0xFFFFFFC0]  }
0x133: {  	v22 =	vadd.f32 v22, v7;
	v57 =	vmin.f32 v4, v28;
	v56 =	vmin.f32 v6, v36  }
0x134: {  	v60 =	vmax.f32 v6, v24;
	v59 =	vmin.f32 v6, v42;
	v58 =	vmax.f32 v4, v44  }
0x135: {  	v27 =	vadd.f32 v25, v7;
	v36 =	vmax.f32 v6, v36;
	v62 =	vmin.f32 v4, v31;
	v61 =	vld [tilespmem:s19+$0xFFFFFFB0]  }
0x136: {  	v31 =	vadd.f32 v40, v7;
	v33 =	vadd.f32 v17, v7;
	v63 =	vld [tilespmem:s0+$0xFFFFFFB0];
	v25 =	vmax.f32 v4, v49  }
0x137: {  	v13 =	vsub.f32 v30, v35;
	v12 =	vsub.f32 v23, v26;
	v40 =	vmin.f32 v6, v52  }
0x138: {  	v15 =	vsub.f32 v38, v39;
	v24 =	vsub.f32 v37, v29;
	v44 =	vmin.f32 v4, v44  }
0x139: {  	v26 =	vsub.f32 v21, v34;
	v37 =	vmax.f32 v6, v42;
	v17 =	vsub.f32 v41, v32  }
0x13a: {  	v18 =	vsub.f32 v45, v46;
	v28 =	vsub.f32 v43, v47;
	v29 =	vmax.f32 v4, v61  }
0x13b: {  	v30 =	vsub.f32 v48, v19;
	v21 =	vsub.f32 v50, v51;
	v38 =	vmin.f32 v6, v63  }
.Ltmp5:
0x13c: {  	v19 =	vsub.f32 v53, v56;
	v32 =	vsub.f32 v54, v55;
	v39 =	vmin.f32 v4, v49;
	(pc) =	sbr.rel @p1 .LBB2_5-.Ltmp5, $4  }
0x13d: {  	v34 =	vsub.f32 v57, v60;
	v23 =	vsub.f32 v58, v59;
	v41 =	vmax.f32 v6, v52  }
0x13e: {  	v35 =	vsub.f32 v62, v36;
	v25 =	vsub.f32 v25, v40;
	v42 =	vmin.f32 v4, v61  }
0x13f: {  	v36 =	vsub.f32 v44, v37;
	v40 =	vmax.f32 v6, v63;
	v29 =	vsub.f32 v29, v38  }
0x140: {  	s20 =	sadd.s32 $0xA, s20;
	v37 =	vsub.f32 v39, v41;
	v39 =	vmax.f32 v12, $9.999999930e-09;
	v38 =	vsub.f32 v42, v40  }
0x141: {  	v4 =	vmax.f32 v13, $9.999999930e-09;
	(erf) = vrcp.f32 v39;
	v6 =	vmax.f32 v15, $9.999999930e-09  }
0x142: {  	v7 =	vmax.f32 v18, $9.999999930e-09;
	v62 =	vmax.f32 v21, $9.999999930e-09;
	(erf) = vrcp.f32 v4  }
0x143: {  	v46 =	vmax.f32 v23, $9.999999930e-09;
	v4 =	vmax.f32 v17, $9.999999930e-09;
	(erf) = vrcp.f32 v6  }
0x144: {  	v47 =	vmax.f32 v29, $9.999999930e-09;
	v32 =	vmax.f32 v32, $0.0e+00;
	(erf) = vrcp.f32 v4  }
0x145: {  	v51 =	vmax.f32 v25, $9.999999930e-09;
	v36 =	vmax.f32 v36, $0.0e+00;
	(erf) = vrcp.f32 v7  }
0x146: {  	v63 =	vmax.f32 v38, $0.0e+00;
	v7 =	vmax.f32 v19, $9.999999930e-09;
	(erf) = vrcp.f32 v62  }
0x147: {  	v35 =	vmax.f32 v35, $0.0e+00;
	v33 =	vsub.f32 v33, v63;
	(erf) = vrcp.f32 v7  }
0x148: {  	v34 =	vmax.f32 v34, $0.0e+00;
	v48 =	vmax.f32 v37, $0.0e+00;
	(erf) = vrcp.f32 v46  }
0x149: {  	v50 =	vsub.f32 v31, v48;
	v49 =	vmax.f32 v33, $9.999999930e-09;
	(erf) = vrcp.f32 v47  }
0x14a: {  	v27 =	vsub.f32 v27, v36;
	v22 =	vsub.f32 v22, v35;
	(erf) = vrcp.f32 v49;
	v31 =	vpop (erf)  }
0x14b: {  	v6 =	vmax.f32 v24, $0.0e+00;
	v52 =	vmax.f32 v50, $9.999999930e-09;
	v38 =	vpop (erf);
	(erf) = vrcp.f32 v51  }
0x14c: {  	v20 =	vsub.f32 v20, v34;
	v10 =	vsub.f32 v10, v6;
	v37 =	vpop (erf);
	(erf) = vrcp.f32 v52  }
0x14d: {  	v16 =	vsub.f32 v16, v32;
	v40 =	vmax.f32 v27, $9.999999930e-09;
	v7 =	vmax.f32 v26, $0.0e+00;
	v39 =	vpop (erf)  }
0x14e: {  	v42 =	vmax.f32 v10, $9.999999930e-09;
	v11 =	vsub.f32 v11, v7;
	(erf) = vrcp.f32 v40;
	v41 =	vpop (erf)  }
0x14f: {  	v4 =	vmax.f32 v28, $0.0e+00;
	v43 =	vmax.f32 v22, $9.999999930e-09;
	(erf) = vrcp.f32 v42;
	v53 =	vpop (erf)  }
0x150: {  	v45 =	vmax.f32 v20, $9.999999930e-09;
	v44 =	vmax.f32 v11, $9.999999930e-09;
	(erf) = vrcp.f32 v43;
	v54 =	vpop (erf)  }
0x151: {  	v58 =	vmax.f32 v16, $9.999999930e-09;
	v26 =	vmax.f32 v30, $0.0e+00;
	(erf) = vrcp.f32 v44;
	v55 =	vpop (erf)  }
0x152: {  	v57 =	vsub.f32 v29, v33;
	v14 =	vsub.f32 v14, v26;
	(erf) = vrcp.f32 v45;
	v56 =	vpop (erf)  }
0x153: {  	v9 =	vsub.f32 v9, v4;
	v61 =	vsub.f32 v25, v50;
	(erf) = vrcp.f32 v58;
	v59 =	vpop (erf)  }
0x154: {  	v60 =	vmax.f32 v14, $9.999999930e-09;
	v29 =	vmul.f32 v57, v56;
	v28 =	vmul.f32 v59, v63;
	v62 =	vpop (erf)  }
0x155: {  	v44 =	vmax.f32 v9, $9.999999930e-09;
	v63 =	vsub.f32 v23, v27;
	(erf) = vrcp.f32 v60;
	v45 =	vpop (erf)  }
0x156: {  	v25 =	vmul.f32 v61, v62;
	v28 =	vsub.f32 v28, v29;
	v24 =	vmul.f32 v45, v48  }
0x157: {  	v46 =	vsub.f32 v19, v22;
	(erf) = vrcp.f32 v44;
	v23 =	vmul.f32 v63, v55;
	v47 =	vpop (erf)  }
0x158: {  	v22 =	vmul.f32 v47, v36;
	v48 =	vpop (erf);
	vm0 =	vgt.f32 v28, v8;
	v24 =	vsub.f32 v24, v25  }
0x159: {  	v20 =	vsub.f32 v21, v20;
	v19 =	vmul.f32 v46, v54;
	v49 =	vpop (erf);
	v8 =	vsel vm0, v28, v8  }
0x15a: {  	v22 =	vsub.f32 v22, v23;
	v21 =	vmul.f32 v49, v35;
	v50 =	vpop (erf);
	vm1 =	vgt.f32 v24, v8  }
0x15b: {  	v16 =	vsub.f32 v18, v16;
	v51 =	vmul.f32 v20, v53;
	v52 =	vpop (erf);
	v8 =	vsel vm1, v24, v8  }
0x15c: {  	v19 =	vsub.f32 v21, v19;
	v20 =	vmul.f32 v52, v34;
	vm2 =	vgt.f32 v22, v8  }
0x15d: {  	v14 =	vsub.f32 v17, v14;
	v16 =	vmul.f32 v16, v41;
	v53 =	vpop (erf);
	v8 =	vsel vm2, v22, v8  }
0x15e: {  	v17 =	vmul.f32 v53, v32;
	v18 =	vsub.f32 v20, v51;
	vm3 =	vgt.f32 v19, v8  }
0x15f: {  	v14 =	vmul.f32 v14, v39;
	v9 =	vsub.f32 v15, v9;
	v54 =	vpop (erf);
	v8 =	vsel vm3, v19, v8  }
0x160: {  	v16 =	vsub.f32 v17, v16;
	v15 =	vmul.f32 v54, v26;
	vm4 =	vgt.f32 v18, v8  }
0x161: {  	v11 =	vsub.f32 v13, v11;
	v9 =	vmul.f32 v9, v37;
	v55 =	vpop (erf);
	v8 =	vsel vm4, v18, v8  }
0x162: {  	v4 =	vmul.f32 v55, v4;
	v14 =	vsub.f32 v15, v14;
	vm5 =	vgt.f32 v16, v8  }
0x163: {  	v10 =	vsub.f32 v12, v10;
	v11 =	vmul.f32 v11, v38;
	v8 =	vsel vm5, v16, v8  }
0x164: {  	v7 =	vmul.f32 v50, v7;
	v4 =	vsub.f32 v4, v9;
	vm6 =	vgt.f32 v14, v8  }
0x165: {  	v56 =	vmul.f32 v10, v31;
	v8 =	vsel vm6, v14, v8  }
0x166: {  	v6 =	vmul.f32 v48, v6;
	v7 =	vsub.f32 v7, v11;
	vm7 =	vgt.f32 v4, v8  }
0x167: {  	v4 =	vsel vm7, v4, v8  }
0x168: {  	v6 =	vsub.f32 v6, v56;
	vm8 =	vgt.f32 v7, v4  }
0x169: {  	p1 =	seq.s32 s30, $0x0;
	v4 =	vsel vm8, v7, v4  }
0x16a: {  	s0 =	simm.s32 @!p1 $0x2;
	vm9 =	vgt.f32 v6, v4  }
0x16b: {  	_ =	swait.ge @!p1 [sflag:s0], $0x20;
	v6 =	vsel vm9, v6, v4;
	v4 =	vadd.s32 $0xF, v1  }
0x16c: {  	[sflag:s0] =	ssyncset.done @!p1 $0x0;
	v7 =	vperm.xlane v6, v4  }
0x16d: {  	[sflag:s0] =	ssyncadd.s32 @!p1 $0xFFFFFFE0  }
0x16e: {  	[bflag:$0x0] =	sbarrier.arrive $0xFFFF;
	v7 =	vmax.f32 v6, v7  }
0x16f: {  	(v2sf) =	vpush v7, $0x0  }
0x170: {  	(v2sf) =	vpush v7, $0x1  }
0x171: {  	(v2sf) =	vpush v7, $0x2  }
0x172: {  	(v2sf) =	vpush v7, $0x3  }
0x173: {  	(v2sf) =	vpush v7, $0x4  }
0x174: {  	(v2sf) =	vpush v7, $0x5  }
0x175: {  	(v2sf) =	vpush v7, $0x6  }
0x176: {  	(v2sf) =	vpush v7, $0x7;
	_ =	sdelay $0x5  }
0x177: {  	s19 =	sadd.s32 $0x1, s31;
	v5 =	vsel vm0, s31, v5  }
0x178: {  	s20 =	sadd.s32 $0x2, s31;
	v5 =	vsel vm1, s19, v5  }
0x179: {  	s21 =	sadd.s32 $0x3, s31;
	v5 =	vsel vm2, s20, v5;
	s1 =	spop (v2sf)  }
0x17a: {  	s5 =	sadd.s32 $0x4, s31;
	v5 =	vsel vm3, s21, v5;
	s19 =	spop (v2sf)  }
0x17b: {  	s6 =	sadd.s32 $0x5, s31;
	v5 =	vsel vm4, s5, v5;
	s1 =	smax.f32 s1, s19;
	s8 =	spop (v2sf)  }
0x17c: {  	s17 =	sadd.s32 $0x6, s31;
	v5 =	vsel vm5, s6, v5;
	s1 =	smax.f32 s1, s8;
	s18 =	spop (v2sf)  }
0x17d: {  	s20 =	sadd.s32 $0x7, s31;
	v5 =	vsel vm6, s17, v5;
	s1 =	smax.f32 s1, s18;
	s21 =	spop (v2sf)  }
0x17e: {  	s5 =	sadd.s32 $0x8, s31;
	v5 =	vsel vm7, s20, v5;
	s1 =	smax.f32 s1, s21;
	s6 =	spop (v2sf)  }
0x17f: {  	v5 =	vsel vm8, s5, v5;
	s8 =	sadd.s32 $0x9, s31;
	s1 =	smax.f32 s1, s6;
	s17 =	spop (v2sf)  }
0x180: {  	v5 =	vsel vm9, s8, v5;
	s18 =	smax.f32 s1, s17;
	s19 =	spop (v2sf)  }
0x181: {  	v5 =	vshll.u32 v5, $0x4;
	s0 =	smax.f32 s18, s19  }
0x182: {  	v5 =	vor.u32 v0, v5;
	vm11 =	veq.f32 v6, s0  }
0x183: {  	v5 =	vnsel vm11, $0x40000000, v5  }
0x184: {  	v6 =	vperm.xlane v5, v4;
	_ =	sdelay $0x1  }
0x185: {  	vm0 =	vlt.s32 v5, v6  }
0x186: {  	v5 =	vsel vm0, v5, v6  }
0x187: {  	(v2sf) =	vpush v5, $0x0  }
0x188: {  	(v2sf) =	vpush v5, $0x1  }
0x189: {  	(v2sf) =	vpush v5, $0x2  }
0x18a: {  	(v2sf) =	vpush v5, $0x3  }
0x18b: {  	(v2sf) =	vpush v5, $0x4  }
0x18c: {  	(v2sf) =	vpush v5, $0x5  }
0x18d: {  	(v2sf) =	vpush v5, $0x6  }
0x18e: {  	(v2sf) =	vpush v5, $0x7  }
0x18f: {  	s20 =	sshll.u32 s30, $0xB  }
0x190: {  	s31 =	sand.u32 $0x800, s20  }
0x191: {  	s1 =	sor.u32 s7, s31  }
0x192: {  	s1 =	sxor.u32 $0x800, s1  }
0x193: {  	s20 =	sshrl.u32 s1, $0x2  }
0x194: {  	s20 =	sadd.s32 s20, s2  }
0x195: {  	[tilespmem:s25], [sflag:$0x3] =	stream.linear.gather [spmem:s20], $0x80, $0x38;
	[tilespmem:$0x1340] =	vst v63  }
0x196: {  	s17 =	spop (v2sf)  }
0x197: {  	s18 =	spop (v2sf)  }
0x198: {  	s5 =	spop (v2sf)  }
0x199: {  	s6 =	spop (v2sf)  }
0x19a: {  	s21 =	spop (v2sf)  }
0x19b: {  	s19 =	spop (v2sf)  }
0x19c: {  	s1 =	spop (v2sf)  }
0x19d: {  	s20 =	spop (v2sf)  }
0x19e: {  	_ =	swait.ge [sflag:s26], $0x80  }
0x19f: {  	[sflag:s26] =	ssyncset.done $0x0  }
0x1a0: {  	[sflag:s26] =	ssyncadd.s32 $0xFFFFFF80  }
0x1a1: {  	v5 =	vld [tilespmem:$0x1280]  }
0x1a2: {  	v6 =	vld [tilespmem:$0x12A0]  }
0x1a3: {  	v7 =	vld [tilespmem:$0x12C0]  }
0x1a4: {  	v57 =	vld [tilespmem:$0x12E0]  }
0x1a5: {  	v58 =	vld [tilespmem:$0x1290]  }
0x1a6: {  	v59 =	vld [tilespmem:$0x12B0]  }
0x1a7: {  	v60 =	vld [tilespmem:$0x12D0]  }
0x1a8: {  	v61 =	vld [tilespmem:$0x12F0]  }
0x1a9: {  	v62 =	vmax.f32 v5, v6;
	v63 =	vmax.f32 v7, v57  }
0x1aa: {  	v13 =	vmax.f32 v62, v63  }
0x1ab: {  	vm12 =	veq.f32 v5, v13;
	vm13 =	veq.f32 v6, v13  }
0x1ac: {  	vm14 =	veq.f32 v7, v13;
	vm15 =	veq.f32 v57, v13;
	v5 =	vnsel vm12, $0x4E800000, v58  }
0x1ad: {  	v6 =	vnsel vm13, $0x4E800000, v59;
	v7 =	vnsel vm14, $0x4E800000, v60;
	v8 =	vnsel vm15, $0x4E800000, v61  }
0x1ae: {  	v5 =	vmin.f32 v5, v6;
	v6 =	vmin.f32 v7, v8  }
0x1af: {  	v5 =	vmin.f32 v5, v6  }
0x1b0: {  	(v2sf) =	vpush v5, $0x0;
	_ =	sdelay $0xa  }
0x1b1: {  	p1 =	seq.s32 @!p0 s30, $0x0  }
0x1b2: {  	p1 =	por p1, p0  }
0x1b3: {  	v5 =	vld @!p1 [tilespmem:s30+$0x10FF];
	_ =	sdelay $0x1  }
0x1b4: {  	s8 =	spop (v2sf)  }
0x1b5: {  	v6 =	vlaneseq.u32 @!p1;
	s8 =	scvt.f32.s32 s8  }
0x1b6: {  	p2 =	slt.s32 s17, s18;
	vm0 =	veq.s32 @!p1 v6, $0x0  }
0x1b7: {  	s18 =	smov.u32 @p2 s17;
	v5 =	vsel @!p1 vm0, s8, v5  }
0x1b8: {  	p2 =	slt.s32 s18, s5;
	[tilespmem:s30+$0x10FF] =	vst @!p1 v5;
	v5 =	vld @!p1 [tilespmem:s30+$0x117F]  }
0x1b9: {  	s5 =	smov.u32 @p2 s18  }
0x1ba: {  	p3 =	slt.s32 s5, s6  }
0x1bb: {  	p2 =	sne.s32 s30, $0x0;
	s6 =	smov.u32 @p3 s5  }
0x1bc: {  	p3 =	slt.s32 s6, s21;
	s8 =	simm.s32 @!p2 $0xFFFFFFFF;
	vm0 =	vmmov @!p1 $0x1  }
0x1bd: {  	s21 =	smov.u32 @p3 s6;
	s5 =	ssub.s32 s8, s4;
	v5 =	vsel @!p1 vm0, v13, v5  }
0x1be: {  	p2 =	sgt.u32 s5, $0x4FF;
	[tilespmem:s30+$0x117F] =	vst @!p1 v5;
	p1 =	slt.s32 s21, s19  }
0x1bf: {  	s5 =	sand.u32 @!p2 $0x780, s5;
	s6 =	sand.u32 @!p2 $0x7F, s8;
	s19 =	smov.u32 @p1 s21  }
0x1c0: {  	s5 =	sor.u32 @!p2 s6, s5;
	p1 =	slt.s32 s19, s1  }
0x1c1: {  	v5 =	vld @!p2 [tilespmem:s5+$0x500];
	s1 =	smov.u32 @p1 s19  }
0x1c2: {  	v6 =	vld @!p2 [tilespmem:s5+$0xA80];
	p1 =	slt.s32 s1, s20  }
0x1c3: {  	s20 =	smov.u32 @p1 s1  }
0x1c4: {  	v7 =	vlaneseq.u32 @!p2;
	s1 =	sadd.s32 s4, s20  }
0x1c5: {  	vm0 =	veq.s32 @!p2 v7, $0x0;
	p1 =	sne.s32 s1, s8  }
.Ltmp6:
0x1c6: {  	v5 =	vsel @!p2 vm0, $0xFF800000, v5;
	(pc) =	sbr.rel @p1 .LBB2_10-.Ltmp6, $4  }
0x1c7: {  	[tilespmem:s5+$0x500] =	vst @!p2 v5;
	v5 =	vsel @!p2 vm0, $0xFF800000, v6;
	s21 =	scvt.s32.f32 s1  }
0x1c8: {  	v6 =	vmov s0;
	[tilespmem:s5+$0xA80] =	vst @!p2 v5  }
0x1c9: {  	[tilespmem:$0x1200] =	vst v6;
	v5 =	vmov s21  }
0x1ca: {  	[tilespmem:$0x1210] =	vst v5  }
0x1cb: {  	v5 =	vld [tilespmem:s30+$0x1000]  }
0x1cc: {  	v6 =	vld [tilespmem:s30+$0x1080];
	s0 =	simm.s32 $0xAD0  }
0x1cd: {  	v10 =	vld [tilespmem:s0+$0x40]  }
0x1ce: {  	s19 =	simm.s32 $0x50;
	v12 =	vld [tilespmem:s0+$0x30]  }
0x1cf: {  	s20 =	simm.s32 $0x550;
	v13 =	vld [tilespmem:s19+$0x40]  }
0x1d0: {  	v14 =	vld [tilespmem:s20+$0x40]  }
0x1d1: {  	v15 =	vld [tilespmem:s0+$0x20]  }
0x1d2: {  	v16 =	vld [tilespmem:s19+$0x30]  }
0x1d3: {  	v17 =	vld [tilespmem:s20+$0x30]  }
0x1d4: {  	v18 =	vld [tilespmem:s0+$0x10]  }
0x1d5: {  	v19 =	vld [tilespmem:s19+$0x20]  }
0x1d6: {  	v20 =	vld [tilespmem:s20+$0x20];
	(v2sf) =	vpush v5, $0x0  }
0x1d7: {  	v22 =	vld [tilespmem:s19+$0x10];
	(v2sf) =	vpush v6, $0x0  }
0x1d8: {  	v25 =	vld [tilespmem:s19+$0x0]  }
0x1d9: {  	v28 =	vld [tilespmem:s19+$0xFFFFFFF0]  }
0x1da: {  	v34 =	vld [tilespmem:s19+$0xFFFFFFE0]  }
0x1db: {  	v43 =	vld [tilespmem:s19+$0xFFFFFFD0];
	v7 =	vbroadcast v5, $0x0  }
0x1dc: {  	v9 =	vimm.f32 $-Inf;
	v50 =	vld [tilespmem:s19+$0xFFFFFFC0];
	v5 =	vimm.s32 $0x0;
	v6 =	vbroadcast v6, $0x0  }
0x1dd: {  	v23 =	vld [tilespmem:s20+$0x10];
	v30 =	vmin.f32 v7, v13;
	v35 =	vmin.f32 v7, v16;
	v37 =	vmax.f32 v7, v13  }
0x1de: {  	v49 =	vld [tilespmem:s20+$0xFFFFFFC0];
	v39 =	vmin.f32 v7, v19;
	v42 =	vmax.f32 v7, v16;
	v45 =	vmin.f32 v7, v25  }
0x1df: {  	v13 =	vld [tilespmem:s20+$0xFFFFFFE0];
	v46 =	vmax.f32 v7, v19;
	v48 =	vmax.f32 v7, v22;
	v52 =	vmax.f32 v7, v25  }
0x1e0: {  	v16 =	vld [tilespmem:s20+$0xFFFFFFD0];
	v53 =	vmin.f32 v7, v34;
	v56 =	vmin.f32 v7, v43;
	v57 =	vmax.f32 v7, v28  }
0x1e1: {  	v58 =	vld [tilespmem:s20+$0xFFFFFFB0];
	v60 =	vmax.f32 v7, v34;
	v63 =	vmin.f32 v7, v50;
	v29 =	vmax.f32 v6, v14  }
0x1e2: {  	v61 =	vld [tilespmem:s19+$0xFFFFFFB0];
	v33 =	vmax.f32 v6, v17;
	v36 =	vmin.f32 v6, v14;
	v38 =	vmax.f32 v6, v20  }
0x1e3: {  	v21 =	vld [tilespmem:s0+$0x0];
	v40 =	vmax.f32 v6, v23;
	v20 =	vmin.f32 v6, v20;
	v62 =	vmax.f32 v6, v49  }
0x1e4: {  	v24 =	vld [tilespmem:s0+$0xFFFFFFF0];
	v49 =	vmin.f32 v6, v49;
	v25 =	vsub.f32 v36, v37;
	v37 =	vmax.f32 v7, v43  }
0x1e5: {  	v26 =	vld [tilespmem:s20+$0x0];
	v51 =	vmax.f32 v6, v13;
	v55 =	vmax.f32 v6, v16;
	v59 =	vmin.f32 v6, v13;
	s1 =	spop (v2sf)  }
0x1e6: {  	v27 =	vld [tilespmem:s0+$0xFFFFFFE0];
	v13 =	vsub.f32 v29, v30;
	v2 =	vmin.f32 v6, v16;
	v16 =	vsub.f32 v38, v39;
	s5 =	spop (v2sf)  }
0x1e7: {  	v31 =	vld [tilespmem:s20+$0xFFFFFFF0];
	v30 =	vmax.f32 v6, v58;
	v29 =	vsub.f32 v20, v46;
	v46 =	vmin.f32 v7, v61;
	s1 =	ssub.f32 s5, s1  }
0x1e8: {  	v32 =	vld [tilespmem:s0+$0xFFFFFFD0];
	v20 =	vsub.f32 v51, v53;
	v53 =	vmax.f32 v7, v50;
	v36 =	vsub.f32 v59, v60  }
0x1e9: {  	v19 =	vld [tilespmem:s0+$0xFFFFFFB0];
	v30 =	vsub.f32 v30, v46;
	v37 =	vsub.f32 v2, v37;
	v8 =	vmov s1  }
0x1ea: {  	v14 =	vld [tilespmem:s0+$0xFFFFFFC0];
	v41 =	vmin.f32 v6, v17;
	v38 =	vsub.f32 v49, v53;
	v11 =	vadd.f32 v10, v8  }
0x1eb: {  	v44 =	vmax.f32 v6, v26;
	v12 =	vadd.f32 v12, v8;
	v10 =	vadd.f32 v15, v8  }
0x1ec: {  	v47 =	vmin.f32 v6, v23;
	v15 =	vadd.f32 v18, v8;
	v17 =	vadd.f32 v21, v8  }
0x1ed: {  	v26 =	vmin.f32 v6, v26;
	v21 =	vadd.f32 v24, v8;
	v23 =	vadd.f32 v27, v8  }
0x1ee: {  	v24 =	vmin.f32 v7, v28;
	v28 =	vadd.f32 v32, v8;
	v34 =	vadd.f32 v19, v8  }
0x1ef: {  	v54 =	vmin.f32 v6, v31;
	v32 =	vadd.f32 v14, v8;
	v14 =	vsub.f32 v33, v35  }
0x1f0: {  	v18 =	vmin.f32 v7, v22;
	v27 =	vsub.f32 v41, v42;
	v19 =	vsub.f32 v44, v45  }
0x1f1: {  	v22 =	vmax.f32 v6, v31;
	v31 =	vsub.f32 v47, v48;
	v33 =	vsub.f32 v26, v52  }
0x1f2: {  	v58 =	vmin.f32 v6, v58;
	v35 =	vsub.f32 v54, v57;
	v26 =	vsub.f32 v62, v63  }
0x1f3: {  	v63 =	vmax.f32 v7, v61;
	v18 =	vsub.f32 v40, v18;
	v22 =	vsub.f32 v22, v24  }
0x1f4: {  	s21 =	simm.s32 $0xA;
	s1 =	simm.s32 $0x0;
	v24 =	vsub.f32 v55, v56;
	v39 =	vsub.f32 v58, v63;
	v40 =	vmax.f32 v13, $9.999999930e-09  }
.LBB2_8:
0x1f5: {  	p1 =	slt.u32 s21, $0x46;
	v2 =	vmax.f32 v16, $9.999999930e-09;
	v41 =	vmax.f32 v14, $9.999999930e-09;
	v25 =	vmax.f32 v25, $0.0e+00  }
0x1f6: {  	v42 =	vmax.f32 v18, $9.999999930e-09;
	v29 =	vmax.f32 v29, $0.0e+00;
	v27 =	vmax.f32 v27, $0.0e+00  }
0x1f7: {  	v43 =	vmax.f32 v19, $9.999999930e-09;
	v31 =	vmax.f32 v31, $0.0e+00;
	(erf) = vrcp.f32 v40  }
0x1f8: {  	v33 =	vmax.f32 v33, $0.0e+00;
	v40 =	vmax.f32 v22, $9.999999930e-09;
	(erf) = vrcp.f32 v41  }
0x1f9: {  	v35 =	vmax.f32 v35, $0.0e+00;
	v41 =	vmax.f32 v20, $9.999999930e-09;
	(erf) = vrcp.f32 v2  }
0x1fa: {  	v36 =	vmax.f32 v36, $0.0e+00;
	v2 =	vmax.f32 v24, $9.999999930e-09;
	(erf) = vrcp.f32 v42  }
0x1fb: {  	v37 =	vmax.f32 v37, $0.0e+00;
	v42 =	vmax.f32 v26, $9.999999930e-09;
	(erf) = vrcp.f32 v43  }
0x1fc: {  	v39 =	vmax.f32 v39, $0.0e+00;
	v43 =	vmax.f32 v30, $9.999999930e-09;
	(erf) = vrcp.f32 v40  }
0x1fd: {  	v38 =	vmax.f32 v38, $0.0e+00;
	v34 =	vsub.f32 v34, v39;
	(erf) = vrcp.f32 v41  }
0x1fe: {  	v40 =	vsub.f32 v12, v27;
	v41 =	vsub.f32 v11, v25;
	(erf) = vrcp.f32 v2  }
0x1ff: {  	v32 =	vsub.f32 v32, v38;
	v2 =	vmax.f32 v34, $9.999999930e-09;
	(erf) = vrcp.f32 v43  }
0x200: {  	v15 =	vsub.f32 v15, v31;
	v43 =	vsub.f32 v10, v29;
	(erf) = vrcp.f32 v2;
	v10 =	vpop (erf)  }
0x201: {  	v28 =	vsub.f32 v28, v37;
	v11 =	vmax.f32 v32, $9.999999930e-09;
	(erf) = vrcp.f32 v42;
	v12 =	vpop (erf)  }
0x202: {  	v21 =	vsub.f32 v21, v35;
	v17 =	vsub.f32 v17, v33;
	(erf) = vrcp.f32 v11;
	v2 =	vpop (erf)  }
0x203: {  	v23 =	vsub.f32 v23, v36;
	v44 =	vmax.f32 v28, $9.999999930e-09;
	v11 =	vsub.f32 v13, v41;
	v13 =	vpop (erf)  }
0x204: {  	v14 =	vsub.f32 v14, v40;
	v46 =	vmax.f32 v41, $9.999999930e-09;
	(erf) = vrcp.f32 v44;
	v42 =	vpop (erf)  }
0x205: {  	v16 =	vsub.f32 v16, v43;
	v44 =	vmax.f32 v23, $9.999999930e-09;
	v45 =	vpop (erf);
	(erf) = vrcp.f32 v46  }
0x206: {  	v18 =	vsub.f32 v18, v15;
	v40 =	vmax.f32 v40, $9.999999930e-09;
	(erf) = vrcp.f32 v44;
	v41 =	vpop (erf)  }
0x207: {  	v19 =	vsub.f32 v19, v17;
	v44 =	vmax.f32 v21, $9.999999930e-09;
	v46 =	vpop (erf);
	(erf) = vrcp.f32 v40  }
0x208: {  	v17 =	vmax.f32 v17, $9.999999930e-09;
	v40 =	vsub.f32 v30, v34;
	v34 =	vpop (erf);
	(erf) = vrcp.f32 v44  }
0x209: {  	v15 =	vmax.f32 v15, $9.999999930e-09;
	v21 =	vsub.f32 v22, v21;
	v22 =	vpop (erf);
	(erf) = vrcp.f32 v17  }
0x20a: {  	v26 =	vsub.f32 v26, v32;
	v17 =	vmul.f32 v22, v39;
	v22 =	vmul.f32 v40, v34;
	v30 =	vpop (erf)  }
0x20b: {  	v24 =	vsub.f32 v24, v28;
	v28 =	vmax.f32 v43, $9.999999930e-09;
	v32 =	vpop (erf);
	(erf) = vrcp.f32 v15  }
0x20c: {  	v15 =	vsub.f32 v17, v22;
	v17 =	vmul.f32 v32, v38;
	v22 =	vmul.f32 v26, v30  }
0x20d: {  	s0 =	sadd.s32 $0xA0, s0;
	v32 =	vmul.f32 v24, v46;
	v30 =	vsub.f32 v20, v23;
	v23 =	vpop (erf);
	(erf) = vrcp.f32 v28  }
0x20e: {  	v26 =	vld [tilespmem:s0+$0x40];
	vm0 =	vgt.f32 v15, v9;
	v17 =	vsub.f32 v17, v22;
	v22 =	vmul.f32 v23, v37;
	v23 =	vpop (erf)  }
0x20f: {  	s19 =	sadd.s32 $0xA0, s19;
	v28 =	vld [tilespmem:s0+$0x30];
	v9 =	vsel vm0, v15, v9;
	v5 =	vsel vm0, s1, v5;
	v15 =	vmul.f32 v30, v41;
	v20 =	vpop (erf)  }
0x210: {  	s5 =	sadd.s32 $0x1, s1;
	s20 =	sadd.s32 $0xA0, s20;
	v30 =	vld [tilespmem:s19+$0x40];
	vm0 =	vgt.f32 v17, v9;
	v22 =	vsub.f32 v22, v32;
	v20 =	vmul.f32 v20, v36;
	v24 =	vpop (erf)  }
0x211: {  	v32 =	vld [tilespmem:s20+$0x40];
	v9 =	vsel vm0, v17, v9;
	v5 =	vsel vm0, s5, v5;
	v17 =	vmul.f32 v21, v45;
	v21 =	vpop (erf)  }
0x212: {  	s5 =	sadd.s32 $0x2, s1;
	v34 =	vld [tilespmem:s0+$0x20];
	vm0 =	vgt.f32 v22, v9;
	v15 =	vsub.f32 v20, v15;
	v20 =	vmul.f32 v21, v35;
	v21 =	vpop (erf)  }
0x213: {  	v19 =	vmul.f32 v19, v42;
	v35 =	vld [tilespmem:s19+$0x30];
	v9 =	vsel vm0, v22, v9;
	v5 =	vsel vm0, s5, v5  }
0x214: {  	s5 =	sadd.s32 $0x3, s1;
	v36 =	vmul.f32 v21, v33;
	v22 =	vld [tilespmem:s20+$0x30];
	vm0 =	vgt.f32 v15, v9;
	v17 =	vsub.f32 v20, v17;
	v21 =	vpop (erf)  }
0x215: {  	v13 =	vmul.f32 v18, v13;
	v33 =	vld [tilespmem:s0+$0x10];
	v9 =	vsel vm0, v15, v9;
	v5 =	vsel vm0, s5, v5  }
0x216: {  	s5 =	sadd.s32 $0x4, s1;
	v15 =	vsub.f32 v36, v19;
	v19 =	vmul.f32 v21, v31;
	v18 =	vld [tilespmem:s19+$0x20];
	vm0 =	vgt.f32 v17, v9;
	v20 =	vpop (erf)  }
0x217: {  	v2 =	vmul.f32 v16, v2;
	v21 =	vld [tilespmem:s20+$0x20];
	v9 =	vsel vm0, v17, v9;
	v5 =	vsel vm0, s5, v5  }
0x218: {  	s5 =	sadd.s32 $0x5, s1;
	v13 =	vsub.f32 v19, v13;
	v17 =	vmul.f32 v20, v29;
	v16 =	vld [tilespmem:s0+$0x0];
	vm0 =	vgt.f32 v15, v9  }
0x219: {  	v12 =	vmul.f32 v14, v12;
	v19 =	vld [tilespmem:s19+$0x10];
	v9 =	vsel vm0, v15, v9;
	v5 =	vsel vm0, s5, v5  }
0x21a: {  	s5 =	sadd.s32 $0x6, s1;
	v2 =	vsub.f32 v17, v2;
	v15 =	vmul.f32 v24, v27;
	v14 =	vld [tilespmem:s20+$0x10];
	vm0 =	vgt.f32 v13, v9  }
0x21b: {  	v10 =	vmul.f32 v11, v10;
	v20 =	vld [tilespmem:s0+$0xFFFFFFF0];
	v9 =	vsel vm0, v13, v9;
	v5 =	vsel vm0, s5, v5  }
0x21c: {  	s5 =	sadd.s32 $0x7, s1;
	v11 =	vsub.f32 v15, v12;
	v12 =	vmul.f32 v23, v25;
	v13 =	vld [tilespmem:s19+$0x0];
	vm0 =	vgt.f32 v2, v9  }
0x21d: {  	v23 =	vld [tilespmem:s20+$0x0];
	v2 =	vsel vm0, v2, v9;
	v5 =	vsel vm0, s5, v5  }
0x21e: {  	v25 =	vmax.f32 v6, v32;
	s5 =	sadd.s32 $0x8, s1;
	v9 =	vsub.f32 v12, v10;
	v24 =	vld [tilespmem:s0+$0xFFFFFFE0];
	vm0 =	vgt.f32 v11, v2  }
0x21f: {  	v29 =	vmin.f32 v7, v30;
	v27 =	vld [tilespmem:s19+$0xFFFFFFF0];
	v2 =	vsel vm0, v11, v2;
	v5 =	vsel vm0, s5, v5  }
0x220: {  	v36 =	vmax.f32 v6, v22;
	v11 =	vadd.f32 v26, v8;
	s5 =	sadd.s32 $0x9, s1;
	s1 =	smov.u32 s21;
	v31 =	vld [tilespmem:s20+$0xFFFFFFF0];
	vm0 =	vgt.f32 v9, v2  }
0x221: {  	v37 =	vmin.f32 v7, v35;
	v26 =	vld [tilespmem:s0+$0xFFFFFFD0];
	v9 =	vsel vm0, v9, v2;
	v5 =	vsel vm0, s5, v5  }
0x222: {  	v38 =	vmin.f32 v6, v32;
	v30 =	vmax.f32 v7, v30;
	v12 =	vadd.f32 v28, v8;
	v2 =	vld [tilespmem:s19+$0xFFFFFFE0]  }
0x223: {  	v40 =	vmin.f32 v7, v18;
	v39 =	vmax.f32 v6, v21;
	v10 =	vadd.f32 v34, v8;
	v32 =	vld [tilespmem:s20+$0xFFFFFFE0]  }
0x224: {  	v35 =	vmax.f32 v7, v35;
	v22 =	vmin.f32 v6, v22;
	v42 =	vmax.f32 v6, v14;
	v41 =	vld [tilespmem:s0+$0xFFFFFFC0]  }
0x225: {  	v15 =	vadd.f32 v33, v8;
	v44 =	vmin.f32 v6, v21;
	v33 =	vmin.f32 v7, v19;
	v43 =	vld [tilespmem:s19+$0xFFFFFFD0]  }
0x226: {  	v48 =	vmax.f32 v7, v18;
	v47 =	vmin.f32 v7, v13;
	v46 =	vmax.f32 v6, v23;
	v45 =	vld [tilespmem:s20+$0xFFFFFFD0]  }
0x227: {  	v17 =	vadd.f32 v16, v8;
	v50 =	vmax.f32 v7, v19;
	v49 =	vmin.f32 v6, v14;
	v18 =	vld [tilespmem:s0+$0xFFFFFFB0]  }
0x228: {  	v21 =	vadd.f32 v20, v8;
	v52 =	vmin.f32 v7, v27;
	v20 =	vmax.f32 v6, v31;
	v51 =	vld [tilespmem:s20+$0xFFFFFFC0]  }
0x229: {  	v56 =	vmax.f32 v7, v13;
	v55 =	vmin.f32 v6, v23;
	v54 =	vmax.f32 v6, v32;
	v53 =	vld [tilespmem:s19+$0xFFFFFFC0]  }
0x22a: {  	v23 =	vadd.f32 v24, v8;
	v57 =	vmin.f32 v6, v31;
	v24 =	vmin.f32 v7, v2  }
0x22b: {  	v60 =	vmax.f32 v7, v27;
	v59 =	vmin.f32 v7, v43;
	v58 =	vmax.f32 v6, v45  }
0x22c: {  	v28 =	vadd.f32 v26, v8;
	v2 =	vmax.f32 v7, v2;
	v62 =	vmin.f32 v6, v32;
	v61 =	vld [tilespmem:s20+$0xFFFFFFB0]  }
0x22d: {  	v32 =	vadd.f32 v41, v8;
	v34 =	vadd.f32 v18, v8;
	v63 =	vld [tilespmem:s19+$0xFFFFFFB0];
	v26 =	vmax.f32 v6, v51  }
0x22e: {  	v14 =	vsub.f32 v36, v37;
	v13 =	vsub.f32 v25, v29;
	v41 =	vmin.f32 v7, v53  }
0x22f: {  	v16 =	vsub.f32 v39, v40;
	v25 =	vsub.f32 v38, v30;
	v37 =	vmin.f32 v6, v45  }
0x230: {  	v27 =	vsub.f32 v22, v35;
	v38 =	vmax.f32 v7, v43;
	v18 =	vsub.f32 v42, v33  }
0x231: {  	v29 =	vsub.f32 v44, v48;
	v19 =	vsub.f32 v46, v47;
	v30 =	vmax.f32 v6, v61  }
0x232: {  	v31 =	vsub.f32 v49, v50;
	v22 =	vsub.f32 v20, v52;
	v39 =	vmin.f32 v7, v63  }
.Ltmp7:
0x233: {  	v20 =	vsub.f32 v54, v24;
	v33 =	vsub.f32 v55, v56;
	v40 =	vmin.f32 v6, v51;
	(pc) =	sbr.rel @p1 .LBB2_8-.Ltmp7, $4  }
0x234: {  	v35 =	vsub.f32 v57, v60;
	v24 =	vsub.f32 v58, v59;
	v42 =	vmax.f32 v7, v53  }
0x235: {  	v36 =	vsub.f32 v62, v2;
	v26 =	vsub.f32 v26, v41;
	v43 =	vmin.f32 v6, v61  }
0x236: {  	v37 =	vsub.f32 v37, v38;
	v2 =	vmax.f32 v7, v63;
	v30 =	vsub.f32 v30, v39  }
0x237: {  	s21 =	sadd.s32 $0xA, s21;
	v38 =	vsub.f32 v40, v42;
	v40 =	vmax.f32 v13, $9.999999930e-09;
	v39 =	vsub.f32 v43, v2  }
0x238: {  	v2 =	vmax.f32 v14, $9.999999930e-09;
	(erf) = vrcp.f32 v40;
	v6 =	vmax.f32 v16, $9.999999930e-09  }
0x239: {  	v7 =	vmax.f32 v19, $9.999999930e-09;
	v8 =	vmax.f32 v22, $9.999999930e-09;
	(erf) = vrcp.f32 v2  }
0x23a: {  	v48 =	vmax.f32 v20, $9.999999930e-09;
	v2 =	vmax.f32 v18, $9.999999930e-09;
	(erf) = vrcp.f32 v6  }
0x23b: {  	v50 =	vmax.f32 v24, $9.999999930e-09;
	v52 =	vmax.f32 v30, $9.999999930e-09;
	(erf) = vrcp.f32 v2  }
0x23c: {  	v33 =	vmax.f32 v33, $0.0e+00;
	v55 =	vmax.f32 v26, $9.999999930e-09;
	(erf) = vrcp.f32 v7  }
0x23d: {  	v37 =	vmax.f32 v37, $0.0e+00;
	v49 =	vmax.f32 v39, $0.0e+00;
	(erf) = vrcp.f32 v8  }
0x23e: {  	v36 =	vmax.f32 v36, $0.0e+00;
	v51 =	vsub.f32 v34, v49;
	(erf) = vrcp.f32 v48  }
0x23f: {  	v35 =	vmax.f32 v35, $0.0e+00;
	v53 =	vmax.f32 v38, $0.0e+00;
	(erf) = vrcp.f32 v50  }
0x240: {  	v54 =	vsub.f32 v32, v53;
	v34 =	vmax.f32 v51, $9.999999930e-09;
	(erf) = vrcp.f32 v52  }
0x241: {  	v28 =	vsub.f32 v28, v37;
	v23 =	vsub.f32 v23, v36;
	(erf) = vrcp.f32 v34;
	v32 =	vpop (erf)  }
0x242: {  	v6 =	vmax.f32 v25, $0.0e+00;
	v56 =	vmax.f32 v54, $9.999999930e-09;
	v38 =	vpop (erf);
	(erf) = vrcp.f32 v55  }
0x243: {  	v21 =	vsub.f32 v21, v35;
	v11 =	vsub.f32 v11, v6;
	v34 =	vpop (erf);
	(erf) = vrcp.f32 v56  }
0x244: {  	v17 =	vsub.f32 v17, v33;
	v57 =	vmax.f32 v28, $9.999999930e-09;
	v7 =	vmax.f32 v27, $0.0e+00;
	v39 =	vpop (erf)  }
0x245: {  	v12 =	vsub.f32 v12, v7;
	v42 =	vmax.f32 v11, $9.999999930e-09;
	(erf) = vrcp.f32 v57;
	v41 =	vpop (erf)  }
0x246: {  	v2 =	vmax.f32 v29, $0.0e+00;
	v43 =	vmax.f32 v23, $9.999999930e-09;
	(erf) = vrcp.f32 v42;
	v58 =	vpop (erf)  }
0x247: {  	v45 =	vmax.f32 v21, $9.999999930e-09;
	v44 =	vmax.f32 v12, $9.999999930e-09;
	(erf) = vrcp.f32 v43;
	v59 =	vpop (erf)  }
0x248: {  	v62 =	vmax.f32 v17, $9.999999930e-09;
	v27 =	vmax.f32 v31, $0.0e+00;
	(erf) = vrcp.f32 v44;
	v60 =	vpop (erf)  }
0x249: {  	v29 =	vsub.f32 v30, v51;
	v15 =	vsub.f32 v15, v27;
	(erf) = vrcp.f32 v45;
	v61 =	vpop (erf)  }
0x24a: {  	v10 =	vsub.f32 v10, v2;
	v46 =	vsub.f32 v26, v54;
	(erf) = vrcp.f32 v62;
	v63 =	vpop (erf)  }
0x24b: {  	v45 =	vmax.f32 v15, $9.999999930e-09;
	v29 =	vmul.f32 v29, v61;
	v25 =	vmul.f32 v63, v49;
	v47 =	vpop (erf)  }
0x24c: {  	v48 =	vsub.f32 v24, v28;
	v49 =	vmax.f32 v10, $9.999999930e-09;
	(erf) = vrcp.f32 v45;
	v50 =	vpop (erf)  }
0x24d: {  	v26 =	vmul.f32 v46, v47;
	v25 =	vsub.f32 v25, v29;
	v8 =	vmul.f32 v50, v53  }
0x24e: {  	v51 =	vsub.f32 v20, v23;
	v24 =	vmul.f32 v48, v60;
	(erf) = vrcp.f32 v49;
	v52 =	vpop (erf)  }
0x24f: {  	v23 =	vmul.f32 v52, v37;
	v53 =	vpop (erf);
	vm0 =	vgt.f32 v25, v9;
	v8 =	vsub.f32 v8, v26  }
0x250: {  	v21 =	vsub.f32 v22, v21;
	v20 =	vmul.f32 v51, v59;
	v54 =	vpop (erf);
	v9 =	vsel vm0, v25, v9  }
0x251: {  	v23 =	vsub.f32 v23, v24;
	v22 =	vmul.f32 v54, v36;
	v55 =	vpop (erf);
	vm1 =	vgt.f32 v8, v9  }
0x252: {  	v17 =	vsub.f32 v19, v17;
	v56 =	vmul.f32 v21, v58;
	v57 =	vpop (erf);
	v8 =	vsel vm1, v8, v9  }
0x253: {  	v20 =	vsub.f32 v22, v20;
	v19 =	vmul.f32 v57, v35;
	vm2 =	vgt.f32 v23, v8  }
0x254: {  	v17 =	vmul.f32 v17, v41;
	v15 =	vsub.f32 v18, v15;
	v58 =	vpop (erf);
	v8 =	vsel vm2, v23, v8  }
0x255: {  	v18 =	vmul.f32 v58, v33;
	v9 =	vsub.f32 v19, v56;
	vm3 =	vgt.f32 v20, v8  }
0x256: {  	v15 =	vmul.f32 v15, v39;
	v10 =	vsub.f32 v16, v10;
	v59 =	vpop (erf);
	v8 =	vsel vm3, v20, v8  }
0x257: {  	v17 =	vsub.f32 v18, v17;
	v16 =	vmul.f32 v59, v27;
	vm4 =	vgt.f32 v9, v8  }
0x258: {  	v12 =	vsub.f32 v14, v12;
	v61 =	vmul.f32 v10, v34;
	v60 =	vpop (erf);
	v8 =	vsel vm4, v9, v8  }
0x259: {  	v2 =	vmul.f32 v60, v2;
	v62 =	vsub.f32 v16, v15;
	vm5 =	vgt.f32 v17, v8  }
0x25a: {  	v11 =	vsub.f32 v13, v11;
	v12 =	vmul.f32 v12, v38;
	v8 =	vsel vm5, v17, v8  }
0x25b: {  	v7 =	vmul.f32 v55, v7;
	v2 =	vsub.f32 v2, v61;
	vm6 =	vgt.f32 v62, v8  }
0x25c: {  	v63 =	vmul.f32 v11, v32;
	v8 =	vsel vm6, v62, v8  }
0x25d: {  	v6 =	vmul.f32 v53, v6;
	v7 =	vsub.f32 v7, v12;
	vm8 =	vgt.f32 v2, v8  }
0x25e: {  	v2 =	vsel vm8, v2, v8  }
0x25f: {  	v6 =	vsub.f32 v6, v63;
	vm9 =	vgt.f32 v7, v2  }
0x260: {  	v2 =	vsel vm9, v7, v2  }
0x261: {  	vm7 =	vgt.f32 v6, v2  }
0x262: {  	v2 =	vsel vm7, v6, v2  }
0x263: {  	v6 =	vperm.xlane v2, v4;
	_ =	sdelay $0x1  }
0x264: {  	v6 =	vmax.f32 v2, v6  }
0x265: {  	(v2sf) =	vpush v6, $0x0  }
0x266: {  	(v2sf) =	vpush v6, $0x1  }
0x267: {  	(v2sf) =	vpush v6, $0x2  }
0x268: {  	(v2sf) =	vpush v6, $0x3  }
0x269: {  	(v2sf) =	vpush v6, $0x4  }
0x26a: {  	(v2sf) =	vpush v6, $0x5  }
0x26b: {  	(v2sf) =	vpush v6, $0x6  }
0x26c: {  	(v2sf) =	vpush v6, $0x7;
	_ =	sdelay $0x5  }
0x26d: {  	s0 =	sadd.s32 $0x1, s1;
	v5 =	vsel vm0, s1, v5  }
0x26e: {  	s18 =	sadd.s32 $0x2, s1;
	v5 =	vsel vm1, s0, v5  }
0x26f: {  	s19 =	sadd.s32 $0x3, s1;
	v5 =	vsel vm2, s18, v5;
	s5 =	spop (v2sf)  }
0x270: {  	s20 =	sadd.s32 $0x4, s1;
	v5 =	vsel vm3, s19, v5;
	s6 =	spop (v2sf)  }
0x271: {  	s21 =	sadd.s32 $0x5, s1;
	v5 =	vsel vm4, s20, v5;
	s5 =	smax.f32 s5, s6;
	s8 =	spop (v2sf)  }
0x272: {  	s17 =	sadd.s32 $0x6, s1;
	v5 =	vsel vm5, s21, v5;
	s5 =	smax.f32 s5, s8;
	s18 =	spop (v2sf)  }
0x273: {  	s19 =	sadd.s32 $0x7, s1;
	v5 =	vsel vm6, s17, v5;
	s5 =	smax.f32 s5, s18;
	s20 =	spop (v2sf)  }
0x274: {  	s21 =	sadd.s32 $0x8, s1;
	v5 =	vsel vm8, s19, v5;
	s5 =	smax.f32 s5, s20;
	s8 =	spop (v2sf)  }
0x275: {  	s17 =	sadd.s32 $0x9, s1;
	v5 =	vsel vm9, s21, v5;
	s18 =	smax.f32 s5, s8;
	s19 =	spop (v2sf)  }
0x276: {  	v5 =	vsel vm7, s17, v5;
	s20 =	smax.f32 s18, s19;
	s21 =	spop (v2sf)  }
0x277: {  	v5 =	vshll.u32 v5, $0x4;
	s0 =	smax.f32 s20, s21  }
0x278: {  	v5 =	vor.u32 v0, v5;
	vm15 =	veq.f32 v2, s0  }
0x279: {  	v2 =	vnsel vm15, $0x40000000, v5  }
0x27a: {  	v4 =	vperm.xlane v2, v4;
	_ =	sdelay $0x1  }
0x27b: {  	vm0 =	vlt.s32 v2, v4  }
0x27c: {  	v2 =	vsel vm0, v2, v4  }
0x27d: {  	(v2sf) =	vpush v2, $0x0  }
0x27e: {  	(v2sf) =	vpush v2, $0x1;
	_ =	sdelay $0x1  }
0x27f: {  	(v2sf) =	vpush v2, $0x2;
	_ =	sdelay $0x1  }
0x280: {  	(v2sf) =	vpush v2, $0x3;
	_ =	sdelay $0x1  }
0x281: {  	(v2sf) =	vpush v2, $0x4;
	_ =	sdelay $0x1  }
0x282: {  	(v2sf) =	vpush v2, $0x5;
	_ =	sdelay $0x1  }
0x283: {  	(v2sf) =	vpush v2, $0x6;
	_ =	sdelay $0x1  }
0x284: {  	(v2sf) =	vpush v2, $0x7;
	_ =	sdelay $0x1  }
0x285: {  	s1 =	spop (v2sf)  }
0x286: {  	s5 =	spop (v2sf)  }
0x287: {  	p1 =	slt.s32 s1, s5  }
0x288: {  	s5 =	smov.u32 @p1 s1;
	s1 =	spop (v2sf)  }
0x289: {  	p1 =	slt.s32 s5, s1  }
0x28a: {  	s1 =	smov.u32 @p1 s5;
	s5 =	spop (v2sf)  }
0x28b: {  	p1 =	slt.s32 s1, s5  }
0x28c: {  	s5 =	smov.u32 @p1 s1;
	s1 =	spop (v2sf)  }
0x28d: {  	p1 =	slt.s32 s5, s1  }
0x28e: {  	s1 =	smov.u32 @p1 s5;
	s5 =	spop (v2sf)  }
0x28f: {  	p1 =	slt.s32 s1, s5  }
0x290: {  	s5 =	smov.u32 @p1 s1;
	s1 =	spop (v2sf)  }
0x291: {  	p1 =	slt.s32 s5, s1  }
0x292: {  	s1 =	smov.u32 @p1 s5;
	s5 =	spop (v2sf)  }
0x293: {  	p1 =	slt.s32 s1, s5  }
0x294: {  	s5 =	smov.u32 @p1 s1  }
.Ltmp8:
0x295: {  	s1 =	sadd.s32 s4, s5;
	(pc) =	sbr.rel .LBB2_10-.Ltmp8, $4  }
0x296: {  	s1 =	scvt.s32.f32 s1  }
0x297: {  	v2 =	vmov s0  }
0x298: {  	[tilespmem:$0x1200] =	vst v2;
	v2 =	vmov s1  }
0x299: {  	[tilespmem:$0x1210] =	vst v2  }
.LBB2_12:
0x29a: {  	_ =	sfence.sel $0x180000  }
0x29b: {  	[bflag:$0x0] =	sbarrier.arrive $0xFFFF  }
0x29c: {  	_ =	strace $0x90000047  }
0x29d: {  	s0 =	stileid.u32;
	[bflag:$0x2] =	sbarrier.arrive $0xFFFF  }
0x29e: {  	p0 =	sne.s32 s0, $0x0;
	s0 =	rddreg [dreg:$0x4]  }
0x29f: {  	s0 =	sadd.s32 @!p0 $0x100000, s0  }
0x2a0: {  	[sflag:s0] =	ssyncadd.tile.s32 @!p0 $0x1;
	_ =	shalt  }
.Lfunc_end2:
_tile_overlayer_lowered:
.L_overlay_start_2:
0x2a1: {  	(tag) =	ssettag $0x2  }
0x2a2: {  	s0 =	rddreg [dreg:$0x0];
	s2 =	stileid.u32  }
0x2a3: {  	s1 =	rddreg [dreg:$0x1];
	p0 =	sne.s32 s2, $0x0  }
0x2a4: {  	s3 =	rddreg [dreg:$0x2];
	[bflag:$0x3] =	sbarrier.arrive $0xFFFF;
	s2 =	simm.s32 @!p0 $0x1C04  }
0x2a5: {  	[timem:s3], [sflag:s2] =	dma.local @!p0 [hbm:s0], s1  }
0x2a6: {  	s0 =	simm.s32 @!p0 $0x4  }
0x2a7: {  	_ =	swait.ge @!p0 [sflag:s0], s1  }
0x2a8: {  	s1 =	ssub.s32 @!p0 $0x0, s1;
	[sflag:s0] =	ssyncset.done @!p0 $0x0  }
0x2a9: {  	[sflag:s0] =	ssyncadd.s32 @!p0 s1  }
0x2aa: {  	[bflag:$0x3] =	sbarrier.arrive $0xFFFF  }
0x2ab: {  	_ =	shalt  }

</sc_bundles>
